<compile_context>
chip_gen: v7x
topology: tpu7x:2x2x1
jax: 0.10.2.dev20260603
libtpu: 0.0.44.dev20260713+nightly
codegen_flags: <defaults>
</compile_context>

<pallas_src>
import functools

import jax
import jax.numpy as jnp
from jax import lax
from jax.experimental import pallas as pl
from jax.experimental.pallas import tpu as pltpu
from jax.experimental.pallas import tpu_sc as plsc

N = 10000
D = 128
HD = D // 2
E = 320000
G = 64

NC = 2
NS = 16
CH = 125
NCH = 160
SEG = 40
NPAD = 10240
RPS = NPAD // NS
ZC = 128
ZCH = RPS // ZC


@functools.lru_cache(maxsize=1)
def _make_agg():
    mesh = plsc.VectorSubcoreMesh(core_axis_name="c", subcore_axis_name="s",
                                  num_cores=NC, num_subcores=NS)

    @functools.partial(
        pl.kernel,
        mesh=mesh,
        out_type=jax.ShapeDtypeStruct((NC, NPAD, HD), jnp.float32),
        scratch_types=[
            pltpu.VMEM_SHARED((NPAD, HD), jnp.float32),
            pltpu.VMEM_SHARED((NPAD, HD), jnp.float32),
            pltpu.VMEM((SEG, CH), jnp.int32),
            pltpu.VMEM((SEG, CH), jnp.int32),
            pltpu.VMEM((ZC, HD), jnp.float32),
            pltpu.VMEM((ZC, HD), jnp.float32),
            pltpu.SemaphoreType.DMA,
            pltpu.SemaphoreType.DMA,
            pltpu.SemaphoreType.DMA,
            pltpu.SemaphoreType.DMA,
        ],
    )
    def agg(x2_hbm, src_hbm, dst_hbm, out_hbm, xsp, acc, srcs, dsts,
            buf0, buf1, g0, g1, s0, s1):
        cid = lax.axis_index("c")
        sid = lax.axis_index("s")

        @pl.when(sid < 10)
        def _stage():
            pltpu.sync_copy(x2_hbm.at[cid, pl.ds(sid * 1000, 1000)],
                            xsp.at[pl.ds(sid * 1000, 1000)])

        def zrow(r, carry):
            def zcol(c, carry2):
                buf0[r, pl.ds(c * 16, 16)] = jnp.zeros((16,), jnp.float32)
                return carry2
            return lax.fori_loop(0, HD // 16, zcol, carry)
        lax.fori_loop(0, ZC, zrow, 0)

        def zstripe(k, carry):
            pltpu.sync_copy(buf0, acc.at[pl.ds(sid * RPS + k * ZC, ZC)])
            return carry
        lax.fori_loop(0, ZCH, zstripe, 0)
        plsc.subcore_barrier()

        b0 = buf0.at[pl.ds(0, CH)]
        b1 = buf1.at[pl.ds(0, CH)]

        T = SEG // 2
        for seg in range(NCH // SEG):
            pltpu.sync_copy(src_hbm.at[sid, pl.ds(seg * SEG, SEG)], srcs)
            pltpu.sync_copy(dst_hbm.at[sid, pl.ds(seg * SEG, SEG)], dsts)
            pltpu.async_copy(xsp.at[srcs.at[0]], b0, g0)

            def body(t, carry):
                j0 = 2 * t
                j1 = 2 * t + 1
                pltpu.make_async_copy(xsp.at[srcs.at[j0]], b0, g0).wait()
                pltpu.async_copy(b0, acc.at[dsts.at[j0]], s0, add=True)

                @pl.when(t > 0)
                def _():
                    pltpu.make_async_copy(b1, acc.at[dsts.at[j1]], s1).wait()
                pltpu.async_copy(xsp.at[srcs.at[j1]], b1, g1)
                pltpu.make_async_copy(xsp.at[srcs.at[j1]], b1, g1).wait()
                pltpu.async_copy(b1, acc.at[dsts.at[j1]], s1, add=True)
                pltpu.make_async_copy(b0, acc.at[dsts.at[j0]], s0).wait()

                @pl.when(t < T - 1)
                def _():
                    pltpu.async_copy(xsp.at[srcs.at[2 * t + 2]], b0, g0)
                return carry
            lax.fori_loop(0, T, body, 0)
            pltpu.make_async_copy(b1, acc.at[dsts.at[SEG - 1]], s1).wait()

        plsc.subcore_barrier()

        r = sid * RPS
        pltpu.sync_copy(acc.at[pl.ds(r, RPS)], out_hbm.at[cid, pl.ds(r, RPS)])

    return agg


def _agg(x2, src, dst):
    return _make_agg()(x2, src, dst)


_BR = 2000


def _mlp1_body(x_ref, a_ref, wa_ref, ba_ref, wb_ref, bb_ref, os_ref):
    h = x_ref[...] + jnp.concatenate([a_ref[0], a_ref[1]], axis=1)
    h = jnp.dot(h, wa_ref[...], preferred_element_type=jnp.float32) + ba_ref[...]
    h = jnp.maximum(h, 0.0)
    h = jnp.dot(h, wb_ref[...], preferred_element_type=jnp.float32) + bb_ref[...]
    h = jnp.maximum(h, 0.0)
    os_ref[0] = h[:, :HD]
    os_ref[1] = h[:, HD:]


def _mlp1(x, agg, W1a, b1a, W1b, b1b):
    return pl.pallas_call(
        _mlp1_body,
        grid=(N // _BR,),
        in_specs=[
            pl.BlockSpec((_BR, D), lambda i: (i, 0)),
            pl.BlockSpec((NC, _BR, HD), lambda i: (0, i, 0)),
            pl.BlockSpec((D, D), lambda i: (0, 0)),
            pl.BlockSpec((1, D), lambda i: (0, 0)),
            pl.BlockSpec((D, D), lambda i: (0, 0)),
            pl.BlockSpec((1, D), lambda i: (0, 0)),
        ],
        out_specs=pl.BlockSpec((NC, _BR, HD), lambda i: (0, i, 0)),
        out_shape=jax.ShapeDtypeStruct((NC, N, HD), jnp.float32),
    )(x, agg, W1a, b1a.reshape(1, D), W1b, b1b.reshape(1, D))


def _mlp2_pool_body(h_ref, a_ref, wa_ref, ba_ref, wb_ref, bb_ref, b_ref,
                    o_ref, acc, cnt):
    i = pl.program_id(0)
    h = (jnp.concatenate([h_ref[0], h_ref[1]], axis=1)
         + jnp.concatenate([a_ref[0], a_ref[1]], axis=1))
    h = jnp.dot(h, wa_ref[...], preferred_element_type=jnp.float32) + ba_ref[...]
    h = jnp.maximum(h, 0.0)
    h = jnp.dot(h, wb_ref[...], preferred_element_type=jnp.float32) + bb_ref[...]
    bids = b_ref[0]
    onehot = (lax.broadcasted_iota(jnp.int32, (G, _BR), 0)
              == jnp.broadcast_to(bids, (G, _BR))).astype(jnp.float32)
    psum = jnp.dot(onehot, h, preferred_element_type=jnp.float32)

    @pl.when(i == 0)
    def _init():
        acc[...] = jnp.zeros((G, D), jnp.float32)
        cnt[...] = jnp.zeros((G, D), jnp.float32)

    acc[...] += psum
    cnt[...] += jnp.broadcast_to(
        jnp.sum(onehot, axis=1, keepdims=True), (G, D))

    @pl.when(i == (N // _BR) - 1)
    def _fin():
        o_ref[...] = acc[...] / jnp.maximum(cnt[...], 1.0)


def _mlp2_pool(h1s, agg, W2a, b2a, W2b, b2b, batch3):
    return pl.pallas_call(
        _mlp2_pool_body,
        grid=(N // _BR,),
        in_specs=[
            pl.BlockSpec((NC, _BR, HD), lambda i: (0, i, 0)),
            pl.BlockSpec((NC, _BR, HD), lambda i: (0, i, 0)),
            pl.BlockSpec((D, D), lambda i: (0, 0)),
            pl.BlockSpec((1, D), lambda i: (0, 0)),
            pl.BlockSpec((D, D), lambda i: (0, 0)),
            pl.BlockSpec((1, D), lambda i: (0, 0)),
            pl.BlockSpec((1, 1, _BR), lambda i: (i, 0, 0)),
        ],
        out_specs=pl.BlockSpec((G, D), lambda i: (0, 0)),
        out_shape=jax.ShapeDtypeStruct((G, D), jnp.float32),
        scratch_shapes=[
            pltpu.VMEM((G, D), jnp.float32),
            pltpu.VMEM((G, D), jnp.float32),
        ],
    )(h1s, agg, W2a, b2a.reshape(1, D), W2b, b2b.reshape(1, D), batch3)


def kernel(x, edge_index, batch, W1a, b1a, W1b, b1b, W2a, b2a, W2b, b2b):
    src = edge_index[0].astype(jnp.int32).reshape(NS, NCH, CH)
    dst = edge_index[1].astype(jnp.int32).reshape(NS, NCH, CH)
    batch3 = batch.astype(jnp.int32).reshape(N // _BR, 1, _BR)

    x2 = jnp.stack([x[:, :HD], x[:, HD:]])
    agg1 = _agg(x2, src, dst)
    h1s = _mlp1(x, agg1, W1a, b1a, W1b, b1b)
    agg2 = _agg(h1s, src, dst)
    pooled = _mlp2_pool(h1s, agg2, W2a, b2a, W2b, b2b, batch3)
    return pooled.reshape(-1)

# --- scband reference (transcript-rebuilt; emitter-appended) ---
"""Pipeline reference for scband-gnn-69114613727581 (READ-ONLY COPY).

The authoritative reference and input builder live on the scoring server;
editing this copy changes nothing except your own understanding.
"""

import jax, jax.numpy as jnp
import numpy as np

N = 10000
E = 320000
D = 128
H = 128
OUT = 128
NUM_GRAPHS = 64


def setup_inputs(seed: int = 0) -> dict:
    key = jax.random.key(seed)
    ks = jax.random.split(key, 12)
    x = jax.random.normal(ks[0], (N, D), dtype=jnp.float32)
    edge_index = jax.random.randint(ks[1], (2, E), 0, N, dtype=jnp.int64)
    batch = jnp.sort(jax.random.randint(ks[2], (N,), 0, NUM_GRAPHS, dtype=jnp.int64))
    s = 0.05
    W1a = jax.random.normal(ks[3], (D, H), dtype=jnp.float32) * s
    b1a = jnp.zeros((H,), dtype=jnp.float32)
    W1b = jax.random.normal(ks[4], (H, H), dtype=jnp.float32) * s
    b1b = jnp.zeros((H,), dtype=jnp.float32)
    W2a = jax.random.normal(ks[5], (H, H), dtype=jnp.float32) * s
    b2a = jnp.zeros((H,), dtype=jnp.float32)
    W2b = jax.random.normal(ks[6], (H, OUT), dtype=jnp.float32) * s
    b2b = jnp.zeros((OUT,), dtype=jnp.float32)
    return {"x": x, "edge_index": edge_index, "batch": batch,
            "W1a": W1a, "b1a": b1a, "W1b": W1b, "b1b": b1b,
            "W2a": W2a, "b2a": b2a, "W2b": W2b, "b2b": b2b}


def _gin_conv(x, edge_index, Wa, ba, Wb, bb):
    # GINConv with eps=0: MLP((1+eps)*x + sum_{j in N(i)} x_j)
    src = edge_index[0]
    dst = edge_index[1]
    msgs = jnp.take(x, src, axis=0)                       # gather [E, d]
    agg = jax.ops.segment_sum(msgs, dst, num_segments=x.shape[0])  # scatter-add [N, d]
    h = x + agg
    h = h @ Wa + ba
    h = jax.nn.relu(h)
    h = h @ Wb + bb
    return h


def reference(x, edge_index, batch, W1a, b1a, W1b, b1b, W2a, b2a, W2b, b2b):
    # layer 1 (conv1) + relu
    h = _gin_conv(x, edge_index, W1a, b1a, W1b, b1b)
    h = jax.nn.relu(h)
    # layer 2 (conv2, final layer, no relu after)
    h = _gin_conv(h, edge_index, W2a, b2a, W2b, b2b)
    # global_mean_pool over batch ids, then flatten
    seg_sum = jax.ops.segment_sum(h, batch, num_segments=NUM_GRAPHS)
    counts = jax.ops.segment_sum(jnp.ones((h.shape[0],), dtype=h.dtype), batch, num_segments=NUM_GRAPHS)
    pooled = seg_sum / jnp.maximum(counts, 1.0)[:, None]
    return pooled.flatten()

if __name__ == "__main__":
    import jax
    _d = setup_inputs()
    print(jax.jit(kernel)(*tuple(_d.values())))

</pallas_src>

<mosaic_0001>
#map = affine_map<(d0, d1) -> (0, 0, 0)>
module attributes {stable_mosaic.version = 14 : i64} {
  func.func @agg(%arg0: i32, %arg1: i32, %arg2: memref<2x10000x64xf32, #tpu.memory_space<hbm>>, %arg3: memref<16x160x125xi32, #tpu.memory_space<hbm>>, %arg4: memref<16x160x125xi32, #tpu.memory_space<hbm>>, %arg5: memref<2x10240x64xf32, #tpu.memory_space<hbm>>, %arg6: memref<10240x64xf32, #tpu.memory_space<vmem_shared>>, %arg7: memref<10240x64xf32, #tpu.memory_space<vmem_shared>>, %arg8: memref<40x125xi32, #tpu.memory_space<vmem>>, %arg9: memref<40x125xi32, #tpu.memory_space<vmem>>, %arg10: memref<128x64xf32, #tpu.memory_space<vmem>>, %arg11: memref<128x64xf32, #tpu.memory_space<vmem>>, %arg12: memref<!tpu.dma_semaphore, #tpu.memory_space<semaphore_mem>>, %arg13: memref<!tpu.dma_semaphore, #tpu.memory_space<semaphore_mem>>, %arg14: memref<!tpu.dma_semaphore, #tpu.memory_space<semaphore_mem>>, %arg15: memref<!tpu.dma_semaphore, #tpu.memory_space<semaphore_mem>>) attributes {dimension_semantics = [#tpu.dimension_semantics<core_parallel>, #tpu.dimension_semantics<subcore_parallel>], iteration_bounds = array<i64: 2, 16>, scalar_prefetch = 0 : i64, scratch_operands = 10 : i64, tpu.core_type = #tpu.core_type<sc_vector_subcore>, window_params = [{transform_indices = #map}, {transform_indices = #map}, {transform_indices = #map}, {transform_indices = #map}]} {
    %lt3A = arith.constant 10 : i32
    %lt3A_0 = arith.cmpi slt, %arg1, %lt3A : i32
    %convert_element_type3A = arith.extui %lt3A_0 : i1 to i32
    %cond3A = arith.constant 0 : i32
    %cond3A_1 = arith.cmpi ne, %convert_element_type3A, %cond3A : i32
    scf.if %cond3A_1 {
      %mul3A_117 = arith.constant 1000 : i32
      %mul3A_118 = arith.muli %arg1, %mul3A_117 : i32
      %mul3A_119 = arith.constant 1000 : i32
      %mul3A_120 = arith.muli %arg1, %mul3A_119 : i32
      "tpu.region"() ({
        %run_scoped3A = tpu.sem_alloc : memref<!tpu.dma_semaphore, #tpu.memory_space<semaphore_mem>>
        %dma_start3A_121 = arith.constant 0 : i32
        %dma_start3A_122 = tpu.memref_slice %arg6[%mul3A_120, %dma_start3A_121] : memref<10240x64xf32, #tpu.memory_space<vmem_shared>> -> memref<1000x64xf32, #tpu.memory_space<vmem_shared>>
        %dma_start3A_123 = arith.constant 0 : i32
        %dma_start3A_124 = tpu.memref_slice %arg2[%arg0, %mul3A_118, %dma_start3A_123] : memref<2x10000x64xf32, #tpu.memory_space<hbm>> -> memref<1x1000x64xf32, #tpu.memory_space<hbm>>
        %dma_start3A_125 = tpu.memref_squeeze %dma_start3A_124 : memref<1x1000x64xf32, #tpu.memory_space<hbm>> -> memref<1000x64xf32, #tpu.memory_space<hbm>>
        tpu.enqueue_dma source(%dma_start3A_125 : memref<1000x64xf32, #tpu.memory_space<hbm>>) target(%dma_start3A_122 : memref<1000x64xf32, #tpu.memory_space<vmem_shared>>) target_semaphore(%run_scoped3A : memref<!tpu.dma_semaphore, #tpu.memory_space<semaphore_mem>>)
        %dma_wait3A_126 = arith.constant 0 : i32
        %dma_wait3A_127 = tpu.memref_slice %arg6[%mul3A_120, %dma_wait3A_126] : memref<10240x64xf32, #tpu.memory_space<vmem_shared>> -> memref<1000x64xf32, #tpu.memory_space<vmem_shared>>
        %dma_wait3A_128 = arith.constant 0 : i32
        %dma_wait3A_129 = tpu.memref_slice %arg2[%arg0, %mul3A_118, %dma_wait3A_128] : memref<2x10000x64xf32, #tpu.memory_space<hbm>> -> memref<1x1000x64xf32, #tpu.memory_space<hbm>>
        %dma_wait3A_130 = tpu.memref_squeeze %dma_wait3A_129 : memref<1x1000x64xf32, #tpu.memory_space<hbm>> -> memref<1000x64xf32, #tpu.memory_space<hbm>>
        tpu.wait_dma2 semaphore(%run_scoped3A : memref<!tpu.dma_semaphore, #tpu.memory_space<semaphore_mem>>) src(%dma_wait3A_130 : memref<1000x64xf32, #tpu.memory_space<hbm>>) dst(%dma_wait3A_127 : memref<1000x64xf32, #tpu.memory_space<vmem_shared>>)
        tpu.yield
      }) : () -> ()
    } else {
    }
    %scan3A = arith.constant 0 : i32
    %scan3A_2 = arith.constant 0 : i32
    %scan3A_3 = arith.constant 128 : i32
    %scan3A_4 = arith.addi %scan3A_2, %scan3A_3 : i32
    %scan3A_5 = arith.constant 1 : i32
    scf.for %scan3A_117 = %scan3A_2 to %scan3A_4 step %scan3A_5  : i32 {
      %scan3A_118 = arith.constant 0 : i32
      %scan3A_119 = arith.constant 4 : i32
      %scan3A_120 = arith.addi %scan3A_118, %scan3A_119 : i32
      %scan3A_121 = arith.constant 1 : i32
      scf.for %scan3A_123 = %scan3A_118 to %scan3A_120 step %scan3A_121  : i32 {
        %broadcast_in_dim3A = arith.constant 0.000000e+00 : f32
        %broadcast_in_dim3A_124 = vector.broadcast %broadcast_in_dim3A : f32 to vector<16xf32>
        %mul3A_125 = arith.constant 16 : i32
        %mul3A_126 = arith.muli %scan3A_123, %mul3A_125 : i32
        %swap3A = arith.index_cast %scan3A_117 : i32 to index
        %swap3A_127 = arith.index_cast %mul3A_126 : i32 to index
        %swap3A_128 = tpu.vector_load %arg10[%swap3A, %swap3A_127] {strides = array<i32>} : memref<128x64xf32, #tpu.memory_space<vmem>>, vector<1x16xf32>,
        %swap3A_129 = vector.shape_cast %swap3A_128 : vector<1x16xf32> to vector<16xf32>
        %swap3A_130 = vector.shape_cast %broadcast_in_dim3A_124 : vector<16xf32> to vector<1x16xf32>
        tpu.vector_store %arg10[%swap3A, %swap3A_127], %swap3A_130 {strides = array<i32>} : memref<128x64xf32, #tpu.memory_space<vmem>>, vector<1x16xf32>,
      }
      %scan3A_122 = arith.constant 4 : i32
    }
    %scan3A_6 = arith.constant 128 : i32
    %scan3A_7 = arith.constant 0 : i32
    %scan3A_8 = arith.constant 0 : i32
    %scan3A_9 = arith.constant 5 : i32
    %scan3A_10 = arith.addi %scan3A_8, %scan3A_9 : i32
    %scan3A_11 = arith.constant 1 : i32
    scf.for %scan3A_117 = %scan3A_8 to %scan3A_10 step %scan3A_11  : i32 {
      %mul3A_118 = arith.constant 640 : i32
      %mul3A_119 = arith.muli %arg1, %mul3A_118 : i32
      %mul3A_120 = arith.constant 128 : i32
      %mul3A_121 = arith.muli %scan3A_117, %mul3A_120 : i32
      %add3A = arith.addi %mul3A_119, %mul3A_121 : i32
      "tpu.region"() ({
        %run_scoped3A = tpu.sem_alloc : memref<!tpu.dma_semaphore, #tpu.memory_space<semaphore_mem>>
        %dma_start3A_122 = arith.constant 0 : i32
        %dma_start3A_123 = tpu.memref_slice %arg7[%add3A, %dma_start3A_122] : memref<10240x64xf32, #tpu.memory_space<vmem_shared>> -> memref<128x64xf32, #tpu.memory_space<vmem_shared>>
        %dma_start3A_124 = arith.constant 0 : i32
        %dma_start3A_125 = tpu.memref_slice %arg7[%add3A, %dma_start3A_124] : memref<10240x64xf32, #tpu.memory_space<vmem_shared>> -> memref<128x64xf32, #tpu.memory_space<vmem_shared>>
        tpu.enqueue_dma source(%arg10 : memref<128x64xf32, #tpu.memory_space<vmem>>) target(%dma_start3A_125 : memref<128x64xf32, #tpu.memory_space<vmem_shared>>) target_semaphore(%run_scoped3A : memref<!tpu.dma_semaphore, #tpu.memory_space<semaphore_mem>>)
        %dma_wait3A_126 = arith.constant 0 : i32
        %dma_wait3A_127 = tpu.memref_slice %arg7[%add3A, %dma_wait3A_126] : memref<10240x64xf32, #tpu.memory_space<vmem_shared>> -> memref<128x64xf32, #tpu.memory_space<vmem_shared>>
        %dma_wait3A_128 = arith.constant 0 : i32
        %dma_wait3A_129 = tpu.memref_slice %arg7[%add3A, %dma_wait3A_128] : memref<10240x64xf32, #tpu.memory_space<vmem_shared>> -> memref<128x64xf32, #tpu.memory_space<vmem_shared>>
        tpu.wait_dma2 semaphore(%run_scoped3A : memref<!tpu.dma_semaphore, #tpu.memory_space<semaphore_mem>>) src(%arg10 : memref<128x64xf32, #tpu.memory_space<vmem>>) dst(%dma_wait3A_129 : memref<128x64xf32, #tpu.memory_space<vmem_shared>>)
        tpu.yield
      }) : () -> ()
    }
    %scan3A_12 = arith.constant 5 : i32
    %barrier3A = arith.constant 0 : index
    tpu.barrier barrier_id(%barrier3A)
    "tpu.region"() ({
      %run_scoped3A = tpu.sem_alloc : memref<!tpu.dma_semaphore, #tpu.memory_space<semaphore_mem>>
      %dma_start3A_117 = arith.constant 0 : i32
      %dma_start3A_118 = arith.constant 0 : i32
      %dma_start3A_119 = tpu.memref_slice %arg3[%arg1, %dma_start3A_117, %dma_start3A_118] : memref<16x160x125xi32, #tpu.memory_space<hbm>> -> memref<1x40x125xi32, #tpu.memory_space<hbm>>
      %dma_start3A_120 = tpu.memref_squeeze %dma_start3A_119 : memref<1x40x125xi32, #tpu.memory_space<hbm>> -> memref<40x125xi32, #tpu.memory_space<hbm>>
      %dma_start3A_121 = arith.constant 0 : i32
      %dma_start3A_122 = arith.constant 0 : i32
      %dma_start3A_123 = tpu.memref_slice %arg3[%arg1, %dma_start3A_121, %dma_start3A_122] : memref<16x160x125xi32, #tpu.memory_space<hbm>> -> memref<1x40x125xi32, #tpu.memory_space<hbm>>
      %dma_start3A_124 = tpu.memref_squeeze %dma_start3A_123 : memref<1x40x125xi32, #tpu.memory_space<hbm>> -> memref<40x125xi32, #tpu.memory_space<hbm>>
      tpu.enqueue_dma source(%dma_start3A_124 : memref<40x125xi32, #tpu.memory_space<hbm>>) target(%arg8 : memref<40x125xi32, #tpu.memory_space<vmem>>) target_semaphore(%run_scoped3A : memref<!tpu.dma_semaphore, #tpu.memory_space<semaphore_mem>>)
      %dma_wait3A_125 = arith.constant 0 : i32
      %dma_wait3A_126 = arith.constant 0 : i32
      %dma_wait3A_127 = tpu.memref_slice %arg3[%arg1, %dma_wait3A_125, %dma_wait3A_126] : memref<16x160x125xi32, #tpu.memory_space<hbm>> -> memref<1x40x125xi32, #tpu.memory_space<hbm>>
      %dma_wait3A_128 = tpu.memref_squeeze %dma_wait3A_127 : memref<1x40x125xi32, #tpu.memory_space<hbm>> -> memref<40x125xi32, #tpu.memory_space<hbm>>
      %dma_wait3A_129 = arith.constant 0 : i32
      %dma_wait3A_130 = arith.constant 0 : i32
      %dma_wait3A_131 = tpu.memref_slice %arg3[%arg1, %dma_wait3A_129, %dma_wait3A_130] : memref<16x160x125xi32, #tpu.memory_space<hbm>> -> memref<1x40x125xi32, #tpu.memory_space<hbm>>
      %dma_wait3A_132 = tpu.memref_squeeze %dma_wait3A_131 : memref<1x40x125xi32, #tpu.memory_space<hbm>> -> memref<40x125xi32, #tpu.memory_space<hbm>>
      tpu.wait_dma2 semaphore(%run_scoped3A : memref<!tpu.dma_semaphore, #tpu.memory_space<semaphore_mem>>) src(%dma_wait3A_132 : memref<40x125xi32, #tpu.memory_space<hbm>>) dst(%arg8 : memref<40x125xi32, #tpu.memory_space<vmem>>)
      tpu.yield
    }) : () -> ()
    "tpu.region"() ({
      %run_scoped3A = tpu.sem_alloc : memref<!tpu.dma_semaphore, #tpu.memory_space<semaphore_mem>>
      %dma_start3A_117 = arith.constant 0 : i32
      %dma_start3A_118 = arith.constant 0 : i32
      %dma_start3A_119 = tpu.memref_slice %arg4[%arg1, %dma_start3A_117, %dma_start3A_118] : memref<16x160x125xi32, #tpu.memory_space<hbm>> -> memref<1x40x125xi32, #tpu.memory_space<hbm>>
      %dma_start3A_120 = tpu.memref_squeeze %dma_start3A_119 : memref<1x40x125xi32, #tpu.memory_space<hbm>> -> memref<40x125xi32, #tpu.memory_space<hbm>>
      %dma_start3A_121 = arith.constant 0 : i32
      %dma_start3A_122 = arith.constant 0 : i32
      %dma_start3A_123 = tpu.memref_slice %arg4[%arg1, %dma_start3A_121, %dma_start3A_122] : memref<16x160x125xi32, #tpu.memory_space<hbm>> -> memref<1x40x125xi32, #tpu.memory_space<hbm>>
      %dma_start3A_124 = tpu.memref_squeeze %dma_start3A_123 : memref<1x40x125xi32, #tpu.memory_space<hbm>> -> memref<40x125xi32, #tpu.memory_space<hbm>>
      tpu.enqueue_dma source(%dma_start3A_124 : memref<40x125xi32, #tpu.memory_space<hbm>>) target(%arg9 : memref<40x125xi32, #tpu.memory_space<vmem>>) target_semaphore(%run_scoped3A : memref<!tpu.dma_semaphore, #tpu.memory_space<semaphore_mem>>)
      %dma_wait3A_125 = arith.constant 0 : i32
      %dma_wait3A_126 = arith.constant 0 : i32
      %dma_wait3A_127 = tpu.memref_slice %arg4[%arg1, %dma_wait3A_125, %dma_wait3A_126] : memref<16x160x125xi32, #tpu.memory_space<hbm>> -> memref<1x40x125xi32, #tpu.memory_space<hbm>>
      %dma_wait3A_128 = tpu.memref_squeeze %dma_wait3A_127 : memref<1x40x125xi32, #tpu.memory_space<hbm>> -> memref<40x125xi32, #tpu.memory_space<hbm>>
      %dma_wait3A_129 = arith.constant 0 : i32
      %dma_wait3A_130 = arith.constant 0 : i32
      %dma_wait3A_131 = tpu.memref_slice %arg4[%arg1, %dma_wait3A_129, %dma_wait3A_130] : memref<16x160x125xi32, #tpu.memory_space<hbm>> -> memref<1x40x125xi32, #tpu.memory_space<hbm>>
      %dma_wait3A_132 = tpu.memref_squeeze %dma_wait3A_131 : memref<1x40x125xi32, #tpu.memory_space<hbm>> -> memref<40x125xi32, #tpu.memory_space<hbm>>
      tpu.wait_dma2 semaphore(%run_scoped3A : memref<!tpu.dma_semaphore, #tpu.memory_space<semaphore_mem>>) src(%dma_wait3A_132 : memref<40x125xi32, #tpu.memory_space<hbm>>) dst(%arg9 : memref<40x125xi32, #tpu.memory_space<vmem>>)
      tpu.yield
    }) : () -> ()
    %dma_start3A = arith.constant 0 : i32
    %dma_start3A_13 = arith.constant 0 : i32
    %dma_start3A_14 = arith.constant 0 : i32
    %dma_start3A_15 = tpu.memref_slice %arg10[%dma_start3A_13, %dma_start3A_14] : memref<128x64xf32, #tpu.memory_space<vmem>> -> memref<125x64xf32, #tpu.memory_space<vmem>>
    %dma_start3A_16 = arith.constant 0 : i32
    %dma_start3A_17 = tpu.memref_slice %arg8[%dma_start3A, %dma_start3A_16] : memref<40x125xi32, #tpu.memory_space<vmem>> -> memref<1x125xi32, #tpu.memory_space<vmem>>
    %dma_start3A_18 = tpu.memref_squeeze %dma_start3A_17 : memref<1x125xi32, #tpu.memory_space<vmem>> -> memref<125xi32, #tpu.memory_space<vmem>>
    %dma_start3A_19 = arith.constant 0 : i32
    %dma_start3A_20 = arith.constant 0 : i32
    %dma_start3A_21 = tpu.memref_slice %arg6[%dma_start3A_19, %dma_start3A_20] : memref<10240x64xf32, #tpu.memory_space<vmem_shared>> -> memref<10240x64xf32, #tpu.memory_space<vmem_shared>>
    tpu.enqueue_indirect_dma source(%dma_start3A_21 : memref<10240x64xf32, #tpu.memory_space<vmem_shared>>) target(%dma_start3A_15 : memref<125x64xf32, #tpu.memory_space<vmem>>) offsets(%dma_start3A_18 : memref<125xi32, #tpu.memory_space<vmem>>) semaphore(%arg12 : memref<!tpu.dma_semaphore, #tpu.memory_space<semaphore_mem>>)
    %scan3A_22 = arith.constant 0 : i32
    %scan3A_23 = arith.constant 0 : i32
    %scan3A_24 = arith.constant 20 : i32
    %scan3A_25 = arith.addi %scan3A_23, %scan3A_24 : i32
    %scan3A_26 = arith.constant 1 : i32
    scf.for %scan3A_117 = %scan3A_23 to %scan3A_25 step %scan3A_26  : i32 {
      %mul3A_118 = arith.constant 2 : i32
      %mul3A_119 = arith.muli %mul3A_118, %scan3A_117 : i32
      %mul3A_120 = arith.constant 2 : i32
      %mul3A_121 = arith.muli %mul3A_120, %scan3A_117 : i32
      %add3A = arith.constant 1 : i32
      %add3A_122 = arith.addi %mul3A_121, %add3A : i32
      %dma_wait3A_123 = arith.constant 0 : i32
      %dma_wait3A_124 = arith.constant 0 : i32
      %dma_wait3A_125 = tpu.memref_slice %arg10[%dma_wait3A_123, %dma_wait3A_124] : memref<128x64xf32, #tpu.memory_space<vmem>> -> memref<125x64xf32, #tpu.memory_space<vmem>>
      %dma_wait3A_126 = arith.constant 0 : i32
      %dma_wait3A_127 = tpu.memref_slice %arg8[%mul3A_119, %dma_wait3A_126] : memref<40x125xi32, #tpu.memory_space<vmem>> -> memref<1x125xi32, #tpu.memory_space<vmem>>
      %dma_wait3A_128 = tpu.memref_squeeze %dma_wait3A_127 : memref<1x125xi32, #tpu.memory_space<vmem>> -> memref<125xi32, #tpu.memory_space<vmem>>
      %dma_wait3A_129 = arith.constant 0 : i32
      %dma_wait3A_130 = arith.constant 0 : i32
      %dma_wait3A_131 = tpu.memref_slice %arg6[%dma_wait3A_129, %dma_wait3A_130] : memref<10240x64xf32, #tpu.memory_space<vmem_shared>> -> memref<10240x64xf32, #tpu.memory_space<vmem_shared>>
      tpu.wait_indirect_dma semaphore(%arg12 : memref<!tpu.dma_semaphore, #tpu.memory_space<semaphore_mem>>) src(%dma_wait3A_131 : memref<10240x64xf32, #tpu.memory_space<vmem_shared>>) dst(%dma_wait3A_125 : memref<125x64xf32, #tpu.memory_space<vmem>>)
      %dma_start3A_132 = arith.constant 0 : i32
      %dma_start3A_133 = arith.constant 0 : i32
      %dma_start3A_134 = tpu.memref_slice %arg10[%dma_start3A_132, %dma_start3A_133] : memref<128x64xf32, #tpu.memory_space<vmem>> -> memref<125x64xf32, #tpu.memory_space<vmem>>
      %dma_start3A_135 = arith.constant 0 : i32
      %dma_start3A_136 = tpu.memref_slice %arg9[%mul3A_119, %dma_start3A_135] : memref<40x125xi32, #tpu.memory_space<vmem>> -> memref<1x125xi32, #tpu.memory_space<vmem>>
      %dma_start3A_137 = tpu.memref_squeeze %dma_start3A_136 : memref<1x125xi32, #tpu.memory_space<vmem>> -> memref<125xi32, #tpu.memory_space<vmem>>
      %dma_start3A_138 = arith.constant 0 : i32
      %dma_start3A_139 = arith.constant 0 : i32
      %dma_start3A_140 = tpu.memref_slice %arg7[%dma_start3A_138, %dma_start3A_139] : memref<10240x64xf32, #tpu.memory_space<vmem_shared>> -> memref<10240x64xf32, #tpu.memory_space<vmem_shared>>
      tpu.enqueue_indirect_dma source(%dma_start3A_134 : memref<125x64xf32, #tpu.memory_space<vmem>>) target(%dma_start3A_140 : memref<10240x64xf32, #tpu.memory_space<vmem_shared>>) offsets(%dma_start3A_137 : memref<125xi32, #tpu.memory_space<vmem>>) semaphore(%arg14 : memref<!tpu.dma_semaphore, #tpu.memory_space<semaphore_mem>>) {add = true}
      %gt3A = arith.constant 0 : i32
      %gt3A_141 = arith.cmpi sgt, %scan3A_117, %gt3A : i32
      %convert_element_type3A_142 = arith.extui %gt3A_141 : i1 to i32
      %cond3A_143 = arith.constant 0 : i32
      %cond3A_144 = arith.cmpi ne, %convert_element_type3A_142, %cond3A_143 : i32
      scf.if %cond3A_144 {
        %dma_wait3A_186 = arith.constant 0 : i32
        %dma_wait3A_187 = arith.constant 0 : i32
        %dma_wait3A_188 = tpu.memref_slice %arg11[%dma_wait3A_186, %dma_wait3A_187] : memref<128x64xf32, #tpu.memory_space<vmem>> -> memref<125x64xf32, #tpu.memory_space<vmem>>
        %dma_wait3A_189 = arith.constant 0 : i32
        %dma_wait3A_190 = tpu.memref_slice %arg9[%add3A_122, %dma_wait3A_189] : memref<40x125xi32, #tpu.memory_space<vmem>> -> memref<1x125xi32, #tpu.memory_space<vmem>>
        %dma_wait3A_191 = tpu.memref_squeeze %dma_wait3A_190 : memref<1x125xi32, #tpu.memory_space<vmem>> -> memref<125xi32, #tpu.memory_space<vmem>>
        %dma_wait3A_192 = arith.constant 0 : i32
        %dma_wait3A_193 = arith.constant 0 : i32
        %dma_wait3A_194 = tpu.memref_slice %arg7[%dma_wait3A_192, %dma_wait3A_193] : memref<10240x64xf32, #tpu.memory_space<vmem_shared>> -> memref<10240x64xf32, #tpu.memory_space<vmem_shared>>
        tpu.wait_indirect_dma semaphore(%arg15 : memref<!tpu.dma_semaphore, #tpu.memory_space<semaphore_mem>>) src(%dma_wait3A_188 : memref<125x64xf32, #tpu.memory_space<vmem>>) dst(%dma_wait3A_194 : memref<10240x64xf32, #tpu.memory_space<vmem_shared>>)
      } else {
      }
      %dma_start3A_145 = arith.constant 0 : i32
      %dma_start3A_146 = arith.constant 0 : i32
      %dma_start3A_147 = tpu.memref_slice %arg11[%dma_start3A_145, %dma_start3A_146] : memref<128x64xf32, #tpu.memory_space<vmem>> -> memref<125x64xf32, #tpu.memory_space<vmem>>
      %dma_start3A_148 = arith.constant 0 : i32
      %dma_start3A_149 = tpu.memref_slice %arg8[%add3A_122, %dma_start3A_148] : memref<40x125xi32, #tpu.memory_space<vmem>> -> memref<1x125xi32, #tpu.memory_space<vmem>>
      %dma_start3A_150 = tpu.memref_squeeze %dma_start3A_149 : memref<1x125xi32, #tpu.memory_space<vmem>> -> memref<125xi32, #tpu.memory_space<vmem>>
      %dma_start3A_151 = arith.constant 0 : i32
      %dma_start3A_152 = arith.constant 0 : i32
      %dma_start3A_153 = tpu.memref_slice %arg6[%dma_start3A_151, %dma_start3A_152] : memref<10240x64xf32, #tpu.memory_space<vmem_shared>> -> memref<10240x64xf32, #tpu.memory_space<vmem_shared>>
      tpu.enqueue_indirect_dma source(%dma_start3A_153 : memref<10240x64xf32, #tpu.memory_space<vmem_shared>>) target(%dma_start3A_147 : memref<125x64xf32, #tpu.memory_space<vmem>>) offsets(%dma_start3A_150 : memref<125xi32, #tpu.memory_space<vmem>>) semaphore(%arg13 : memref<!tpu.dma_semaphore, #tpu.memory_space<semaphore_mem>>)
      %dma_wait3A_154 = arith.constant 0 : i32
      %dma_wait3A_155 = arith.constant 0 : i32
      %dma_wait3A_156 = tpu.memref_slice %arg11[%dma_wait3A_154, %dma_wait3A_155] : memref<128x64xf32, #tpu.memory_space<vmem>> -> memref<125x64xf32, #tpu.memory_space<vmem>>
      %dma_wait3A_157 = arith.constant 0 : i32
      %dma_wait3A_158 = tpu.memref_slice %arg8[%add3A_122, %dma_wait3A_157] : memref<40x125xi32, #tpu.memory_space<vmem>> -> memref<1x125xi32, #tpu.memory_space<vmem>>
      %dma_wait3A_159 = tpu.memref_squeeze %dma_wait3A_158 : memref<1x125xi32, #tpu.memory_space<vmem>> -> memref<125xi32, #tpu.memory_space<vmem>>
      %dma_wait3A_160 = arith.constant 0 : i32
      %dma_wait3A_161 = arith.constant 0 : i32
      %dma_wait3A_162 = tpu.memref_slice %arg6[%dma_wait3A_160, %dma_wait3A_161] : memref<10240x64xf32, #tpu.memory_space<vmem_shared>> -> memref<10240x64xf32, #tpu.memory_space<vmem_shared>>
      tpu.wait_indirect_dma semaphore(%arg13 : memref<!tpu.dma_semaphore, #tpu.memory_space<semaphore_mem>>) src(%dma_wait3A_162 : memref<10240x64xf32, #tpu.memory_space<vmem_shared>>) dst(%dma_wait3A_156 : memref<125x64xf32, #tpu.memory_space<vmem>>)
      %dma_start3A_163 = arith.constant 0 : i32
      %dma_start3A_164 = arith.constant 0 : i32
      %dma_start3A_165 = tpu.memref_slice %arg11[%dma_start3A_163, %dma_start3A_164] : memref<128x64xf32, #tpu.memory_space<vmem>> -> memref<125x64xf32, #tpu.memory_space<vmem>>
      %dma_start3A_166 = arith.constant 0 : i32
      %dma_start3A_167 = tpu.memref_slice %arg9[%add3A_122, %dma_start3A_166] : memref<40x125xi32, #tpu.memory_space<vmem>> -> memref<1x125xi32, #tpu.memory_space<vmem>>
      %dma_start3A_168 = tpu.memref_squeeze %dma_start3A_167 : memref<1x125xi32, #tpu.memory_space<vmem>> -> memref<125xi32, #tpu.memory_space<vmem>>
      %dma_start3A_169 = arith.constant 0 : i32
      %dma_start3A_170 = arith.constant 0 : i32
      %dma_start3A_171 = tpu.memref_slice %arg7[%dma_start3A_169, %dma_start3A_170] : memref<10240x64xf32, #tpu.memory_space<vmem_shared>> -> memref<10240x64xf32, #tpu.memory_space<vmem_shared>>
      tpu.enqueue_indirect_dma source(%dma_start3A_165 : memref<125x64xf32, #tpu.memory_space<vmem>>) target(%dma_start3A_171 : memref<10240x64xf32, #tpu.memory_space<vmem_shared>>) offsets(%dma_start3A_168 : memref<125xi32, #tpu.memory_space<vmem>>) semaphore(%arg15 : memref<!tpu.dma_semaphore, #tpu.memory_space<semaphore_mem>>) {add = true}
      %dma_wait3A_172 = arith.constant 0 : i32
      %dma_wait3A_173 = arith.constant 0 : i32
      %dma_wait3A_174 = tpu.memref_slice %arg10[%dma_wait3A_172, %dma_wait3A_173] : memref<128x64xf32, #tpu.memory_space<vmem>> -> memref<125x64xf32, #tpu.memory_space<vmem>>
      %dma_wait3A_175 = arith.constant 0 : i32
      %dma_wait3A_176 = tpu.memref_slice %arg9[%mul3A_119, %dma_wait3A_175] : memref<40x125xi32, #tpu.memory_space<vmem>> -> memref<1x125xi32, #tpu.memory_space<vmem>>
      %dma_wait3A_177 = tpu.memref_squeeze %dma_wait3A_176 : memref<1x125xi32, #tpu.memory_space<vmem>> -> memref<125xi32, #tpu.memory_space<vmem>>
      %dma_wait3A_178 = arith.constant 0 : i32
      %dma_wait3A_179 = arith.constant 0 : i32
      %dma_wait3A_180 = tpu.memref_slice %arg7[%dma_wait3A_178, %dma_wait3A_179] : memref<10240x64xf32, #tpu.memory_space<vmem_shared>> -> memref<10240x64xf32, #tpu.memory_space<vmem_shared>>
      tpu.wait_indirect_dma semaphore(%arg14 : memref<!tpu.dma_semaphore, #tpu.memory_space<semaphore_mem>>) src(%dma_wait3A_174 : memref<125x64xf32, #tpu.memory_space<vmem>>) dst(%dma_wait3A_180 : memref<10240x64xf32, #tpu.memory_space<vmem_shared>>)
      %lt3A_181 = arith.constant 19 : i32
      %lt3A_182 = arith.cmpi slt, %scan3A_117, %lt3A_181 : i32
      %convert_element_type3A_183 = arith.extui %lt3A_182 : i1 to i32
      %cond3A_184 = arith.constant 0 : i32
      %cond3A_185 = arith.cmpi ne, %convert_element_type3A_183, %cond3A_184 : i32
      scf.if %cond3A_185 {
        %mul3A_186 = arith.constant 2 : i32
        %mul3A_187 = arith.muli %mul3A_186, %scan3A_117 : i32
        %add3A_188 = arith.constant 2 : i32
        %add3A_189 = arith.addi %mul3A_187, %add3A_188 : i32
        %dma_start3A_190 = arith.constant 0 : i32
        %dma_start3A_191 = arith.constant 0 : i32
        %dma_start3A_192 = tpu.memref_slice %arg10[%dma_start3A_190, %dma_start3A_191] : memref<128x64xf32, #tpu.memory_space<vmem>> -> memref<125x64xf32, #tpu.memory_space<vmem>>
        %dma_start3A_193 = arith.constant 0 : i32
        %dma_start3A_194 = tpu.memref_slice %arg8[%add3A_189, %dma_start3A_193] : memref<40x125xi32, #tpu.memory_space<vmem>> -> memref<1x125xi32, #tpu.memory_space<vmem>>
        %dma_start3A_195 = tpu.memref_squeeze %dma_start3A_194 : memref<1x125xi32, #tpu.memory_space<vmem>> -> memref<125xi32, #tpu.memory_space<vmem>>
        %dma_start3A_196 = arith.constant 0 : i32
        %dma_start3A_197 = arith.constant 0 : i32
        %dma_start3A_198 = tpu.memref_slice %arg6[%dma_start3A_196, %dma_start3A_197] : memref<10240x64xf32, #tpu.memory_space<vmem_shared>> -> memref<10240x64xf32, #tpu.memory_space<vmem_shared>>
        tpu.enqueue_indirect_dma source(%dma_start3A_198 : memref<10240x64xf32, #tpu.memory_space<vmem_shared>>) target(%dma_start3A_192 : memref<125x64xf32, #tpu.memory_space<vmem>>) offsets(%dma_start3A_195 : memref<125xi32, #tpu.memory_space<vmem>>) semaphore(%arg12 : memref<!tpu.dma_semaphore, #tpu.memory_space<semaphore_mem>>)
      } else {
      }
    }
    %scan3A_27 = arith.constant 20 : i32
    %dma_wait3A = arith.constant 39 : i32
    %dma_wait3A_28 = arith.constant 0 : i32
    %dma_wait3A_29 = arith.constant 0 : i32
    %dma_wait3A_30 = tpu.memref_slice %arg11[%dma_wait3A_28, %dma_wait3A_29] : memref<128x64xf32, #tpu.memory_space<vmem>> -> memref<125x64xf32, #tpu.memory_space<vmem>>
    %dma_wait3A_31 = arith.constant 0 : i32
    %dma_wait3A_32 = tpu.memref_slice %arg9[%dma_wait3A, %dma_wait3A_31] : memref<40x125xi32, #tpu.memory_space<vmem>> -> memref<1x125xi32, #tpu.memory_space<vmem>>
    %dma_wait3A_33 = tpu.memref_squeeze %dma_wait3A_32 : memref<1x125xi32, #tpu.memory_space<vmem>> -> memref<125xi32, #tpu.memory_space<vmem>>
    %dma_wait3A_34 = arith.constant 0 : i32
    %dma_wait3A_35 = arith.constant 0 : i32
    %dma_wait3A_36 = tpu.memref_slice %arg7[%dma_wait3A_34, %dma_wait3A_35] : memref<10240x64xf32, #tpu.memory_space<vmem_shared>> -> memref<10240x64xf32, #tpu.memory_space<vmem_shared>>
    tpu.wait_indirect_dma semaphore(%arg15 : memref<!tpu.dma_semaphore, #tpu.memory_space<semaphore_mem>>) src(%dma_wait3A_30 : memref<125x64xf32, #tpu.memory_space<vmem>>) dst(%dma_wait3A_36 : memref<10240x64xf32, #tpu.memory_space<vmem_shared>>)
    "tpu.region"() ({
      %run_scoped3A = tpu.sem_alloc : memref<!tpu.dma_semaphore, #tpu.memory_space<semaphore_mem>>
      %dma_start3A_117 = arith.constant 40 : i32
      %dma_start3A_118 = arith.constant 0 : i32
      %dma_start3A_119 = tpu.memref_slice %arg3[%arg1, %dma_start3A_117, %dma_start3A_118] : memref<16x160x125xi32, #tpu.memory_space<hbm>> -> memref<1x40x125xi32, #tpu.memory_space<hbm>>
      %dma_start3A_120 = tpu.memref_squeeze %dma_start3A_119 : memref<1x40x125xi32, #tpu.memory_space<hbm>> -> memref<40x125xi32, #tpu.memory_space<hbm>>
      %dma_start3A_121 = arith.constant 40 : i32
      %dma_start3A_122 = arith.constant 0 : i32
      %dma_start3A_123 = tpu.memref_slice %arg3[%arg1, %dma_start3A_121, %dma_start3A_122] : memref<16x160x125xi32, #tpu.memory_space<hbm>> -> memref<1x40x125xi32, #tpu.memory_space<hbm>>
      %dma_start3A_124 = tpu.memref_squeeze %dma_start3A_123 : memref<1x40x125xi32, #tpu.memory_space<hbm>> -> memref<40x125xi32, #tpu.memory_space<hbm>>
      tpu.enqueue_dma source(%dma_start3A_124 : memref<40x125xi32, #tpu.memory_space<hbm>>) target(%arg8 : memref<40x125xi32, #tpu.memory_space<vmem>>) target_semaphore(%run_scoped3A : memref<!tpu.dma_semaphore, #tpu.memory_space<semaphore_mem>>)
      %dma_wait3A_125 = arith.constant 40 : i32
      %dma_wait3A_126 = arith.constant 0 : i32
      %dma_wait3A_127 = tpu.memref_slice %arg3[%arg1, %dma_wait3A_125, %dma_wait3A_126] : memref<16x160x125xi32, #tpu.memory_space<hbm>> -> memref<1x40x125xi32, #tpu.memory_space<hbm>>
      %dma_wait3A_128 = tpu.memref_squeeze %dma_wait3A_127 : memref<1x40x125xi32, #tpu.memory_space<hbm>> -> memref<40x125xi32, #tpu.memory_space<hbm>>
      %dma_wait3A_129 = arith.constant 40 : i32
      %dma_wait3A_130 = arith.constant 0 : i32
      %dma_wait3A_131 = tpu.memref_slice %arg3[%arg1, %dma_wait3A_129, %dma_wait3A_130] : memref<16x160x125xi32, #tpu.memory_space<hbm>> -> memref<1x40x125xi32, #tpu.memory_space<hbm>>
      %dma_wait3A_132 = tpu.memref_squeeze %dma_wait3A_131 : memref<1x40x125xi32, #tpu.memory_space<hbm>> -> memref<40x125xi32, #tpu.memory_space<hbm>>
      tpu.wait_dma2 semaphore(%run_scoped3A : memref<!tpu.dma_semaphore, #tpu.memory_space<semaphore_mem>>) src(%dma_wait3A_132 : memref<40x125xi32, #tpu.memory_space<hbm>>) dst(%arg8 : memref<40x125xi32, #tpu.memory_space<vmem>>)
      tpu.yield
    }) : () -> ()
    "tpu.region"() ({
      %run_scoped3A = tpu.sem_alloc : memref<!tpu.dma_semaphore, #tpu.memory_space<semaphore_mem>>
      %dma_start3A_117 = arith.constant 40 : i32
      %dma_start3A_118 = arith.constant 0 : i32
      %dma_start3A_119 = tpu.memref_slice %arg4[%arg1, %dma_start3A_117, %dma_start3A_118] : memref<16x160x125xi32, #tpu.memory_space<hbm>> -> memref<1x40x125xi32, #tpu.memory_space<hbm>>
      %dma_start3A_120 = tpu.memref_squeeze %dma_start3A_119 : memref<1x40x125xi32, #tpu.memory_space<hbm>> -> memref<40x125xi32, #tpu.memory_space<hbm>>
      %dma_start3A_121 = arith.constant 40 : i32
      %dma_start3A_122 = arith.constant 0 : i32
      %dma_start3A_123 = tpu.memref_slice %arg4[%arg1, %dma_start3A_121, %dma_start3A_122] : memref<16x160x125xi32, #tpu.memory_space<hbm>> -> memref<1x40x125xi32, #tpu.memory_space<hbm>>
      %dma_start3A_124 = tpu.memref_squeeze %dma_start3A_123 : memref<1x40x125xi32, #tpu.memory_space<hbm>> -> memref<40x125xi32, #tpu.memory_space<hbm>>
      tpu.enqueue_dma source(%dma_start3A_124 : memref<40x125xi32, #tpu.memory_space<hbm>>) target(%arg9 : memref<40x125xi32, #tpu.memory_space<vmem>>) target_semaphore(%run_scoped3A : memref<!tpu.dma_semaphore, #tpu.memory_space<semaphore_mem>>)
      %dma_wait3A_125 = arith.constant 40 : i32
      %dma_wait3A_126 = arith.constant 0 : i32
      %dma_wait3A_127 = tpu.memref_slice %arg4[%arg1, %dma_wait3A_125, %dma_wait3A_126] : memref<16x160x125xi32, #tpu.memory_space<hbm>> -> memref<1x40x125xi32, #tpu.memory_space<hbm>>
      %dma_wait3A_128 = tpu.memref_squeeze %dma_wait3A_127 : memref<1x40x125xi32, #tpu.memory_space<hbm>> -> memref<40x125xi32, #tpu.memory_space<hbm>>
      %dma_wait3A_129 = arith.constant 40 : i32
      %dma_wait3A_130 = arith.constant 0 : i32
      %dma_wait3A_131 = tpu.memref_slice %arg4[%arg1, %dma_wait3A_129, %dma_wait3A_130] : memref<16x160x125xi32, #tpu.memory_space<hbm>> -> memref<1x40x125xi32, #tpu.memory_space<hbm>>
      %dma_wait3A_132 = tpu.memref_squeeze %dma_wait3A_131 : memref<1x40x125xi32, #tpu.memory_space<hbm>> -> memref<40x125xi32, #tpu.memory_space<hbm>>
      tpu.wait_dma2 semaphore(%run_scoped3A : memref<!tpu.dma_semaphore, #tpu.memory_space<semaphore_mem>>) src(%dma_wait3A_132 : memref<40x125xi32, #tpu.memory_space<hbm>>) dst(%arg9 : memref<40x125xi32, #tpu.memory_space<vmem>>)
      tpu.yield
    }) : () -> ()
    %dma_start3A_37 = arith.constant 0 : i32
    %dma_start3A_38 = arith.constant 0 : i32
    %dma_start3A_39 = arith.constant 0 : i32
    %dma_start3A_40 = tpu.memref_slice %arg10[%dma_start3A_38, %dma_start3A_39] : memref<128x64xf32, #tpu.memory_space<vmem>> -> memref<125x64xf32, #tpu.memory_space<vmem>>
    %dma_start3A_41 = arith.constant 0 : i32
    %dma_start3A_42 = tpu.memref_slice %arg8[%dma_start3A_37, %dma_start3A_41] : memref<40x125xi32, #tpu.memory_space<vmem>> -> memref<1x125xi32, #tpu.memory_space<vmem>>
    %dma_start3A_43 = tpu.memref_squeeze %dma_start3A_42 : memref<1x125xi32, #tpu.memory_space<vmem>> -> memref<125xi32, #tpu.memory_space<vmem>>
    %dma_start3A_44 = arith.constant 0 : i32
    %dma_start3A_45 = arith.constant 0 : i32
    %dma_start3A_46 = tpu.memref_slice %arg6[%dma_start3A_44, %dma_start3A_45] : memref<10240x64xf32, #tpu.memory_space<vmem_shared>> -> memref<10240x64xf32, #tpu.memory_space<vmem_shared>>
    tpu.enqueue_indirect_dma source(%dma_start3A_46 : memref<10240x64xf32, #tpu.memory_space<vmem_shared>>) target(%dma_start3A_40 : memref<125x64xf32, #tpu.memory_space<vmem>>) offsets(%dma_start3A_43 : memref<125xi32, #tpu.memory_space<vmem>>) semaphore(%arg12 : memref<!tpu.dma_semaphore, #tpu.memory_space<semaphore_mem>>)
    %scan3A_47 = arith.constant 0 : i32
    %scan3A_48 = arith.constant 0 : i32
    %scan3A_49 = arith.constant 20 : i32
    %scan3A_50 = arith.addi %scan3A_48, %scan3A_49 : i32
    %scan3A_51 = arith.constant 1 : i32
    scf.for %scan3A_117 = %scan3A_48 to %scan3A_50 step %scan3A_51  : i32 {
      %mul3A_118 = arith.constant 2 : i32
      %mul3A_119 = arith.muli %mul3A_118, %scan3A_117 : i32
      %mul3A_120 = arith.constant 2 : i32
      %mul3A_121 = arith.muli %mul3A_120, %scan3A_117 : i32
      %add3A = arith.constant 1 : i32
      %add3A_122 = arith.addi %mul3A_121, %add3A : i32
      %dma_wait3A_123 = arith.constant 0 : i32
      %dma_wait3A_124 = arith.constant 0 : i32
      %dma_wait3A_125 = tpu.memref_slice %arg10[%dma_wait3A_123, %dma_wait3A_124] : memref<128x64xf32, #tpu.memory_space<vmem>> -> memref<125x64xf32, #tpu.memory_space<vmem>>
      %dma_wait3A_126 = arith.constant 0 : i32
      %dma_wait3A_127 = tpu.memref_slice %arg8[%mul3A_119, %dma_wait3A_126] : memref<40x125xi32, #tpu.memory_space<vmem>> -> memref<1x125xi32, #tpu.memory_space<vmem>>
      %dma_wait3A_128 = tpu.memref_squeeze %dma_wait3A_127 : memref<1x125xi32, #tpu.memory_space<vmem>> -> memref<125xi32, #tpu.memory_space<vmem>>
      %dma_wait3A_129 = arith.constant 0 : i32
      %dma_wait3A_130 = arith.constant 0 : i32
      %dma_wait3A_131 = tpu.memref_slice %arg6[%dma_wait3A_129, %dma_wait3A_130] : memref<10240x64xf32, #tpu.memory_space<vmem_shared>> -> memref<10240x64xf32, #tpu.memory_space<vmem_shared>>
      tpu.wait_indirect_dma semaphore(%arg12 : memref<!tpu.dma_semaphore, #tpu.memory_space<semaphore_mem>>) src(%dma_wait3A_131 : memref<10240x64xf32, #tpu.memory_space<vmem_shared>>) dst(%dma_wait3A_125 : memref<125x64xf32, #tpu.memory_space<vmem>>)
      %dma_start3A_132 = arith.constant 0 : i32
      %dma_start3A_133 = arith.constant 0 : i32
      %dma_start3A_134 = tpu.memref_slice %arg10[%dma_start3A_132, %dma_start3A_133] : memref<128x64xf32, #tpu.memory_space<vmem>> -> memref<125x64xf32, #tpu.memory_space<vmem>>
      %dma_start3A_135 = arith.constant 0 : i32
      %dma_start3A_136 = tpu.memref_slice %arg9[%mul3A_119, %dma_start3A_135] : memref<40x125xi32, #tpu.memory_space<vmem>> -> memref<1x125xi32, #tpu.memory_space<vmem>>
      %dma_start3A_137 = tpu.memref_squeeze %dma_start3A_136 : memref<1x125xi32, #tpu.memory_space<vmem>> -> memref<125xi32, #tpu.memory_space<vmem>>
      %dma_start3A_138 = arith.constant 0 : i32
      %dma_start3A_139 = arith.constant 0 : i32
      %dma_start3A_140 = tpu.memref_slice %arg7[%dma_start3A_138, %dma_start3A_139] : memref<10240x64xf32, #tpu.memory_space<vmem_shared>> -> memref<10240x64xf32, #tpu.memory_space<vmem_shared>>
      tpu.enqueue_indirect_dma source(%dma_start3A_134 : memref<125x64xf32, #tpu.memory_space<vmem>>) target(%dma_start3A_140 : memref<10240x64xf32, #tpu.memory_space<vmem_shared>>) offsets(%dma_start3A_137 : memref<125xi32, #tpu.memory_space<vmem>>) semaphore(%arg14 : memref<!tpu.dma_semaphore, #tpu.memory_space<semaphore_mem>>) {add = true}
      %gt3A = arith.constant 0 : i32
      %gt3A_141 = arith.cmpi sgt, %scan3A_117, %gt3A : i32
      %convert_element_type3A_142 = arith.extui %gt3A_141 : i1 to i32
      %cond3A_143 = arith.constant 0 : i32
      %cond3A_144 = arith.cmpi ne, %convert_element_type3A_142, %cond3A_143 : i32
      scf.if %cond3A_144 {
        %dma_wait3A_186 = arith.constant 0 : i32
        %dma_wait3A_187 = arith.constant 0 : i32
        %dma_wait3A_188 = tpu.memref_slice %arg11[%dma_wait3A_186, %dma_wait3A_187] : memref<128x64xf32, #tpu.memory_space<vmem>> -> memref<125x64xf32, #tpu.memory_space<vmem>>
        %dma_wait3A_189 = arith.constant 0 : i32
        %dma_wait3A_190 = tpu.memref_slice %arg9[%add3A_122, %dma_wait3A_189] : memref<40x125xi32, #tpu.memory_space<vmem>> -> memref<1x125xi32, #tpu.memory_space<vmem>>
        %dma_wait3A_191 = tpu.memref_squeeze %dma_wait3A_190 : memref<1x125xi32, #tpu.memory_space<vmem>> -> memref<125xi32, #tpu.memory_space<vmem>>
        %dma_wait3A_192 = arith.constant 0 : i32
        %dma_wait3A_193 = arith.constant 0 : i32
        %dma_wait3A_194 = tpu.memref_slice %arg7[%dma_wait3A_192, %dma_wait3A_193] : memref<10240x64xf32, #tpu.memory_space<vmem_shared>> -> memref<10240x64xf32, #tpu.memory_space<vmem_shared>>
        tpu.wait_indirect_dma semaphore(%arg15 : memref<!tpu.dma_semaphore, #tpu.memory_space<semaphore_mem>>) src(%dma_wait3A_188 : memref<125x64xf32, #tpu.memory_space<vmem>>) dst(%dma_wait3A_194 : memref<10240x64xf32, #tpu.memory_space<vmem_shared>>)
      } else {
      }
      %dma_start3A_145 = arith.constant 0 : i32
      %dma_start3A_146 = arith.constant 0 : i32
      %dma_start3A_147 = tpu.memref_slice %arg11[%dma_start3A_145, %dma_start3A_146] : memref<128x64xf32, #tpu.memory_space<vmem>> -> memref<125x64xf32, #tpu.memory_space<vmem>>
      %dma_start3A_148 = arith.constant 0 : i32
      %dma_start3A_149 = tpu.memref_slice %arg8[%add3A_122, %dma_start3A_148] : memref<40x125xi32, #tpu.memory_space<vmem>> -> memref<1x125xi32, #tpu.memory_space<vmem>>
      %dma_start3A_150 = tpu.memref_squeeze %dma_start3A_149 : memref<1x125xi32, #tpu.memory_space<vmem>> -> memref<125xi32, #tpu.memory_space<vmem>>
      %dma_start3A_151 = arith.constant 0 : i32
      %dma_start3A_152 = arith.constant 0 : i32
      %dma_start3A_153 = tpu.memref_slice %arg6[%dma_start3A_151, %dma_start3A_152] : memref<10240x64xf32, #tpu.memory_space<vmem_shared>> -> memref<10240x64xf32, #tpu.memory_space<vmem_shared>>
      tpu.enqueue_indirect_dma source(%dma_start3A_153 : memref<10240x64xf32, #tpu.memory_space<vmem_shared>>) target(%dma_start3A_147 : memref<125x64xf32, #tpu.memory_space<vmem>>) offsets(%dma_start3A_150 : memref<125xi32, #tpu.memory_space<vmem>>) semaphore(%arg13 : memref<!tpu.dma_semaphore, #tpu.memory_space<semaphore_mem>>)
      %dma_wait3A_154 = arith.constant 0 : i32
      %dma_wait3A_155 = arith.constant 0 : i32
      %dma_wait3A_156 = tpu.memref_slice %arg11[%dma_wait3A_154, %dma_wait3A_155] : memref<128x64xf32, #tpu.memory_space<vmem>> -> memref<125x64xf32, #tpu.memory_space<vmem>>
      %dma_wait3A_157 = arith.constant 0 : i32
      %dma_wait3A_158 = tpu.memref_slice %arg8[%add3A_122, %dma_wait3A_157] : memref<40x125xi32, #tpu.memory_space<vmem>> -> memref<1x125xi32, #tpu.memory_space<vmem>>
      %dma_wait3A_159 = tpu.memref_squeeze %dma_wait3A_158 : memref<1x125xi32, #tpu.memory_space<vmem>> -> memref<125xi32, #tpu.memory_space<vmem>>
      %dma_wait3A_160 = arith.constant 0 : i32
      %dma_wait3A_161 = arith.constant 0 : i32
      %dma_wait3A_162 = tpu.memref_slice %arg6[%dma_wait3A_160, %dma_wait3A_161] : memref<10240x64xf32, #tpu.memory_space<vmem_shared>> -> memref<10240x64xf32, #tpu.memory_space<vmem_shared>>
      tpu.wait_indirect_dma semaphore(%arg13 : memref<!tpu.dma_semaphore, #tpu.memory_space<semaphore_mem>>) src(%dma_wait3A_162 : memref<10240x64xf32, #tpu.memory_space<vmem_shared>>) dst(%dma_wait3A_156 : memref<125x64xf32, #tpu.memory_space<vmem>>)
      %dma_start3A_163 = arith.constant 0 : i32
      %dma_start3A_164 = arith.constant 0 : i32
      %dma_start3A_165 = tpu.memref_slice %arg11[%dma_start3A_163, %dma_start3A_164] : memref<128x64xf32, #tpu.memory_space<vmem>> -> memref<125x64xf32, #tpu.memory_space<vmem>>
      %dma_start3A_166 = arith.constant 0 : i32
      %dma_start3A_167 = tpu.memref_slice %arg9[%add3A_122, %dma_start3A_166] : memref<40x125xi32, #tpu.memory_space<vmem>> -> memref<1x125xi32, #tpu.memory_space<vmem>>
      %dma_start3A_168 = tpu.memref_squeeze %dma_start3A_167 : memref<1x125xi32, #tpu.memory_space<vmem>> -> memref<125xi32, #tpu.memory_space<vmem>>
      %dma_start3A_169 = arith.constant 0 : i32
      %dma_start3A_170 = arith.constant 0 : i32
      %dma_start3A_171 = tpu.memref_slice %arg7[%dma_start3A_169, %dma_start3A_170] : memref<10240x64xf32, #tpu.memory_space<vmem_shared>> -> memref<10240x64xf32, #tpu.memory_space<vmem_shared>>
      tpu.enqueue_indirect_dma source(%dma_start3A_165 : memref<125x64xf32, #tpu.memory_space<vmem>>) target(%dma_start3A_171 : memref<10240x64xf32, #tpu.memory_space<vmem_shared>>) offsets(%dma_start3A_168 : memref<125xi32, #tpu.memory_space<vmem>>) semaphore(%arg15 : memref<!tpu.dma_semaphore, #tpu.memory_space<semaphore_mem>>) {add = true}
      %dma_wait3A_172 = arith.constant 0 : i32
      %dma_wait3A_173 = arith.constant 0 : i32
      %dma_wait3A_174 = tpu.memref_slice %arg10[%dma_wait3A_172, %dma_wait3A_173] : memref<128x64xf32, #tpu.memory_space<vmem>> -> memref<125x64xf32, #tpu.memory_space<vmem>>
      %dma_wait3A_175 = arith.constant 0 : i32
      %dma_wait3A_176 = tpu.memref_slice %arg9[%mul3A_119, %dma_wait3A_175] : memref<40x125xi32, #tpu.memory_space<vmem>> -> memref<1x125xi32, #tpu.memory_space<vmem>>
      %dma_wait3A_177 = tpu.memref_squeeze %dma_wait3A_176 : memref<1x125xi32, #tpu.memory_space<vmem>> -> memref<125xi32, #tpu.memory_space<vmem>>
      %dma_wait3A_178 = arith.constant 0 : i32
      %dma_wait3A_179 = arith.constant 0 : i32
      %dma_wait3A_180 = tpu.memref_slice %arg7[%dma_wait3A_178, %dma_wait3A_179] : memref<10240x64xf32, #tpu.memory_space<vmem_shared>> -> memref<10240x64xf32, #tpu.memory_space<vmem_shared>>
      tpu.wait_indirect_dma semaphore(%arg14 : memref<!tpu.dma_semaphore, #tpu.memory_space<semaphore_mem>>) src(%dma_wait3A_174 : memref<125x64xf32, #tpu.memory_space<vmem>>) dst(%dma_wait3A_180 : memref<10240x64xf32, #tpu.memory_space<vmem_shared>>)
      %lt3A_181 = arith.constant 19 : i32
      %lt3A_182 = arith.cmpi slt, %scan3A_117, %lt3A_181 : i32
      %convert_element_type3A_183 = arith.extui %lt3A_182 : i1 to i32
      %cond3A_184 = arith.constant 0 : i32
      %cond3A_185 = arith.cmpi ne, %convert_element_type3A_183, %cond3A_184 : i32
      scf.if %cond3A_185 {
        %mul3A_186 = arith.constant 2 : i32
        %mul3A_187 = arith.muli %mul3A_186, %scan3A_117 : i32
        %add3A_188 = arith.constant 2 : i32
        %add3A_189 = arith.addi %mul3A_187, %add3A_188 : i32
        %dma_start3A_190 = arith.constant 0 : i32
        %dma_start3A_191 = arith.constant 0 : i32
        %dma_start3A_192 = tpu.memref_slice %arg10[%dma_start3A_190, %dma_start3A_191] : memref<128x64xf32, #tpu.memory_space<vmem>> -> memref<125x64xf32, #tpu.memory_space<vmem>>
        %dma_start3A_193 = arith.constant 0 : i32
        %dma_start3A_194 = tpu.memref_slice %arg8[%add3A_189, %dma_start3A_193] : memref<40x125xi32, #tpu.memory_space<vmem>> -> memref<1x125xi32, #tpu.memory_space<vmem>>
        %dma_start3A_195 = tpu.memref_squeeze %dma_start3A_194 : memref<1x125xi32, #tpu.memory_space<vmem>> -> memref<125xi32, #tpu.memory_space<vmem>>
        %dma_start3A_196 = arith.constant 0 : i32
        %dma_start3A_197 = arith.constant 0 : i32
        %dma_start3A_198 = tpu.memref_slice %arg6[%dma_start3A_196, %dma_start3A_197] : memref<10240x64xf32, #tpu.memory_space<vmem_shared>> -> memref<10240x64xf32, #tpu.memory_space<vmem_shared>>
        tpu.enqueue_indirect_dma source(%dma_start3A_198 : memref<10240x64xf32, #tpu.memory_space<vmem_shared>>) target(%dma_start3A_192 : memref<125x64xf32, #tpu.memory_space<vmem>>) offsets(%dma_start3A_195 : memref<125xi32, #tpu.memory_space<vmem>>) semaphore(%arg12 : memref<!tpu.dma_semaphore, #tpu.memory_space<semaphore_mem>>)
      } else {
      }
    }
    %scan3A_52 = arith.constant 20 : i32
    %dma_wait3A_53 = arith.constant 39 : i32
    %dma_wait3A_54 = arith.constant 0 : i32
    %dma_wait3A_55 = arith.constant 0 : i32
    %dma_wait3A_56 = tpu.memref_slice %arg11[%dma_wait3A_54, %dma_wait3A_55] : memref<128x64xf32, #tpu.memory_space<vmem>> -> memref<125x64xf32, #tpu.memory_space<vmem>>
    %dma_wait3A_57 = arith.constant 0 : i32
    %dma_wait3A_58 = tpu.memref_slice %arg9[%dma_wait3A_53, %dma_wait3A_57] : memref<40x125xi32, #tpu.memory_space<vmem>> -> memref<1x125xi32, #tpu.memory_space<vmem>>
    %dma_wait3A_59 = tpu.memref_squeeze %dma_wait3A_58 : memref<1x125xi32, #tpu.memory_space<vmem>> -> memref<125xi32, #tpu.memory_space<vmem>>
    %dma_wait3A_60 = arith.constant 0 : i32
    %dma_wait3A_61 = arith.constant 0 : i32
    %dma_wait3A_62 = tpu.memref_slice %arg7[%dma_wait3A_60, %dma_wait3A_61] : memref<10240x64xf32, #tpu.memory_space<vmem_shared>> -> memref<10240x64xf32, #tpu.memory_space<vmem_shared>>
    tpu.wait_indirect_dma semaphore(%arg15 : memref<!tpu.dma_semaphore, #tpu.memory_space<semaphore_mem>>) src(%dma_wait3A_56 : memref<125x64xf32, #tpu.memory_space<vmem>>) dst(%dma_wait3A_62 : memref<10240x64xf32, #tpu.memory_space<vmem_shared>>)
    "tpu.region"() ({
      %run_scoped3A = tpu.sem_alloc : memref<!tpu.dma_semaphore, #tpu.memory_space<semaphore_mem>>
      %dma_start3A_117 = arith.constant 80 : i32
      %dma_start3A_118 = arith.constant 0 : i32
      %dma_start3A_119 = tpu.memref_slice %arg3[%arg1, %dma_start3A_117, %dma_start3A_118] : memref<16x160x125xi32, #tpu.memory_space<hbm>> -> memref<1x40x125xi32, #tpu.memory_space<hbm>>
      %dma_start3A_120 = tpu.memref_squeeze %dma_start3A_119 : memref<1x40x125xi32, #tpu.memory_space<hbm>> -> memref<40x125xi32, #tpu.memory_space<hbm>>
      %dma_start3A_121 = arith.constant 80 : i32
      %dma_start3A_122 = arith.constant 0 : i32
      %dma_start3A_123 = tpu.memref_slice %arg3[%arg1, %dma_start3A_121, %dma_start3A_122] : memref<16x160x125xi32, #tpu.memory_space<hbm>> -> memref<1x40x125xi32, #tpu.memory_space<hbm>>
      %dma_start3A_124 = tpu.memref_squeeze %dma_start3A_123 : memref<1x40x125xi32, #tpu.memory_space<hbm>> -> memref<40x125xi32, #tpu.memory_space<hbm>>
      tpu.enqueue_dma source(%dma_start3A_124 : memref<40x125xi32, #tpu.memory_space<hbm>>) target(%arg8 : memref<40x125xi32, #tpu.memory_space<vmem>>) target_semaphore(%run_scoped3A : memref<!tpu.dma_semaphore, #tpu.memory_space<semaphore_mem>>)
      %dma_wait3A_125 = arith.constant 80 : i32
      %dma_wait3A_126 = arith.constant 0 : i32
      %dma_wait3A_127 = tpu.memref_slice %arg3[%arg1, %dma_wait3A_125, %dma_wait3A_126] : memref<16x160x125xi32, #tpu.memory_space<hbm>> -> memref<1x40x125xi32, #tpu.memory_space<hbm>>
      %dma_wait3A_128 = tpu.memref_squeeze %dma_wait3A_127 : memref<1x40x125xi32, #tpu.memory_space<hbm>> -> memref<40x125xi32, #tpu.memory_space<hbm>>
      %dma_wait3A_129 = arith.constant 80 : i32
      %dma_wait3A_130 = arith.constant 0 : i32
      %dma_wait3A_131 = tpu.memref_slice %arg3[%arg1, %dma_wait3A_129, %dma_wait3A_130] : memref<16x160x125xi32, #tpu.memory_space<hbm>> -> memref<1x40x125xi32, #tpu.memory_space<hbm>>
      %dma_wait3A_132 = tpu.memref_squeeze %dma_wait3A_131 : memref<1x40x125xi32, #tpu.memory_space<hbm>> -> memref<40x125xi32, #tpu.memory_space<hbm>>
      tpu.wait_dma2 semaphore(%run_scoped3A : memref<!tpu.dma_semaphore, #tpu.memory_space<semaphore_mem>>) src(%dma_wait3A_132 : memref<40x125xi32, #tpu.memory_space<hbm>>) dst(%arg8 : memref<40x125xi32, #tpu.memory_space<vmem>>)
      tpu.yield
    }) : () -> ()
    "tpu.region"() ({
      %run_scoped3A = tpu.sem_alloc : memref<!tpu.dma_semaphore, #tpu.memory_space<semaphore_mem>>
      %dma_start3A_117 = arith.constant 80 : i32
      %dma_start3A_118 = arith.constant 0 : i32
      %dma_start3A_119 = tpu.memref_slice %arg4[%arg1, %dma_start3A_117, %dma_start3A_118] : memref<16x160x125xi32, #tpu.memory_space<hbm>> -> memref<1x40x125xi32, #tpu.memory_space<hbm>>
      %dma_start3A_120 = tpu.memref_squeeze %dma_start3A_119 : memref<1x40x125xi32, #tpu.memory_space<hbm>> -> memref<40x125xi32, #tpu.memory_space<hbm>>
      %dma_start3A_121 = arith.constant 80 : i32
      %dma_start3A_122 = arith.constant 0 : i32
      %dma_start3A_123 = tpu.memref_slice %arg4[%arg1, %dma_start3A_121, %dma_start3A_122] : memref<16x160x125xi32, #tpu.memory_space<hbm>> -> memref<1x40x125xi32, #tpu.memory_space<hbm>>
      %dma_start3A_124 = tpu.memref_squeeze %dma_start3A_123 : memref<1x40x125xi32, #tpu.memory_space<hbm>> -> memref<40x125xi32, #tpu.memory_space<hbm>>
      tpu.enqueue_dma source(%dma_start3A_124 : memref<40x125xi32, #tpu.memory_space<hbm>>) target(%arg9 : memref<40x125xi32, #tpu.memory_space<vmem>>) target_semaphore(%run_scoped3A : memref<!tpu.dma_semaphore, #tpu.memory_space<semaphore_mem>>)
      %dma_wait3A_125 = arith.constant 80 : i32
      %dma_wait3A_126 = arith.constant 0 : i32
      %dma_wait3A_127 = tpu.memref_slice %arg4[%arg1, %dma_wait3A_125, %dma_wait3A_126] : memref<16x160x125xi32, #tpu.memory_space<hbm>> -> memref<1x40x125xi32, #tpu.memory_space<hbm>>
      %dma_wait3A_128 = tpu.memref_squeeze %dma_wait3A_127 : memref<1x40x125xi32, #tpu.memory_space<hbm>> -> memref<40x125xi32, #tpu.memory_space<hbm>>
      %dma_wait3A_129 = arith.constant 80 : i32
      %dma_wait3A_130 = arith.constant 0 : i32
      %dma_wait3A_131 = tpu.memref_slice %arg4[%arg1, %dma_wait3A_129, %dma_wait3A_130] : memref<16x160x125xi32, #tpu.memory_space<hbm>> -> memref<1x40x125xi32, #tpu.memory_space<hbm>>
      %dma_wait3A_132 = tpu.memref_squeeze %dma_wait3A_131 : memref<1x40x125xi32, #tpu.memory_space<hbm>> -> memref<40x125xi32, #tpu.memory_space<hbm>>
      tpu.wait_dma2 semaphore(%run_scoped3A : memref<!tpu.dma_semaphore, #tpu.memory_space<semaphore_mem>>) src(%dma_wait3A_132 : memref<40x125xi32, #tpu.memory_space<hbm>>) dst(%arg9 : memref<40x125xi32, #tpu.memory_space<vmem>>)
      tpu.yield
    }) : () -> ()
    %dma_start3A_63 = arith.constant 0 : i32
    %dma_start3A_64 = arith.constant 0 : i32
    %dma_start3A_65 = arith.constant 0 : i32
    %dma_start3A_66 = tpu.memref_slice %arg10[%dma_start3A_64, %dma_start3A_65] : memref<128x64xf32, #tpu.memory_space<vmem>> -> memref<125x64xf32, #tpu.memory_space<vmem>>
    %dma_start3A_67 = arith.constant 0 : i32
    %dma_start3A_68 = tpu.memref_slice %arg8[%dma_start3A_63, %dma_start3A_67] : memref<40x125xi32, #tpu.memory_space<vmem>> -> memref<1x125xi32, #tpu.memory_space<vmem>>
    %dma_start3A_69 = tpu.memref_squeeze %dma_start3A_68 : memref<1x125xi32, #tpu.memory_space<vmem>> -> memref<125xi32, #tpu.memory_space<vmem>>
    %dma_start3A_70 = arith.constant 0 : i32
    %dma_start3A_71 = arith.constant 0 : i32
    %dma_start3A_72 = tpu.memref_slice %arg6[%dma_start3A_70, %dma_start3A_71] : memref<10240x64xf32, #tpu.memory_space<vmem_shared>> -> memref<10240x64xf32, #tpu.memory_space<vmem_shared>>
    tpu.enqueue_indirect_dma source(%dma_start3A_72 : memref<10240x64xf32, #tpu.memory_space<vmem_shared>>) target(%dma_start3A_66 : memref<125x64xf32, #tpu.memory_space<vmem>>) offsets(%dma_start3A_69 : memref<125xi32, #tpu.memory_space<vmem>>) semaphore(%arg12 : memref<!tpu.dma_semaphore, #tpu.memory_space<semaphore_mem>>)
    %scan3A_73 = arith.constant 0 : i32
    %scan3A_74 = arith.constant 0 : i32
    %scan3A_75 = arith.constant 20 : i32
    %scan3A_76 = arith.addi %scan3A_74, %scan3A_75 : i32
    %scan3A_77 = arith.constant 1 : i32
    scf.for %scan3A_117 = %scan3A_74 to %scan3A_76 step %scan3A_77  : i32 {
      %mul3A_118 = arith.constant 2 : i32
      %mul3A_119 = arith.muli %mul3A_118, %scan3A_117 : i32
      %mul3A_120 = arith.constant 2 : i32
      %mul3A_121 = arith.muli %mul3A_120, %scan3A_117 : i32
      %add3A = arith.constant 1 : i32
      %add3A_122 = arith.addi %mul3A_121, %add3A : i32
      %dma_wait3A_123 = arith.constant 0 : i32
      %dma_wait3A_124 = arith.constant 0 : i32
      %dma_wait3A_125 = tpu.memref_slice %arg10[%dma_wait3A_123, %dma_wait3A_124] : memref<128x64xf32, #tpu.memory_space<vmem>> -> memref<125x64xf32, #tpu.memory_space<vmem>>
      %dma_wait3A_126 = arith.constant 0 : i32
      %dma_wait3A_127 = tpu.memref_slice %arg8[%mul3A_119, %dma_wait3A_126] : memref<40x125xi32, #tpu.memory_space<vmem>> -> memref<1x125xi32, #tpu.memory_space<vmem>>
      %dma_wait3A_128 = tpu.memref_squeeze %dma_wait3A_127 : memref<1x125xi32, #tpu.memory_space<vmem>> -> memref<125xi32, #tpu.memory_space<vmem>>
      %dma_wait3A_129 = arith.constant 0 : i32
      %dma_wait3A_130 = arith.constant 0 : i32
      %dma_wait3A_131 = tpu.memref_slice %arg6[%dma_wait3A_129, %dma_wait3A_130] : memref<10240x64xf32, #tpu.memory_space<vmem_shared>> -> memref<10240x64xf32, #tpu.memory_space<vmem_shared>>
      tpu.wait_indirect_dma semaphore(%arg12 : memref<!tpu.dma_semaphore, #tpu.memory_space<semaphore_mem>>) src(%dma_wait3A_131 : memref<10240x64xf32, #tpu.memory_space<vmem_shared>>) dst(%dma_wait3A_125 : memref<125x64xf32, #tpu.memory_space<vmem>>)
      %dma_start3A_132 = arith.constant 0 : i32
      %dma_start3A_133 = arith.constant 0 : i32
      %dma_start3A_134 = tpu.memref_slice %arg10[%dma_start3A_132, %dma_start3A_133] : memref<128x64xf32, #tpu.memory_space<vmem>> -> memref<125x64xf32, #tpu.memory_space<vmem>>
      %dma_start3A_135 = arith.constant 0 : i32
      %dma_start3A_136 = tpu.memref_slice %arg9[%mul3A_119, %dma_start3A_135] : memref<40x125xi32, #tpu.memory_space<vmem>> -> memref<1x125xi32, #tpu.memory_space<vmem>>
      %dma_start3A_137 = tpu.memref_squeeze %dma_start3A_136 : memref<1x125xi32, #tpu.memory_space<vmem>> -> memref<125xi32, #tpu.memory_space<vmem>>
      %dma_start3A_138 = arith.constant 0 : i32
      %dma_start3A_139 = arith.constant 0 : i32
      %dma_start3A_140 = tpu.memref_slice %arg7[%dma_start3A_138, %dma_start3A_139] : memref<10240x64xf32, #tpu.memory_space<vmem_shared>> -> memref<10240x64xf32, #tpu.memory_space<vmem_shared>>
      tpu.enqueue_indirect_dma source(%dma_start3A_134 : memref<125x64xf32, #tpu.memory_space<vmem>>) target(%dma_start3A_140 : memref<10240x64xf32, #tpu.memory_space<vmem_shared>>) offsets(%dma_start3A_137 : memref<125xi32, #tpu.memory_space<vmem>>) semaphore(%arg14 : memref<!tpu.dma_semaphore, #tpu.memory_space<semaphore_mem>>) {add = true}
      %gt3A = arith.constant 0 : i32
      %gt3A_141 = arith.cmpi sgt, %scan3A_117, %gt3A : i32
      %convert_element_type3A_142 = arith.extui %gt3A_141 : i1 to i32
      %cond3A_143 = arith.constant 0 : i32
      %cond3A_144 = arith.cmpi ne, %convert_element_type3A_142, %cond3A_143 : i32
      scf.if %cond3A_144 {
        %dma_wait3A_186 = arith.constant 0 : i32
        %dma_wait3A_187 = arith.constant 0 : i32
        %dma_wait3A_188 = tpu.memref_slice %arg11[%dma_wait3A_186, %dma_wait3A_187] : memref<128x64xf32, #tpu.memory_space<vmem>> -> memref<125x64xf32, #tpu.memory_space<vmem>>
        %dma_wait3A_189 = arith.constant 0 : i32
        %dma_wait3A_190 = tpu.memref_slice %arg9[%add3A_122, %dma_wait3A_189] : memref<40x125xi32, #tpu.memory_space<vmem>> -> memref<1x125xi32, #tpu.memory_space<vmem>>
        %dma_wait3A_191 = tpu.memref_squeeze %dma_wait3A_190 : memref<1x125xi32, #tpu.memory_space<vmem>> -> memref<125xi32, #tpu.memory_space<vmem>>
        %dma_wait3A_192 = arith.constant 0 : i32
        %dma_wait3A_193 = arith.constant 0 : i32
        %dma_wait3A_194 = tpu.memref_slice %arg7[%dma_wait3A_192, %dma_wait3A_193] : memref<10240x64xf32, #tpu.memory_space<vmem_shared>> -> memref<10240x64xf32, #tpu.memory_space<vmem_shared>>
        tpu.wait_indirect_dma semaphore(%arg15 : memref<!tpu.dma_semaphore, #tpu.memory_space<semaphore_mem>>) src(%dma_wait3A_188 : memref<125x64xf32, #tpu.memory_space<vmem>>) dst(%dma_wait3A_194 : memref<10240x64xf32, #tpu.memory_space<vmem_shared>>)
      } else {
      }
      %dma_start3A_145 = arith.constant 0 : i32
      %dma_start3A_146 = arith.constant 0 : i32
      %dma_start3A_147 = tpu.memref_slice %arg11[%dma_start3A_145, %dma_start3A_146] : memref<128x64xf32, #tpu.memory_space<vmem>> -> memref<125x64xf32, #tpu.memory_space<vmem>>
      %dma_start3A_148 = arith.constant 0 : i32
      %dma_start3A_149 = tpu.memref_slice %arg8[%add3A_122, %dma_start3A_148] : memref<40x125xi32, #tpu.memory_space<vmem>> -> memref<1x125xi32, #tpu.memory_space<vmem>>
      %dma_start3A_150 = tpu.memref_squeeze %dma_start3A_149 : memref<1x125xi32, #tpu.memory_space<vmem>> -> memref<125xi32, #tpu.memory_space<vmem>>
      %dma_start3A_151 = arith.constant 0 : i32
      %dma_start3A_152 = arith.constant 0 : i32
      %dma_start3A_153 = tpu.memref_slice %arg6[%dma_start3A_151, %dma_start3A_152] : memref<10240x64xf32, #tpu.memory_space<vmem_shared>> -> memref<10240x64xf32, #tpu.memory_space<vmem_shared>>
      tpu.enqueue_indirect_dma source(%dma_start3A_153 : memref<10240x64xf32, #tpu.memory_space<vmem_shared>>) target(%dma_start3A_147 : memref<125x64xf32, #tpu.memory_space<vmem>>) offsets(%dma_start3A_150 : memref<125xi32, #tpu.memory_space<vmem>>) semaphore(%arg13 : memref<!tpu.dma_semaphore, #tpu.memory_space<semaphore_mem>>)
      %dma_wait3A_154 = arith.constant 0 : i32
      %dma_wait3A_155 = arith.constant 0 : i32
      %dma_wait3A_156 = tpu.memref_slice %arg11[%dma_wait3A_154, %dma_wait3A_155] : memref<128x64xf32, #tpu.memory_space<vmem>> -> memref<125x64xf32, #tpu.memory_space<vmem>>
      %dma_wait3A_157 = arith.constant 0 : i32
      %dma_wait3A_158 = tpu.memref_slice %arg8[%add3A_122, %dma_wait3A_157] : memref<40x125xi32, #tpu.memory_space<vmem>> -> memref<1x125xi32, #tpu.memory_space<vmem>>
      %dma_wait3A_159 = tpu.memref_squeeze %dma_wait3A_158 : memref<1x125xi32, #tpu.memory_space<vmem>> -> memref<125xi32, #tpu.memory_space<vmem>>
      %dma_wait3A_160 = arith.constant 0 : i32
      %dma_wait3A_161 = arith.constant 0 : i32
      %dma_wait3A_162 = tpu.memref_slice %arg6[%dma_wait3A_160, %dma_wait3A_161] : memref<10240x64xf32, #tpu.memory_space<vmem_shared>> -> memref<10240x64xf32, #tpu.memory_space<vmem_shared>>
      tpu.wait_indirect_dma semaphore(%arg13 : memref<!tpu.dma_semaphore, #tpu.memory_space<semaphore_mem>>) src(%dma_wait3A_162 : memref<10240x64xf32, #tpu.memory_space<vmem_shared>>) dst(%dma_wait3A_156 : memref<125x64xf32, #tpu.memory_space<vmem>>)
      %dma_start3A_163 = arith.constant 0 : i32
      %dma_start3A_164 = arith.constant 0 : i32
      %dma_start3A_165 = tpu.memref_slice %arg11[%dma_start3A_163, %dma_start3A_164] : memref<128x64xf32, #tpu.memory_space<vmem>> -> memref<125x64xf32, #tpu.memory_space<vmem>>
      %dma_start3A_166 = arith.constant 0 : i32
      %dma_start3A_167 = tpu.memref_slice %arg9[%add3A_122, %dma_start3A_166] : memref<40x125xi32, #tpu.memory_space<vmem>> -> memref<1x125xi32, #tpu.memory_space<vmem>>
      %dma_start3A_168 = tpu.memref_squeeze %dma_start3A_167 : memref<1x125xi32, #tpu.memory_space<vmem>> -> memref<125xi32, #tpu.memory_space<vmem>>
      %dma_start3A_169 = arith.constant 0 : i32
      %dma_start3A_170 = arith.constant 0 : i32
      %dma_start3A_171 = tpu.memref_slice %arg7[%dma_start3A_169, %dma_start3A_170] : memref<10240x64xf32, #tpu.memory_space<vmem_shared>> -> memref<10240x64xf32, #tpu.memory_space<vmem_shared>>
      tpu.enqueue_indirect_dma source(%dma_start3A_165 : memref<125x64xf32, #tpu.memory_space<vmem>>) target(%dma_start3A_171 : memref<10240x64xf32, #tpu.memory_space<vmem_shared>>) offsets(%dma_start3A_168 : memref<125xi32, #tpu.memory_space<vmem>>) semaphore(%arg15 : memref<!tpu.dma_semaphore, #tpu.memory_space<semaphore_mem>>) {add = true}
      %dma_wait3A_172 = arith.constant 0 : i32
      %dma_wait3A_173 = arith.constant 0 : i32
      %dma_wait3A_174 = tpu.memref_slice %arg10[%dma_wait3A_172, %dma_wait3A_173] : memref<128x64xf32, #tpu.memory_space<vmem>> -> memref<125x64xf32, #tpu.memory_space<vmem>>
      %dma_wait3A_175 = arith.constant 0 : i32
      %dma_wait3A_176 = tpu.memref_slice %arg9[%mul3A_119, %dma_wait3A_175] : memref<40x125xi32, #tpu.memory_space<vmem>> -> memref<1x125xi32, #tpu.memory_space<vmem>>
      %dma_wait3A_177 = tpu.memref_squeeze %dma_wait3A_176 : memref<1x125xi32, #tpu.memory_space<vmem>> -> memref<125xi32, #tpu.memory_space<vmem>>
      %dma_wait3A_178 = arith.constant 0 : i32
      %dma_wait3A_179 = arith.constant 0 : i32
      %dma_wait3A_180 = tpu.memref_slice %arg7[%dma_wait3A_178, %dma_wait3A_179] : memref<10240x64xf32, #tpu.memory_space<vmem_shared>> -> memref<10240x64xf32, #tpu.memory_space<vmem_shared>>
      tpu.wait_indirect_dma semaphore(%arg14 : memref<!tpu.dma_semaphore, #tpu.memory_space<semaphore_mem>>) src(%dma_wait3A_174 : memref<125x64xf32, #tpu.memory_space<vmem>>) dst(%dma_wait3A_180 : memref<10240x64xf32, #tpu.memory_space<vmem_shared>>)
      %lt3A_181 = arith.constant 19 : i32
      %lt3A_182 = arith.cmpi slt, %scan3A_117, %lt3A_181 : i32
      %convert_element_type3A_183 = arith.extui %lt3A_182 : i1 to i32
      %cond3A_184 = arith.constant 0 : i32
      %cond3A_185 = arith.cmpi ne, %convert_element_type3A_183, %cond3A_184 : i32
      scf.if %cond3A_185 {
        %mul3A_186 = arith.constant 2 : i32
        %mul3A_187 = arith.muli %mul3A_186, %scan3A_117 : i32
        %add3A_188 = arith.constant 2 : i32
        %add3A_189 = arith.addi %mul3A_187, %add3A_188 : i32
        %dma_start3A_190 = arith.constant 0 : i32
        %dma_start3A_191 = arith.constant 0 : i32
        %dma_start3A_192 = tpu.memref_slice %arg10[%dma_start3A_190, %dma_start3A_191] : memref<128x64xf32, #tpu.memory_space<vmem>> -> memref<125x64xf32, #tpu.memory_space<vmem>>
        %dma_start3A_193 = arith.constant 0 : i32
        %dma_start3A_194 = tpu.memref_slice %arg8[%add3A_189, %dma_start3A_193] : memref<40x125xi32, #tpu.memory_space<vmem>> -> memref<1x125xi32, #tpu.memory_space<vmem>>
        %dma_start3A_195 = tpu.memref_squeeze %dma_start3A_194 : memref<1x125xi32, #tpu.memory_space<vmem>> -> memref<125xi32, #tpu.memory_space<vmem>>
        %dma_start3A_196 = arith.constant 0 : i32
        %dma_start3A_197 = arith.constant 0 : i32
        %dma_start3A_198 = tpu.memref_slice %arg6[%dma_start3A_196, %dma_start3A_197] : memref<10240x64xf32, #tpu.memory_space<vmem_shared>> -> memref<10240x64xf32, #tpu.memory_space<vmem_shared>>
        tpu.enqueue_indirect_dma source(%dma_start3A_198 : memref<10240x64xf32, #tpu.memory_space<vmem_shared>>) target(%dma_start3A_192 : memref<125x64xf32, #tpu.memory_space<vmem>>) offsets(%dma_start3A_195 : memref<125xi32, #tpu.memory_space<vmem>>) semaphore(%arg12 : memref<!tpu.dma_semaphore, #tpu.memory_space<semaphore_mem>>)
      } else {
      }
    }
    %scan3A_78 = arith.constant 20 : i32
    %dma_wait3A_79 = arith.constant 39 : i32
    %dma_wait3A_80 = arith.constant 0 : i32
    %dma_wait3A_81 = arith.constant 0 : i32
    %dma_wait3A_82 = tpu.memref_slice %arg11[%dma_wait3A_80, %dma_wait3A_81] : memref<128x64xf32, #tpu.memory_space<vmem>> -> memref<125x64xf32, #tpu.memory_space<vmem>>
    %dma_wait3A_83 = arith.constant 0 : i32
    %dma_wait3A_84 = tpu.memref_slice %arg9[%dma_wait3A_79, %dma_wait3A_83] : memref<40x125xi32, #tpu.memory_space<vmem>> -> memref<1x125xi32, #tpu.memory_space<vmem>>
    %dma_wait3A_85 = tpu.memref_squeeze %dma_wait3A_84 : memref<1x125xi32, #tpu.memory_space<vmem>> -> memref<125xi32, #tpu.memory_space<vmem>>
    %dma_wait3A_86 = arith.constant 0 : i32
    %dma_wait3A_87 = arith.constant 0 : i32
    %dma_wait3A_88 = tpu.memref_slice %arg7[%dma_wait3A_86, %dma_wait3A_87] : memref<10240x64xf32, #tpu.memory_space<vmem_shared>> -> memref<10240x64xf32, #tpu.memory_space<vmem_shared>>
    tpu.wait_indirect_dma semaphore(%arg15 : memref<!tpu.dma_semaphore, #tpu.memory_space<semaphore_mem>>) src(%dma_wait3A_82 : memref<125x64xf32, #tpu.memory_space<vmem>>) dst(%dma_wait3A_88 : memref<10240x64xf32, #tpu.memory_space<vmem_shared>>)
    "tpu.region"() ({
      %run_scoped3A = tpu.sem_alloc : memref<!tpu.dma_semaphore, #tpu.memory_space<semaphore_mem>>
      %dma_start3A_117 = arith.constant 120 : i32
      %dma_start3A_118 = arith.constant 0 : i32
      %dma_start3A_119 = tpu.memref_slice %arg3[%arg1, %dma_start3A_117, %dma_start3A_118] : memref<16x160x125xi32, #tpu.memory_space<hbm>> -> memref<1x40x125xi32, #tpu.memory_space<hbm>>
      %dma_start3A_120 = tpu.memref_squeeze %dma_start3A_119 : memref<1x40x125xi32, #tpu.memory_space<hbm>> -> memref<40x125xi32, #tpu.memory_space<hbm>>
      %dma_start3A_121 = arith.constant 120 : i32
      %dma_start3A_122 = arith.constant 0 : i32
      %dma_start3A_123 = tpu.memref_slice %arg3[%arg1, %dma_start3A_121, %dma_start3A_122] : memref<16x160x125xi32, #tpu.memory_space<hbm>> -> memref<1x40x125xi32, #tpu.memory_space<hbm>>
      %dma_start3A_124 = tpu.memref_squeeze %dma_start3A_123 : memref<1x40x125xi32, #tpu.memory_space<hbm>> -> memref<40x125xi32, #tpu.memory_space<hbm>>
      tpu.enqueue_dma source(%dma_start3A_124 : memref<40x125xi32, #tpu.memory_space<hbm>>) target(%arg8 : memref<40x125xi32, #tpu.memory_space<vmem>>) target_semaphore(%run_scoped3A : memref<!tpu.dma_semaphore, #tpu.memory_space<semaphore_mem>>)
      %dma_wait3A_125 = arith.constant 120 : i32
      %dma_wait3A_126 = arith.constant 0 : i32
      %dma_wait3A_127 = tpu.memref_slice %arg3[%arg1, %dma_wait3A_125, %dma_wait3A_126] : memref<16x160x125xi32, #tpu.memory_space<hbm>> -> memref<1x40x125xi32, #tpu.memory_space<hbm>>
      %dma_wait3A_128 = tpu.memref_squeeze %dma_wait3A_127 : memref<1x40x125xi32, #tpu.memory_space<hbm>> -> memref<40x125xi32, #tpu.memory_space<hbm>>
      %dma_wait3A_129 = arith.constant 120 : i32
      %dma_wait3A_130 = arith.constant 0 : i32
      %dma_wait3A_131 = tpu.memref_slice %arg3[%arg1, %dma_wait3A_129, %dma_wait3A_130] : memref<16x160x125xi32, #tpu.memory_space<hbm>> -> memref<1x40x125xi32, #tpu.memory_space<hbm>>
      %dma_wait3A_132 = tpu.memref_squeeze %dma_wait3A_131 : memref<1x40x125xi32, #tpu.memory_space<hbm>> -> memref<40x125xi32, #tpu.memory_space<hbm>>
      tpu.wait_dma2 semaphore(%run_scoped3A : memref<!tpu.dma_semaphore, #tpu.memory_space<semaphore_mem>>) src(%dma_wait3A_132 : memref<40x125xi32, #tpu.memory_space<hbm>>) dst(%arg8 : memref<40x125xi32, #tpu.memory_space<vmem>>)
      tpu.yield
    }) : () -> ()
    "tpu.region"() ({
      %run_scoped3A = tpu.sem_alloc : memref<!tpu.dma_semaphore, #tpu.memory_space<semaphore_mem>>
      %dma_start3A_117 = arith.constant 120 : i32
      %dma_start3A_118 = arith.constant 0 : i32
      %dma_start3A_119 = tpu.memref_slice %arg4[%arg1, %dma_start3A_117, %dma_start3A_118] : memref<16x160x125xi32, #tpu.memory_space<hbm>> -> memref<1x40x125xi32, #tpu.memory_space<hbm>>
      %dma_start3A_120 = tpu.memref_squeeze %dma_start3A_119 : memref<1x40x125xi32, #tpu.memory_space<hbm>> -> memref<40x125xi32, #tpu.memory_space<hbm>>
      %dma_start3A_121 = arith.constant 120 : i32
      %dma_start3A_122 = arith.constant 0 : i32
      %dma_start3A_123 = tpu.memref_slice %arg4[%arg1, %dma_start3A_121, %dma_start3A_122] : memref<16x160x125xi32, #tpu.memory_space<hbm>> -> memref<1x40x125xi32, #tpu.memory_space<hbm>>
      %dma_start3A_124 = tpu.memref_squeeze %dma_start3A_123 : memref<1x40x125xi32, #tpu.memory_space<hbm>> -> memref<40x125xi32, #tpu.memory_space<hbm>>
      tpu.enqueue_dma source(%dma_start3A_124 : memref<40x125xi32, #tpu.memory_space<hbm>>) target(%arg9 : memref<40x125xi32, #tpu.memory_space<vmem>>) target_semaphore(%run_scoped3A : memref<!tpu.dma_semaphore, #tpu.memory_space<semaphore_mem>>)
      %dma_wait3A_125 = arith.constant 120 : i32
      %dma_wait3A_126 = arith.constant 0 : i32
      %dma_wait3A_127 = tpu.memref_slice %arg4[%arg1, %dma_wait3A_125, %dma_wait3A_126] : memref<16x160x125xi32, #tpu.memory_space<hbm>> -> memref<1x40x125xi32, #tpu.memory_space<hbm>>
      %dma_wait3A_128 = tpu.memref_squeeze %dma_wait3A_127 : memref<1x40x125xi32, #tpu.memory_space<hbm>> -> memref<40x125xi32, #tpu.memory_space<hbm>>
      %dma_wait3A_129 = arith.constant 120 : i32
      %dma_wait3A_130 = arith.constant 0 : i32
      %dma_wait3A_131 = tpu.memref_slice %arg4[%arg1, %dma_wait3A_129, %dma_wait3A_130] : memref<16x160x125xi32, #tpu.memory_space<hbm>> -> memref<1x40x125xi32, #tpu.memory_space<hbm>>
      %dma_wait3A_132 = tpu.memref_squeeze %dma_wait3A_131 : memref<1x40x125xi32, #tpu.memory_space<hbm>> -> memref<40x125xi32, #tpu.memory_space<hbm>>
      tpu.wait_dma2 semaphore(%run_scoped3A : memref<!tpu.dma_semaphore, #tpu.memory_space<semaphore_mem>>) src(%dma_wait3A_132 : memref<40x125xi32, #tpu.memory_space<hbm>>) dst(%arg9 : memref<40x125xi32, #tpu.memory_space<vmem>>)
      tpu.yield
    }) : () -> ()
    %dma_start3A_89 = arith.constant 0 : i32
    %dma_start3A_90 = arith.constant 0 : i32
    %dma_start3A_91 = arith.constant 0 : i32
    %dma_start3A_92 = tpu.memref_slice %arg10[%dma_start3A_90, %dma_start3A_91] : memref<128x64xf32, #tpu.memory_space<vmem>> -> memref<125x64xf32, #tpu.memory_space<vmem>>
    %dma_start3A_93 = arith.constant 0 : i32
    %dma_start3A_94 = tpu.memref_slice %arg8[%dma_start3A_89, %dma_start3A_93] : memref<40x125xi32, #tpu.memory_space<vmem>> -> memref<1x125xi32, #tpu.memory_space<vmem>>
    %dma_start3A_95 = tpu.memref_squeeze %dma_start3A_94 : memref<1x125xi32, #tpu.memory_space<vmem>> -> memref<125xi32, #tpu.memory_space<vmem>>
    %dma_start3A_96 = arith.constant 0 : i32
    %dma_start3A_97 = arith.constant 0 : i32
    %dma_start3A_98 = tpu.memref_slice %arg6[%dma_start3A_96, %dma_start3A_97] : memref<10240x64xf32, #tpu.memory_space<vmem_shared>> -> memref<10240x64xf32, #tpu.memory_space<vmem_shared>>
    tpu.enqueue_indirect_dma source(%dma_start3A_98 : memref<10240x64xf32, #tpu.memory_space<vmem_shared>>) target(%dma_start3A_92 : memref<125x64xf32, #tpu.memory_space<vmem>>) offsets(%dma_start3A_95 : memref<125xi32, #tpu.memory_space<vmem>>) semaphore(%arg12 : memref<!tpu.dma_semaphore, #tpu.memory_space<semaphore_mem>>)
    %scan3A_99 = arith.constant 0 : i32
    %scan3A_100 = arith.constant 0 : i32
    %scan3A_101 = arith.constant 20 : i32
    %scan3A_102 = arith.addi %scan3A_100, %scan3A_101 : i32
    %scan3A_103 = arith.constant 1 : i32
    scf.for %scan3A_117 = %scan3A_100 to %scan3A_102 step %scan3A_103  : i32 {
      %mul3A_118 = arith.constant 2 : i32
      %mul3A_119 = arith.muli %mul3A_118, %scan3A_117 : i32
      %mul3A_120 = arith.constant 2 : i32
      %mul3A_121 = arith.muli %mul3A_120, %scan3A_117 : i32
      %add3A = arith.constant 1 : i32
      %add3A_122 = arith.addi %mul3A_121, %add3A : i32
      %dma_wait3A_123 = arith.constant 0 : i32
      %dma_wait3A_124 = arith.constant 0 : i32
      %dma_wait3A_125 = tpu.memref_slice %arg10[%dma_wait3A_123, %dma_wait3A_124] : memref<128x64xf32, #tpu.memory_space<vmem>> -> memref<125x64xf32, #tpu.memory_space<vmem>>
      %dma_wait3A_126 = arith.constant 0 : i32
      %dma_wait3A_127 = tpu.memref_slice %arg8[%mul3A_119, %dma_wait3A_126] : memref<40x125xi32, #tpu.memory_space<vmem>> -> memref<1x125xi32, #tpu.memory_space<vmem>>
      %dma_wait3A_128 = tpu.memref_squeeze %dma_wait3A_127 : memref<1x125xi32, #tpu.memory_space<vmem>> -> memref<125xi32, #tpu.memory_space<vmem>>
      %dma_wait3A_129 = arith.constant 0 : i32
      %dma_wait3A_130 = arith.constant 0 : i32
      %dma_wait3A_131 = tpu.memref_slice %arg6[%dma_wait3A_129, %dma_wait3A_130] : memref<10240x64xf32, #tpu.memory_space<vmem_shared>> -> memref<10240x64xf32, #tpu.memory_space<vmem_shared>>
      tpu.wait_indirect_dma semaphore(%arg12 : memref<!tpu.dma_semaphore, #tpu.memory_space<semaphore_mem>>) src(%dma_wait3A_131 : memref<10240x64xf32, #tpu.memory_space<vmem_shared>>) dst(%dma_wait3A_125 : memref<125x64xf32, #tpu.memory_space<vmem>>)
      %dma_start3A_132 = arith.constant 0 : i32
      %dma_start3A_133 = arith.constant 0 : i32
      %dma_start3A_134 = tpu.memref_slice %arg10[%dma_start3A_132, %dma_start3A_133] : memref<128x64xf32, #tpu.memory_space<vmem>> -> memref<125x64xf32, #tpu.memory_space<vmem>>
      %dma_start3A_135 = arith.constant 0 : i32
      %dma_start3A_136 = tpu.memref_slice %arg9[%mul3A_119, %dma_start3A_135] : memref<40x125xi32, #tpu.memory_space<vmem>> -> memref<1x125xi32, #tpu.memory_space<vmem>>
      %dma_start3A_137 = tpu.memref_squeeze %dma_start3A_136 : memref<1x125xi32, #tpu.memory_space<vmem>> -> memref<125xi32, #tpu.memory_space<vmem>>
      %dma_start3A_138 = arith.constant 0 : i32
      %dma_start3A_139 = arith.constant 0 : i32
      %dma_start3A_140 = tpu.memref_slice %arg7[%dma_start3A_138, %dma_start3A_139] : memref<10240x64xf32, #tpu.memory_space<vmem_shared>> -> memref<10240x64xf32, #tpu.memory_space<vmem_shared>>
      tpu.enqueue_indirect_dma source(%dma_start3A_134 : memref<125x64xf32, #tpu.memory_space<vmem>>) target(%dma_start3A_140 : memref<10240x64xf32, #tpu.memory_space<vmem_shared>>) offsets(%dma_start3A_137 : memref<125xi32, #tpu.memory_space<vmem>>) semaphore(%arg14 : memref<!tpu.dma_semaphore, #tpu.memory_space<semaphore_mem>>) {add = true}
      %gt3A = arith.constant 0 : i32
      %gt3A_141 = arith.cmpi sgt, %scan3A_117, %gt3A : i32
      %convert_element_type3A_142 = arith.extui %gt3A_141 : i1 to i32
      %cond3A_143 = arith.constant 0 : i32
      %cond3A_144 = arith.cmpi ne, %convert_element_type3A_142, %cond3A_143 : i32
      scf.if %cond3A_144 {
        %dma_wait3A_186 = arith.constant 0 : i32
        %dma_wait3A_187 = arith.constant 0 : i32
        %dma_wait3A_188 = tpu.memref_slice %arg11[%dma_wait3A_186, %dma_wait3A_187] : memref<128x64xf32, #tpu.memory_space<vmem>> -> memref<125x64xf32, #tpu.memory_space<vmem>>
        %dma_wait3A_189 = arith.constant 0 : i32
        %dma_wait3A_190 = tpu.memref_slice %arg9[%add3A_122, %dma_wait3A_189] : memref<40x125xi32, #tpu.memory_space<vmem>> -> memref<1x125xi32, #tpu.memory_space<vmem>>
        %dma_wait3A_191 = tpu.memref_squeeze %dma_wait3A_190 : memref<1x125xi32, #tpu.memory_space<vmem>> -> memref<125xi32, #tpu.memory_space<vmem>>
        %dma_wait3A_192 = arith.constant 0 : i32
        %dma_wait3A_193 = arith.constant 0 : i32
        %dma_wait3A_194 = tpu.memref_slice %arg7[%dma_wait3A_192, %dma_wait3A_193] : memref<10240x64xf32, #tpu.memory_space<vmem_shared>> -> memref<10240x64xf32, #tpu.memory_space<vmem_shared>>
        tpu.wait_indirect_dma semaphore(%arg15 : memref<!tpu.dma_semaphore, #tpu.memory_space<semaphore_mem>>) src(%dma_wait3A_188 : memref<125x64xf32, #tpu.memory_space<vmem>>) dst(%dma_wait3A_194 : memref<10240x64xf32, #tpu.memory_space<vmem_shared>>)
      } else {
      }
      %dma_start3A_145 = arith.constant 0 : i32
      %dma_start3A_146 = arith.constant 0 : i32
      %dma_start3A_147 = tpu.memref_slice %arg11[%dma_start3A_145, %dma_start3A_146] : memref<128x64xf32, #tpu.memory_space<vmem>> -> memref<125x64xf32, #tpu.memory_space<vmem>>
      %dma_start3A_148 = arith.constant 0 : i32
      %dma_start3A_149 = tpu.memref_slice %arg8[%add3A_122, %dma_start3A_148] : memref<40x125xi32, #tpu.memory_space<vmem>> -> memref<1x125xi32, #tpu.memory_space<vmem>>
      %dma_start3A_150 = tpu.memref_squeeze %dma_start3A_149 : memref<1x125xi32, #tpu.memory_space<vmem>> -> memref<125xi32, #tpu.memory_space<vmem>>
      %dma_start3A_151 = arith.constant 0 : i32
      %dma_start3A_152 = arith.constant 0 : i32
      %dma_start3A_153 = tpu.memref_slice %arg6[%dma_start3A_151, %dma_start3A_152] : memref<10240x64xf32, #tpu.memory_space<vmem_shared>> -> memref<10240x64xf32, #tpu.memory_space<vmem_shared>>
      tpu.enqueue_indirect_dma source(%dma_start3A_153 : memref<10240x64xf32, #tpu.memory_space<vmem_shared>>) target(%dma_start3A_147 : memref<125x64xf32, #tpu.memory_space<vmem>>) offsets(%dma_start3A_150 : memref<125xi32, #tpu.memory_space<vmem>>) semaphore(%arg13 : memref<!tpu.dma_semaphore, #tpu.memory_space<semaphore_mem>>)
      %dma_wait3A_154 = arith.constant 0 : i32
      %dma_wait3A_155 = arith.constant 0 : i32
      %dma_wait3A_156 = tpu.memref_slice %arg11[%dma_wait3A_154, %dma_wait3A_155] : memref<128x64xf32, #tpu.memory_space<vmem>> -> memref<125x64xf32, #tpu.memory_space<vmem>>
      %dma_wait3A_157 = arith.constant 0 : i32
      %dma_wait3A_158 = tpu.memref_slice %arg8[%add3A_122, %dma_wait3A_157] : memref<40x125xi32, #tpu.memory_space<vmem>> -> memref<1x125xi32, #tpu.memory_space<vmem>>
      %dma_wait3A_159 = tpu.memref_squeeze %dma_wait3A_158 : memref<1x125xi32, #tpu.memory_space<vmem>> -> memref<125xi32, #tpu.memory_space<vmem>>
      %dma_wait3A_160 = arith.constant 0 : i32
      %dma_wait3A_161 = arith.constant 0 : i32
      %dma_wait3A_162 = tpu.memref_slice %arg6[%dma_wait3A_160, %dma_wait3A_161] : memref<10240x64xf32, #tpu.memory_space<vmem_shared>> -> memref<10240x64xf32, #tpu.memory_space<vmem_shared>>
      tpu.wait_indirect_dma semaphore(%arg13 : memref<!tpu.dma_semaphore, #tpu.memory_space<semaphore_mem>>) src(%dma_wait3A_162 : memref<10240x64xf32, #tpu.memory_space<vmem_shared>>) dst(%dma_wait3A_156 : memref<125x64xf32, #tpu.memory_space<vmem>>)
      %dma_start3A_163 = arith.constant 0 : i32
      %dma_start3A_164 = arith.constant 0 : i32
      %dma_start3A_165 = tpu.memref_slice %arg11[%dma_start3A_163, %dma_start3A_164] : memref<128x64xf32, #tpu.memory_space<vmem>> -> memref<125x64xf32, #tpu.memory_space<vmem>>
      %dma_start3A_166 = arith.constant 0 : i32
      %dma_start3A_167 = tpu.memref_slice %arg9[%add3A_122, %dma_start3A_166] : memref<40x125xi32, #tpu.memory_space<vmem>> -> memref<1x125xi32, #tpu.memory_space<vmem>>
      %dma_start3A_168 = tpu.memref_squeeze %dma_start3A_167 : memref<1x125xi32, #tpu.memory_space<vmem>> -> memref<125xi32, #tpu.memory_space<vmem>>
      %dma_start3A_169 = arith.constant 0 : i32
      %dma_start3A_170 = arith.constant 0 : i32
      %dma_start3A_171 = tpu.memref_slice %arg7[%dma_start3A_169, %dma_start3A_170] : memref<10240x64xf32, #tpu.memory_space<vmem_shared>> -> memref<10240x64xf32, #tpu.memory_space<vmem_shared>>
      tpu.enqueue_indirect_dma source(%dma_start3A_165 : memref<125x64xf32, #tpu.memory_space<vmem>>) target(%dma_start3A_171 : memref<10240x64xf32, #tpu.memory_space<vmem_shared>>) offsets(%dma_start3A_168 : memref<125xi32, #tpu.memory_space<vmem>>) semaphore(%arg15 : memref<!tpu.dma_semaphore, #tpu.memory_space<semaphore_mem>>) {add = true}
      %dma_wait3A_172 = arith.constant 0 : i32
      %dma_wait3A_173 = arith.constant 0 : i32
      %dma_wait3A_174 = tpu.memref_slice %arg10[%dma_wait3A_172, %dma_wait3A_173] : memref<128x64xf32, #tpu.memory_space<vmem>> -> memref<125x64xf32, #tpu.memory_space<vmem>>
      %dma_wait3A_175 = arith.constant 0 : i32
      %dma_wait3A_176 = tpu.memref_slice %arg9[%mul3A_119, %dma_wait3A_175] : memref<40x125xi32, #tpu.memory_space<vmem>> -> memref<1x125xi32, #tpu.memory_space<vmem>>
      %dma_wait3A_177 = tpu.memref_squeeze %dma_wait3A_176 : memref<1x125xi32, #tpu.memory_space<vmem>> -> memref<125xi32, #tpu.memory_space<vmem>>
      %dma_wait3A_178 = arith.constant 0 : i32
      %dma_wait3A_179 = arith.constant 0 : i32
      %dma_wait3A_180 = tpu.memref_slice %arg7[%dma_wait3A_178, %dma_wait3A_179] : memref<10240x64xf32, #tpu.memory_space<vmem_shared>> -> memref<10240x64xf32, #tpu.memory_space<vmem_shared>>
      tpu.wait_indirect_dma semaphore(%arg14 : memref<!tpu.dma_semaphore, #tpu.memory_space<semaphore_mem>>) src(%dma_wait3A_174 : memref<125x64xf32, #tpu.memory_space<vmem>>) dst(%dma_wait3A_180 : memref<10240x64xf32, #tpu.memory_space<vmem_shared>>)
      %lt3A_181 = arith.constant 19 : i32
      %lt3A_182 = arith.cmpi slt, %scan3A_117, %lt3A_181 : i32
      %convert_element_type3A_183 = arith.extui %lt3A_182 : i1 to i32
      %cond3A_184 = arith.constant 0 : i32
      %cond3A_185 = arith.cmpi ne, %convert_element_type3A_183, %cond3A_184 : i32
      scf.if %cond3A_185 {
        %mul3A_186 = arith.constant 2 : i32
        %mul3A_187 = arith.muli %mul3A_186, %scan3A_117 : i32
        %add3A_188 = arith.constant 2 : i32
        %add3A_189 = arith.addi %mul3A_187, %add3A_188 : i32
        %dma_start3A_190 = arith.constant 0 : i32
        %dma_start3A_191 = arith.constant 0 : i32
        %dma_start3A_192 = tpu.memref_slice %arg10[%dma_start3A_190, %dma_start3A_191] : memref<128x64xf32, #tpu.memory_space<vmem>> -> memref<125x64xf32, #tpu.memory_space<vmem>>
        %dma_start3A_193 = arith.constant 0 : i32
        %dma_start3A_194 = tpu.memref_slice %arg8[%add3A_189, %dma_start3A_193] : memref<40x125xi32, #tpu.memory_space<vmem>> -> memref<1x125xi32, #tpu.memory_space<vmem>>
        %dma_start3A_195 = tpu.memref_squeeze %dma_start3A_194 : memref<1x125xi32, #tpu.memory_space<vmem>> -> memref<125xi32, #tpu.memory_space<vmem>>
        %dma_start3A_196 = arith.constant 0 : i32
        %dma_start3A_197 = arith.constant 0 : i32
        %dma_start3A_198 = tpu.memref_slice %arg6[%dma_start3A_196, %dma_start3A_197] : memref<10240x64xf32, #tpu.memory_space<vmem_shared>> -> memref<10240x64xf32, #tpu.memory_space<vmem_shared>>
        tpu.enqueue_indirect_dma source(%dma_start3A_198 : memref<10240x64xf32, #tpu.memory_space<vmem_shared>>) target(%dma_start3A_192 : memref<125x64xf32, #tpu.memory_space<vmem>>) offsets(%dma_start3A_195 : memref<125xi32, #tpu.memory_space<vmem>>) semaphore(%arg12 : memref<!tpu.dma_semaphore, #tpu.memory_space<semaphore_mem>>)
      } else {
      }
    }
    %scan3A_104 = arith.constant 20 : i32
    %dma_wait3A_105 = arith.constant 39 : i32
    %dma_wait3A_106 = arith.constant 0 : i32
    %dma_wait3A_107 = arith.constant 0 : i32
    %dma_wait3A_108 = tpu.memref_slice %arg11[%dma_wait3A_106, %dma_wait3A_107] : memref<128x64xf32, #tpu.memory_space<vmem>> -> memref<125x64xf32, #tpu.memory_space<vmem>>
    %dma_wait3A_109 = arith.constant 0 : i32
    %dma_wait3A_110 = tpu.memref_slice %arg9[%dma_wait3A_105, %dma_wait3A_109] : memref<40x125xi32, #tpu.memory_space<vmem>> -> memref<1x125xi32, #tpu.memory_space<vmem>>
    %dma_wait3A_111 = tpu.memref_squeeze %dma_wait3A_110 : memref<1x125xi32, #tpu.memory_space<vmem>> -> memref<125xi32, #tpu.memory_space<vmem>>
    %dma_wait3A_112 = arith.constant 0 : i32
    %dma_wait3A_113 = arith.constant 0 : i32
    %dma_wait3A_114 = tpu.memref_slice %arg7[%dma_wait3A_112, %dma_wait3A_113] : memref<10240x64xf32, #tpu.memory_space<vmem_shared>> -> memref<10240x64xf32, #tpu.memory_space<vmem_shared>>
    tpu.wait_indirect_dma semaphore(%arg15 : memref<!tpu.dma_semaphore, #tpu.memory_space<semaphore_mem>>) src(%dma_wait3A_108 : memref<125x64xf32, #tpu.memory_space<vmem>>) dst(%dma_wait3A_114 : memref<10240x64xf32, #tpu.memory_space<vmem_shared>>)
    %barrier3A_115 = arith.constant 0 : index
    tpu.barrier barrier_id(%barrier3A_115)
    %mul3A = arith.constant 640 : i32
    %mul3A_116 = arith.muli %arg1, %mul3A : i32
    "tpu.region"() ({
      %run_scoped3A = tpu.sem_alloc : memref<!tpu.dma_semaphore, #tpu.memory_space<semaphore_mem>>
      %dma_start3A_117 = arith.constant 0 : i32
      %dma_start3A_118 = tpu.memref_slice %arg5[%arg0, %mul3A_116, %dma_start3A_117] : memref<2x10240x64xf32, #tpu.memory_space<hbm>> -> memref<1x640x64xf32, #tpu.memory_space<hbm>>
      %dma_start3A_119 = tpu.memref_squeeze %dma_start3A_118 : memref<1x640x64xf32, #tpu.memory_space<hbm>> -> memref<640x64xf32, #tpu.memory_space<hbm>>
      %dma_start3A_120 = arith.constant 0 : i32
      %dma_start3A_121 = tpu.memref_slice %arg7[%mul3A_116, %dma_start3A_120] : memref<10240x64xf32, #tpu.memory_space<vmem_shared>> -> memref<640x64xf32, #tpu.memory_space<vmem_shared>>
      tpu.enqueue_dma source(%dma_start3A_121 : memref<640x64xf32, #tpu.memory_space<vmem_shared>>) target(%dma_start3A_119 : memref<640x64xf32, #tpu.memory_space<hbm>>) target_semaphore(%run_scoped3A : memref<!tpu.dma_semaphore, #tpu.memory_space<semaphore_mem>>)
      %dma_wait3A_122 = arith.constant 0 : i32
      %dma_wait3A_123 = tpu.memref_slice %arg5[%arg0, %mul3A_116, %dma_wait3A_122] : memref<2x10240x64xf32, #tpu.memory_space<hbm>> -> memref<1x640x64xf32, #tpu.memory_space<hbm>>
      %dma_wait3A_124 = tpu.memref_squeeze %dma_wait3A_123 : memref<1x640x64xf32, #tpu.memory_space<hbm>> -> memref<640x64xf32, #tpu.memory_space<hbm>>
      %dma_wait3A_125 = arith.constant 0 : i32
      %dma_wait3A_126 = tpu.memref_slice %arg7[%mul3A_116, %dma_wait3A_125] : memref<10240x64xf32, #tpu.memory_space<vmem_shared>> -> memref<640x64xf32, #tpu.memory_space<vmem_shared>>
      tpu.wait_dma2 semaphore(%run_scoped3A : memref<!tpu.dma_semaphore, #tpu.memory_space<semaphore_mem>>) src(%dma_wait3A_126 : memref<640x64xf32, #tpu.memory_space<vmem_shared>>) dst(%dma_wait3A_124 : memref<640x64xf32, #tpu.memory_space<hbm>>)
      tpu.yield
    }) : () -> ()
    return
  }
}

#map = affine_map<(d0, d1) -> (0, 0, 0)>
module attributes {stable_mosaic.version = 14 : i64} {
  func.func @agg(%arg0: i32, %arg1: i32, %arg2: memref<2x10000x64xf32, #tpu.memory_space<hbm>>, %arg3: memref<16x160x125xi32, #tpu.memory_space<hbm>>, %arg4: memref<16x160x125xi32, #tpu.memory_space<hbm>>, %arg5: memref<2x10240x64xf32, #tpu.memory_space<hbm>>, %arg6: memref<10240x64xf32, #tpu.memory_space<vmem_shared>>, %arg7: memref<10240x64xf32, #tpu.memory_space<vmem_shared>>, %arg8: memref<40x125xi32, #tpu.memory_space<vmem>>, %arg9: memref<40x125xi32, #tpu.memory_space<vmem>>, %arg10: memref<128x64xf32, #tpu.memory_space<vmem>>, %arg11: memref<128x64xf32, #tpu.memory_space<vmem>>, %arg12: memref<!tpu.dma_semaphore, #tpu.memory_space<semaphore_mem>>, %arg13: memref<!tpu.dma_semaphore, #tpu.memory_space<semaphore_mem>>, %arg14: memref<!tpu.dma_semaphore, #tpu.memory_space<semaphore_mem>>, %arg15: memref<!tpu.dma_semaphore, #tpu.memory_space<semaphore_mem>>) attributes {dimension_semantics = [#tpu.dimension_semantics<core_parallel>, #tpu.dimension_semantics<subcore_parallel>], iteration_bounds = array<i64: 2, 16>, scalar_prefetch = 0 : i64, scratch_operands = 10 : i64, tpu.core_type = #tpu.core_type<sc_vector_subcore>, window_params = [{transform_indices = #map}, {transform_indices = #map}, {transform_indices = #map}, {transform_indices = #map}]} {
    %lt3A = arith.constant 10 : i32
    %lt3A_0 = arith.cmpi slt, %arg1, %lt3A : i32
    %convert_element_type3A = arith.extui %lt3A_0 : i1 to i32
    %cond3A = arith.constant 0 : i32
    %cond3A_1 = arith.cmpi ne, %convert_element_type3A, %cond3A : i32
    scf.if %cond3A_1 {
      %mul3A_117 = arith.constant 1000 : i32
      %mul3A_118 = arith.muli %arg1, %mul3A_117 : i32
      %mul3A_119 = arith.constant 1000 : i32
      %mul3A_120 = arith.muli %arg1, %mul3A_119 : i32
      "tpu.region"() ({
        %run_scoped3A = tpu.sem_alloc : memref<!tpu.dma_semaphore, #tpu.memory_space<semaphore_mem>>
        %dma_start3A_121 = arith.constant 0 : i32
        %dma_start3A_122 = tpu.memref_slice %arg6[%mul3A_120, %dma_start3A_121] : memref<10240x64xf32, #tpu.memory_space<vmem_shared>> -> memref<1000x64xf32, #tpu.memory_space<vmem_shared>>
        %dma_start3A_123 = arith.constant 0 : i32
        %dma_start3A_124 = tpu.memref_slice %arg2[%arg0, %mul3A_118, %dma_start3A_123] : memref<2x10000x64xf32, #tpu.memory_space<hbm>> -> memref<1x1000x64xf32, #tpu.memory_space<hbm>>
        %dma_start3A_125 = tpu.memref_squeeze %dma_start3A_124 : memref<1x1000x64xf32, #tpu.memory_space<hbm>> -> memref<1000x64xf32, #tpu.memory_space<hbm>>
        tpu.enqueue_dma source(%dma_start3A_125 : memref<1000x64xf32, #tpu.memory_space<hbm>>) target(%dma_start3A_122 : memref<1000x64xf32, #tpu.memory_space<vmem_shared>>) target_semaphore(%run_scoped3A : memref<!tpu.dma_semaphore, #tpu.memory_space<semaphore_mem>>)
        %dma_wait3A_126 = arith.constant 0 : i32
        %dma_wait3A_127 = tpu.memref_slice %arg6[%mul3A_120, %dma_wait3A_126] : memref<10240x64xf32, #tpu.memory_space<vmem_shared>> -> memref<1000x64xf32, #tpu.memory_space<vmem_shared>>
        %dma_wait3A_128 = arith.constant 0 : i32
        %dma_wait3A_129 = tpu.memref_slice %arg2[%arg0, %mul3A_118, %dma_wait3A_128] : memref<2x10000x64xf32, #tpu.memory_space<hbm>> -> memref<1x1000x64xf32, #tpu.memory_space<hbm>>
        %dma_wait3A_130 = tpu.memref_squeeze %dma_wait3A_129 : memref<1x1000x64xf32, #tpu.memory_space<hbm>> -> memref<1000x64xf32, #tpu.memory_space<hbm>>
        tpu.wait_dma2 semaphore(%run_scoped3A : memref<!tpu.dma_semaphore, #tpu.memory_space<semaphore_mem>>) src(%dma_wait3A_130 : memref<1000x64xf32, #tpu.memory_space<hbm>>) dst(%dma_wait3A_127 : memref<1000x64xf32, #tpu.memory_space<vmem_shared>>)
        tpu.yield
      }) : () -> ()
    } else {
    }
    %scan3A = arith.constant 0 : i32
    %scan3A_2 = arith.constant 0 : i32
    %scan3A_3 = arith.constant 128 : i32
    %scan3A_4 = arith.addi %scan3A_2, %scan3A_3 : i32
    %scan3A_5 = arith.constant 1 : i32
    scf.for %scan3A_117 = %scan3A_2 to %scan3A_4 step %scan3A_5  : i32 {
      %scan3A_118 = arith.constant 0 : i32
      %scan3A_119 = arith.constant 4 : i32
      %scan3A_120 = arith.addi %scan3A_118, %scan3A_119 : i32
      %scan3A_121 = arith.constant 1 : i32
      scf.for %scan3A_123 = %scan3A_118 to %scan3A_120 step %scan3A_121  : i32 {
        %broadcast_in_dim3A = arith.constant 0.000000e+00 : f32
        %broadcast_in_dim3A_124 = vector.broadcast %broadcast_in_dim3A : f32 to vector<16xf32>
        %mul3A_125 = arith.constant 16 : i32
        %mul3A_126 = arith.muli %scan3A_123, %mul3A_125 : i32
        %swap3A = arith.index_cast %scan3A_117 : i32 to index
        %swap3A_127 = arith.index_cast %mul3A_126 : i32 to index
        %swap3A_128 = tpu.vector_load %arg10[%swap3A, %swap3A_127] {strides = array<i32>} : memref<128x64xf32, #tpu.memory_space<vmem>>, vector<1x16xf32>,
        %swap3A_129 = vector.shape_cast %swap3A_128 : vector<1x16xf32> to vector<16xf32>
        %swap3A_130 = vector.shape_cast %broadcast_in_dim3A_124 : vector<16xf32> to vector<1x16xf32>
        tpu.vector_store %arg10[%swap3A, %swap3A_127], %swap3A_130 {strides = array<i32>} : memref<128x64xf32, #tpu.memory_space<vmem>>, vector<1x16xf32>,
      }
      %scan3A_122 = arith.constant 4 : i32
    }
    %scan3A_6 = arith.constant 128 : i32
    %scan3A_7 = arith.constant 0 : i32
    %scan3A_8 = arith.constant 0 : i32
    %scan3A_9 = arith.constant 5 : i32
    %scan3A_10 = arith.addi %scan3A_8, %scan3A_9 : i32
    %scan3A_11 = arith.constant 1 : i32
    scf.for %scan3A_117 = %scan3A_8 to %scan3A_10 step %scan3A_11  : i32 {
      %mul3A_118 = arith.constant 640 : i32
      %mul3A_119 = arith.muli %arg1, %mul3A_118 : i32
      %mul3A_120 = arith.constant 128 : i32
      %mul3A_121 = arith.muli %scan3A_117, %mul3A_120 : i32
      %add3A = arith.addi %mul3A_119, %mul3A_121 : i32
      "tpu.region"() ({
        %run_scoped3A = tpu.sem_alloc : memref<!tpu.dma_semaphore, #tpu.memory_space<semaphore_mem>>
        %dma_start3A_122 = arith.constant 0 : i32
        %dma_start3A_123 = tpu.memref_slice %arg7[%add3A, %dma_start3A_122] : memref<10240x64xf32, #tpu.memory_space<vmem_shared>> -> memref<128x64xf32, #tpu.memory_space<vmem_shared>>
        %dma_start3A_124 = arith.constant 0 : i32
        %dma_start3A_125 = tpu.memref_slice %arg7[%add3A, %dma_start3A_124] : memref<10240x64xf32, #tpu.memory_space<vmem_shared>> -> memref<128x64xf32, #tpu.memory_space<vmem_shared>>
        tpu.enqueue_dma source(%arg10 : memref<128x64xf32, #tpu.memory_space<vmem>>) target(%dma_start3A_125 : memref<128x64xf32, #tpu.memory_space<vmem_shared>>) target_semaphore(%run_scoped3A : memref<!tpu.dma_semaphore, #tpu.memory_space<semaphore_mem>>)
        %dma_wait3A_126 = arith.constant 0 : i32
        %dma_wait3A_127 = tpu.memref_slice %arg7[%add3A, %dma_wait3A_126] : memref<10240x64xf32, #tpu.memory_space<vmem_shared>> -> memref<128x64xf32, #tpu.memory_space<vmem_shared>>
        %dma_wait3A_128 = arith.constant 0 : i32
        %dma_wait3A_129 = tpu.memref_slice %arg7[%add3A, %dma_wait3A_128] : memref<10240x64xf32, #tpu.memory_space<vmem_shared>> -> memref<128x64xf32, #tpu.memory_space<vmem_shared>>
        tpu.wait_dma2 semaphore(%run_scoped3A : memref<!tpu.dma_semaphore, #tpu.memory_space<semaphore_mem>>) src(%arg10 : memref<128x64xf32, #tpu.memory_space<vmem>>) dst(%dma_wait3A_129 : memref<128x64xf32, #tpu.memory_space<vmem_shared>>)
        tpu.yield
      }) : () -> ()
    }
    %scan3A_12 = arith.constant 5 : i32
    %barrier3A = arith.constant 0 : index
    tpu.barrier barrier_id(%barrier3A)
    "tpu.region"() ({
      %run_scoped3A = tpu.sem_alloc : memref<!tpu.dma_semaphore, #tpu.memory_space<semaphore_mem>>
      %dma_start3A_117 = arith.constant 0 : i32
      %dma_start3A_118 = arith.constant 0 : i32
      %dma_start3A_119 = tpu.memref_slice %arg3[%arg1, %dma_start3A_117, %dma_start3A_118] : memref<16x160x125xi32, #tpu.memory_space<hbm>> -> memref<1x40x125xi32, #tpu.memory_space<hbm>>
      %dma_start3A_120 = tpu.memref_squeeze %dma_start3A_119 : memref<1x40x125xi32, #tpu.memory_space<hbm>> -> memref<40x125xi32, #tpu.memory_space<hbm>>
      %dma_start3A_121 = arith.constant 0 : i32
      %dma_start3A_122 = arith.constant 0 : i32
      %dma_start3A_123 = tpu.memref_slice %arg3[%arg1, %dma_start3A_121, %dma_start3A_122] : memref<16x160x125xi32, #tpu.memory_space<hbm>> -> memref<1x40x125xi32, #tpu.memory_space<hbm>>
      %dma_start3A_124 = tpu.memref_squeeze %dma_start3A_123 : memref<1x40x125xi32, #tpu.memory_space<hbm>> -> memref<40x125xi32, #tpu.memory_space<hbm>>
      tpu.enqueue_dma source(%dma_start3A_124 : memref<40x125xi32, #tpu.memory_space<hbm>>) target(%arg8 : memref<40x125xi32, #tpu.memory_space<vmem>>) target_semaphore(%run_scoped3A : memref<!tpu.dma_semaphore, #tpu.memory_space<semaphore_mem>>)
      %dma_wait3A_125 = arith.constant 0 : i32
      %dma_wait3A_126 = arith.constant 0 : i32
      %dma_wait3A_127 = tpu.memref_slice %arg3[%arg1, %dma_wait3A_125, %dma_wait3A_126] : memref<16x160x125xi32, #tpu.memory_space<hbm>> -> memref<1x40x125xi32, #tpu.memory_space<hbm>>
      %dma_wait3A_128 = tpu.memref_squeeze %dma_wait3A_127 : memref<1x40x125xi32, #tpu.memory_space<hbm>> -> memref<40x125xi32, #tpu.memory_space<hbm>>
      %dma_wait3A_129 = arith.constant 0 : i32
      %dma_wait3A_130 = arith.constant 0 : i32
      %dma_wait3A_131 = tpu.memref_slice %arg3[%arg1, %dma_wait3A_129, %dma_wait3A_130] : memref<16x160x125xi32, #tpu.memory_space<hbm>> -> memref<1x40x125xi32, #tpu.memory_space<hbm>>
      %dma_wait3A_132 = tpu.memref_squeeze %dma_wait3A_131 : memref<1x40x125xi32, #tpu.memory_space<hbm>> -> memref<40x125xi32, #tpu.memory_space<hbm>>
      tpu.wait_dma2 semaphore(%run_scoped3A : memref<!tpu.dma_semaphore, #tpu.memory_space<semaphore_mem>>) src(%dma_wait3A_132 : memref<40x125xi32, #tpu.memory_space<hbm>>) dst(%arg8 : memref<40x125xi32, #tpu.memory_space<vmem>>)
      tpu.yield
    }) : () -> ()
    "tpu.region"() ({
      %run_scoped3A = tpu.sem_alloc : memref<!tpu.dma_semaphore, #tpu.memory_space<semaphore_mem>>
      %dma_start3A_117 = arith.constant 0 : i32
      %dma_start3A_118 = arith.constant 0 : i32
      %dma_start3A_119 = tpu.memref_slice %arg4[%arg1, %dma_start3A_117, %dma_start3A_118] : memref<16x160x125xi32, #tpu.memory_space<hbm>> -> memref<1x40x125xi32, #tpu.memory_space<hbm>>
      %dma_start3A_120 = tpu.memref_squeeze %dma_start3A_119 : memref<1x40x125xi32, #tpu.memory_space<hbm>> -> memref<40x125xi32, #tpu.memory_space<hbm>>
      %dma_start3A_121 = arith.constant 0 : i32
      %dma_start3A_122 = arith.constant 0 : i32
      %dma_start3A_123 = tpu.memref_slice %arg4[%arg1, %dma_start3A_121, %dma_start3A_122] : memref<16x160x125xi32, #tpu.memory_space<hbm>> -> memref<1x40x125xi32, #tpu.memory_space<hbm>>
      %dma_start3A_124 = tpu.memref_squeeze %dma_start3A_123 : memref<1x40x125xi32, #tpu.memory_space<hbm>> -> memref<40x125xi32, #tpu.memory_space<hbm>>
      tpu.enqueue_dma source(%dma_start3A_124 : memref<40x125xi32, #tpu.memory_space<hbm>>) target(%arg9 : memref<40x125xi32, #tpu.memory_space<vmem>>) target_semaphore(%run_scoped3A : memref<!tpu.dma_semaphore, #tpu.memory_space<semaphore_mem>>)
      %dma_wait3A_125 = arith.constant 0 : i32
      %dma_wait3A_126 = arith.constant 0 : i32
      %dma_wait3A_127 = tpu.memref_slice %arg4[%arg1, %dma_wait3A_125, %dma_wait3A_126] : memref<16x160x125xi32, #tpu.memory_space<hbm>> -> memref<1x40x125xi32, #tpu.memory_space<hbm>>
      %dma_wait3A_128 = tpu.memref_squeeze %dma_wait3A_127 : memref<1x40x125xi32, #tpu.memory_space<hbm>> -> memref<40x125xi32, #tpu.memory_space<hbm>>
      %dma_wait3A_129 = arith.constant 0 : i32
      %dma_wait3A_130 = arith.constant 0 : i32
      %dma_wait3A_131 = tpu.memref_slice %arg4[%arg1, %dma_wait3A_129, %dma_wait3A_130] : memref<16x160x125xi32, #tpu.memory_space<hbm>> -> memref<1x40x125xi32, #tpu.memory_space<hbm>>
      %dma_wait3A_132 = tpu.memref_squeeze %dma_wait3A_131 : memref<1x40x125xi32, #tpu.memory_space<hbm>> -> memref<40x125xi32, #tpu.memory_space<hbm>>
      tpu.wait_dma2 semaphore(%run_scoped3A : memref<!tpu.dma_semaphore, #tpu.memory_space<semaphore_mem>>) src(%dma_wait3A_132 : memref<40x125xi32, #tpu.memory_space<hbm>>) dst(%arg9 : memref<40x125xi32, #tpu.memory_space<vmem>>)
      tpu.yield
    }) : () -> ()
    %dma_start3A = arith.constant 0 : i32
    %dma_start3A_13 = arith.constant 0 : i32
    %dma_start3A_14 = arith.constant 0 : i32
    %dma_start3A_15 = tpu.memref_slice %arg10[%dma_start3A_13, %dma_start3A_14] : memref<128x64xf32, #tpu.memory_space<vmem>> -> memref<125x64xf32, #tpu.memory_space<vmem>>
    %dma_start3A_16 = arith.constant 0 : i32
    %dma_start3A_17 = tpu.memref_slice %arg8[%dma_start3A, %dma_start3A_16] : memref<40x125xi32, #tpu.memory_space<vmem>> -> memref<1x125xi32, #tpu.memory_space<vmem>>
    %dma_start3A_18 = tpu.memref_squeeze %dma_start3A_17 : memref<1x125xi32, #tpu.memory_space<vmem>> -> memref<125xi32, #tpu.memory_space<vmem>>
    %dma_start3A_19 = arith.constant 0 : i32
    %dma_start3A_20 = arith.constant 0 : i32
    %dma_start3A_21 = tpu.memref_slice %arg6[%dma_start3A_19, %dma_start3A_20] : memref<10240x64xf32, #tpu.memory_space<vmem_shared>> -> memref<10240x64xf32, #tpu.memory_space<vmem_shared>>
    tpu.enqueue_indirect_dma source(%dma_start3A_21 : memref<10240x64xf32, #tpu.memory_space<vmem_shared>>) target(%dma_start3A_15 : memref<125x64xf32, #tpu.memory_space<vmem>>) offsets(%dma_start3A_18 : memref<125xi32, #tpu.memory_space<vmem>>) semaphore(%arg12 : memref<!tpu.dma_semaphore, #tpu.memory_space<semaphore_mem>>)
    %scan3A_22 = arith.constant 0 : i32
    %scan3A_23 = arith.constant 0 : i32
    %scan3A_24 = arith.constant 20 : i32
    %scan3A_25 = arith.addi %scan3A_23, %scan3A_24 : i32
    %scan3A_26 = arith.constant 1 : i32
    scf.for %scan3A_117 = %scan3A_23 to %scan3A_25 step %scan3A_26  : i32 {
      %mul3A_118 = arith.constant 2 : i32
      %mul3A_119 = arith.muli %mul3A_118, %scan3A_117 : i32
      %mul3A_120 = arith.constant 2 : i32
      %mul3A_121 = arith.muli %mul3A_120, %scan3A_117 : i32
      %add3A = arith.constant 1 : i32
      %add3A_122 = arith.addi %mul3A_121, %add3A : i32
      %dma_wait3A_123 = arith.constant 0 : i32
      %dma_wait3A_124 = arith.constant 0 : i32
      %dma_wait3A_125 = tpu.memref_slice %arg10[%dma_wait3A_123, %dma_wait3A_124] : memref<128x64xf32, #tpu.memory_space<vmem>> -> memref<125x64xf32, #tpu.memory_space<vmem>>
      %dma_wait3A_126 = arith.constant 0 : i32
      %dma_wait3A_127 = tpu.memref_slice %arg8[%mul3A_119, %dma_wait3A_126] : memref<40x125xi32, #tpu.memory_space<vmem>> -> memref<1x125xi32, #tpu.memory_space<vmem>>
      %dma_wait3A_128 = tpu.memref_squeeze %dma_wait3A_127 : memref<1x125xi32, #tpu.memory_space<vmem>> -> memref<125xi32, #tpu.memory_space<vmem>>
      %dma_wait3A_129 = arith.constant 0 : i32
      %dma_wait3A_130 = arith.constant 0 : i32
      %dma_wait3A_131 = tpu.memref_slice %arg6[%dma_wait3A_129, %dma_wait3A_130] : memref<10240x64xf32, #tpu.memory_space<vmem_shared>> -> memref<10240x64xf32, #tpu.memory_space<vmem_shared>>
      tpu.wait_indirect_dma semaphore(%arg12 : memref<!tpu.dma_semaphore, #tpu.memory_space<semaphore_mem>>) src(%dma_wait3A_131 : memref<10240x64xf32, #tpu.memory_space<vmem_shared>>) dst(%dma_wait3A_125 : memref<125x64xf32, #tpu.memory_space<vmem>>)
      %dma_start3A_132 = arith.constant 0 : i32
      %dma_start3A_133 = arith.constant 0 : i32
      %dma_start3A_134 = tpu.memref_slice %arg10[%dma_start3A_132, %dma_start3A_133] : memref<128x64xf32, #tpu.memory_space<vmem>> -> memref<125x64xf32, #tpu.memory_space<vmem>>
      %dma_start3A_135 = arith.constant 0 : i32
      %dma_start3A_136 = tpu.memref_slice %arg9[%mul3A_119, %dma_start3A_135] : memref<40x125xi32, #tpu.memory_space<vmem>> -> memref<1x125xi32, #tpu.memory_space<vmem>>
      %dma_start3A_137 = tpu.memref_squeeze %dma_start3A_136 : memref<1x125xi32, #tpu.memory_space<vmem>> -> memref<125xi32, #tpu.memory_space<vmem>>
      %dma_start3A_138 = arith.constant 0 : i32
      %dma_start3A_139 = arith.constant 0 : i32
      %dma_start3A_140 = tpu.memref_slice %arg7[%dma_start3A_138, %dma_start3A_139] : memref<10240x64xf32, #tpu.memory_space<vmem_shared>> -> memref<10240x64xf32, #tpu.memory_space<vmem_shared>>
      tpu.enqueue_indirect_dma source(%dma_start3A_134 : memref<125x64xf32, #tpu.memory_space<vmem>>) target(%dma_start3A_140 : memref<10240x64xf32, #tpu.memory_space<vmem_shared>>) offsets(%dma_start3A_137 : memref<125xi32, #tpu.memory_space<vmem>>) semaphore(%arg14 : memref<!tpu.dma_semaphore, #tpu.memory_space<semaphore_mem>>) {add = true}
      %gt3A = arith.constant 0 : i32
      %gt3A_141 = arith.cmpi sgt, %scan3A_117, %gt3A : i32
      %convert_element_type3A_142 = arith.extui %gt3A_141 : i1 to i32
      %cond3A_143 = arith.constant 0 : i32
      %cond3A_144 = arith.cmpi ne, %convert_element_type3A_142, %cond3A_143 : i32
      scf.if %cond3A_144 {
        %dma_wait3A_186 = arith.constant 0 : i32
        %dma_wait3A_187 = arith.constant 0 : i32
        %dma_wait3A_188 = tpu.memref_slice %arg11[%dma_wait3A_186, %dma_wait3A_187] : memref<128x64xf32, #tpu.memory_space<vmem>> -> memref<125x64xf32, #tpu.memory_space<vmem>>
        %dma_wait3A_189 = arith.constant 0 : i32
        %dma_wait3A_190 = tpu.memref_slice %arg9[%add3A_122, %dma_wait3A_189] : memref<40x125xi32, #tpu.memory_space<vmem>> -> memref<1x125xi32, #tpu.memory_space<vmem>>
        %dma_wait3A_191 = tpu.memref_squeeze %dma_wait3A_190 : memref<1x125xi32, #tpu.memory_space<vmem>> -> memref<125xi32, #tpu.memory_space<vmem>>
        %dma_wait3A_192 = arith.constant 0 : i32
        %dma_wait3A_193 = arith.constant 0 : i32
        %dma_wait3A_194 = tpu.memref_slice %arg7[%dma_wait3A_192, %dma_wait3A_193] : memref<10240x64xf32, #tpu.memory_space<vmem_shared>> -> memref<10240x64xf32, #tpu.memory_space<vmem_shared>>
        tpu.wait_indirect_dma semaphore(%arg15 : memref<!tpu.dma_semaphore, #tpu.memory_space<semaphore_mem>>) src(%dma_wait3A_188 : memref<125x64xf32, #tpu.memory_space<vmem>>) dst(%dma_wait3A_194 : memref<10240x64xf32, #tpu.memory_space<vmem_shared>>)
      } else {
      }
      %dma_start3A_145 = arith.constant 0 : i32
      %dma_start3A_146 = arith.constant 0 : i32
      %dma_start3A_147 = tpu.memref_slice %arg11[%dma_start3A_145, %dma_start3A_146] : memref<128x64xf32, #tpu.memory_space<vmem>> -> memref<125x64xf32, #tpu.memory_space<vmem>>
      %dma_start3A_148 = arith.constant 0 : i32
      %dma_start3A_149 = tpu.memref_slice %arg8[%add3A_122, %dma_start3A_148] : memref<40x125xi32, #tpu.memory_space<vmem>> -> memref<1x125xi32, #tpu.memory_space<vmem>>
      %dma_start3A_150 = tpu.memref_squeeze %dma_start3A_149 : memref<1x125xi32, #tpu.memory_space<vmem>> -> memref<125xi32, #tpu.memory_space<vmem>>
      %dma_start3A_151 = arith.constant 0 : i32
      %dma_start3A_152 = arith.constant 0 : i32
      %dma_start3A_153 = tpu.memref_slice %arg6[%dma_start3A_151, %dma_start3A_152] : memref<10240x64xf32, #tpu.memory_space<vmem_shared>> -> memref<10240x64xf32, #tpu.memory_space<vmem_shared>>
      tpu.enqueue_indirect_dma source(%dma_start3A_153 : memref<10240x64xf32, #tpu.memory_space<vmem_shared>>) target(%dma_start3A_147 : memref<125x64xf32, #tpu.memory_space<vmem>>) offsets(%dma_start3A_150 : memref<125xi32, #tpu.memory_space<vmem>>) semaphore(%arg13 : memref<!tpu.dma_semaphore, #tpu.memory_space<semaphore_mem>>)
      %dma_wait3A_154 = arith.constant 0 : i32
      %dma_wait3A_155 = arith.constant 0 : i32
      %dma_wait3A_156 = tpu.memref_slice %arg11[%dma_wait3A_154, %dma_wait3A_155] : memref<128x64xf32, #tpu.memory_space<vmem>> -> memref<125x64xf32, #tpu.memory_space<vmem>>
      %dma_wait3A_157 = arith.constant 0 : i32
      %dma_wait3A_158 = tpu.memref_slice %arg8[%add3A_122, %dma_wait3A_157] : memref<40x125xi32, #tpu.memory_space<vmem>> -> memref<1x125xi32, #tpu.memory_space<vmem>>
      %dma_wait3A_159 = tpu.memref_squeeze %dma_wait3A_158 : memref<1x125xi32, #tpu.memory_space<vmem>> -> memref<125xi32, #tpu.memory_space<vmem>>
      %dma_wait3A_160 = arith.constant 0 : i32
      %dma_wait3A_161 = arith.constant 0 : i32
      %dma_wait3A_162 = tpu.memref_slice %arg6[%dma_wait3A_160, %dma_wait3A_161] : memref<10240x64xf32, #tpu.memory_space<vmem_shared>> -> memref<10240x64xf32, #tpu.memory_space<vmem_shared>>
      tpu.wait_indirect_dma semaphore(%arg13 : memref<!tpu.dma_semaphore, #tpu.memory_space<semaphore_mem>>) src(%dma_wait3A_162 : memref<10240x64xf32, #tpu.memory_space<vmem_shared>>) dst(%dma_wait3A_156 : memref<125x64xf32, #tpu.memory_space<vmem>>)
      %dma_start3A_163 = arith.constant 0 : i32
      %dma_start3A_164 = arith.constant 0 : i32
      %dma_start3A_165 = tpu.memref_slice %arg11[%dma_start3A_163, %dma_start3A_164] : memref<128x64xf32, #tpu.memory_space<vmem>> -> memref<125x64xf32, #tpu.memory_space<vmem>>
      %dma_start3A_166 = arith.constant 0 : i32
      %dma_start3A_167 = tpu.memref_slice %arg9[%add3A_122, %dma_start3A_166] : memref<40x125xi32, #tpu.memory_space<vmem>> -> memref<1x125xi32, #tpu.memory_space<vmem>>
      %dma_start3A_168 = tpu.memref_squeeze %dma_start3A_167 : memref<1x125xi32, #tpu.memory_space<vmem>> -> memref<125xi32, #tpu.memory_space<vmem>>
      %dma_start3A_169 = arith.constant 0 : i32
      %dma_start3A_170 = arith.constant 0 : i32
      %dma_start3A_171 = tpu.memref_slice %arg7[%dma_start3A_169, %dma_start3A_170] : memref<10240x64xf32, #tpu.memory_space<vmem_shared>> -> memref<10240x64xf32, #tpu.memory_space<vmem_shared>>
      tpu.enqueue_indirect_dma source(%dma_start3A_165 : memref<125x64xf32, #tpu.memory_space<vmem>>) target(%dma_start3A_171 : memref<10240x64xf32, #tpu.memory_space<vmem_shared>>) offsets(%dma_start3A_168 : memref<125xi32, #tpu.memory_space<vmem>>) semaphore(%arg15 : memref<!tpu.dma_semaphore, #tpu.memory_space<semaphore_mem>>) {add = true}
      %dma_wait3A_172 = arith.constant 0 : i32
      %dma_wait3A_173 = arith.constant 0 : i32
      %dma_wait3A_174 = tpu.memref_slice %arg10[%dma_wait3A_172, %dma_wait3A_173] : memref<128x64xf32, #tpu.memory_space<vmem>> -> memref<125x64xf32, #tpu.memory_space<vmem>>
      %dma_wait3A_175 = arith.constant 0 : i32
      %dma_wait3A_176 = tpu.memref_slice %arg9[%mul3A_119, %dma_wait3A_175] : memref<40x125xi32, #tpu.memory_space<vmem>> -> memref<1x125xi32, #tpu.memory_space<vmem>>
      %dma_wait3A_177 = tpu.memref_squeeze %dma_wait3A_176 : memref<1x125xi32, #tpu.memory_space<vmem>> -> memref<125xi32, #tpu.memory_space<vmem>>
      %dma_wait3A_178 = arith.constant 0 : i32
      %dma_wait3A_179 = arith.constant 0 : i32
      %dma_wait3A_180 = tpu.memref_slice %arg7[%dma_wait3A_178, %dma_wait3A_179] : memref<10240x64xf32, #tpu.memory_space<vmem_shared>> -> memref<10240x64xf32, #tpu.memory_space<vmem_shared>>
      tpu.wait_indirect_dma semaphore(%arg14 : memref<!tpu.dma_semaphore, #tpu.memory_space<semaphore_mem>>) src(%dma_wait3A_174 : memref<125x64xf32, #tpu.memory_space<vmem>>) dst(%dma_wait3A_180 : memref<10240x64xf32, #tpu.memory_space<vmem_shared>>)
      %lt3A_181 = arith.constant 19 : i32
      %lt3A_182 = arith.cmpi slt, %scan3A_117, %lt3A_181 : i32
      %convert_element_type3A_183 = arith.extui %lt3A_182 : i1 to i32
      %cond3A_184 = arith.constant 0 : i32
      %cond3A_185 = arith.cmpi ne, %convert_element_type3A_183, %cond3A_184 : i32
      scf.if %cond3A_185 {
        %mul3A_186 = arith.constant 2 : i32
        %mul3A_187 = arith.muli %mul3A_186, %scan3A_117 : i32
        %add3A_188 = arith.constant 2 : i32
        %add3A_189 = arith.addi %mul3A_187, %add3A_188 : i32
        %dma_start3A_190 = arith.constant 0 : i32
        %dma_start3A_191 = arith.constant 0 : i32
        %dma_start3A_192 = tpu.memref_slice %arg10[%dma_start3A_190, %dma_start3A_191] : memref<128x64xf32, #tpu.memory_space<vmem>> -> memref<125x64xf32, #tpu.memory_space<vmem>>
        %dma_start3A_193 = arith.constant 0 : i32
        %dma_start3A_194 = tpu.memref_slice %arg8[%add3A_189, %dma_start3A_193] : memref<40x125xi32, #tpu.memory_space<vmem>> -> memref<1x125xi32, #tpu.memory_space<vmem>>
        %dma_start3A_195 = tpu.memref_squeeze %dma_start3A_194 : memref<1x125xi32, #tpu.memory_space<vmem>> -> memref<125xi32, #tpu.memory_space<vmem>>
        %dma_start3A_196 = arith.constant 0 : i32
        %dma_start3A_197 = arith.constant 0 : i32
        %dma_start3A_198 = tpu.memref_slice %arg6[%dma_start3A_196, %dma_start3A_197] : memref<10240x64xf32, #tpu.memory_space<vmem_shared>> -> memref<10240x64xf32, #tpu.memory_space<vmem_shared>>
        tpu.enqueue_indirect_dma source(%dma_start3A_198 : memref<10240x64xf32, #tpu.memory_space<vmem_shared>>) target(%dma_start3A_192 : memref<125x64xf32, #tpu.memory_space<vmem>>) offsets(%dma_start3A_195 : memref<125xi32, #tpu.memory_space<vmem>>) semaphore(%arg12 : memref<!tpu.dma_semaphore, #tpu.memory_space<semaphore_mem>>)
      } else {
      }
    }
    %scan3A_27 = arith.constant 20 : i32
    %dma_wait3A = arith.constant 39 : i32
    %dma_wait3A_28 = arith.constant 0 : i32
    %dma_wait3A_29 = arith.constant 0 : i32
    %dma_wait3A_30 = tpu.memref_slice %arg11[%dma_wait3A_28, %dma_wait3A_29] : memref<128x64xf32, #tpu.memory_space<vmem>> -> memref<125x64xf32, #tpu.memory_space<vmem>>
    %dma_wait3A_31 = arith.constant 0 : i32
    %dma_wait3A_32 = tpu.memref_slice %arg9[%dma_wait3A, %dma_wait3A_31] : memref<40x125xi32, #tpu.memory_space<vmem>> -> memref<1x125xi32, #tpu.memory_space<vmem>>
    %dma_wait3A_33 = tpu.memref_squeeze %dma_wait3A_32 : memref<1x125xi32, #tpu.memory_space<vmem>> -> memref<125xi32, #tpu.memory_space<vmem>>
    %dma_wait3A_34 = arith.constant 0 : i32
    %dma_wait3A_35 = arith.constant 0 : i32
    %dma_wait3A_36 = tpu.memref_slice %arg7[%dma_wait3A_34, %dma_wait3A_35] : memref<10240x64xf32, #tpu.memory_space<vmem_shared>> -> memref<10240x64xf32, #tpu.memory_space<vmem_shared>>
    tpu.wait_indirect_dma semaphore(%arg15 : memref<!tpu.dma_semaphore, #tpu.memory_space<semaphore_mem>>) src(%dma_wait3A_30 : memref<125x64xf32, #tpu.memory_space<vmem>>) dst(%dma_wait3A_36 : memref<10240x64xf32, #tpu.memory_space<vmem_shared>>)
    "tpu.region"() ({
      %run_scoped3A = tpu.sem_alloc : memref<!tpu.dma_semaphore, #tpu.memory_space<semaphore_mem>>
      %dma_start3A_117 = arith.constant 40 : i32
      %dma_start3A_118 = arith.constant 0 : i32
      %dma_start3A_119 = tpu.memref_slice %arg3[%arg1, %dma_start3A_117, %dma_start3A_118] : memref<16x160x125xi32, #tpu.memory_space<hbm>> -> memref<1x40x125xi32, #tpu.memory_space<hbm>>
      %dma_start3A_120 = tpu.memref_squeeze %dma_start3A_119 : memref<1x40x125xi32, #tpu.memory_space<hbm>> -> memref<40x125xi32, #tpu.memory_space<hbm>>
      %dma_start3A_121 = arith.constant 40 : i32
      %dma_start3A_122 = arith.constant 0 : i32
      %dma_start3A_123 = tpu.memref_slice %arg3[%arg1, %dma_start3A_121, %dma_start3A_122] : memref<16x160x125xi32, #tpu.memory_space<hbm>> -> memref<1x40x125xi32, #tpu.memory_space<hbm>>
      %dma_start3A_124 = tpu.memref_squeeze %dma_start3A_123 : memref<1x40x125xi32, #tpu.memory_space<hbm>> -> memref<40x125xi32, #tpu.memory_space<hbm>>
      tpu.enqueue_dma source(%dma_start3A_124 : memref<40x125xi32, #tpu.memory_space<hbm>>) target(%arg8 : memref<40x125xi32, #tpu.memory_space<vmem>>) target_semaphore(%run_scoped3A : memref<!tpu.dma_semaphore, #tpu.memory_space<semaphore_mem>>)
      %dma_wait3A_125 = arith.constant 40 : i32
      %dma_wait3A_126 = arith.constant 0 : i32
      %dma_wait3A_127 = tpu.memref_slice %arg3[%arg1, %dma_wait3A_125, %dma_wait3A_126] : memref<16x160x125xi32, #tpu.memory_space<hbm>> -> memref<1x40x125xi32, #tpu.memory_space<hbm>>
      %dma_wait3A_128 = tpu.memref_squeeze %dma_wait3A_127 : memref<1x40x125xi32, #tpu.memory_space<hbm>> -> memref<40x125xi32, #tpu.memory_space<hbm>>
      %dma_wait3A_129 = arith.constant 40 : i32
      %dma_wait3A_130 = arith.constant 0 : i32
      %dma_wait3A_131 = tpu.memref_slice %arg3[%arg1, %dma_wait3A_129, %dma_wait3A_130] : memref<16x160x125xi32, #tpu.memory_space<hbm>> -> memref<1x40x125xi32, #tpu.memory_space<hbm>>
      %dma_wait3A_132 = tpu.memref_squeeze %dma_wait3A_131 : memref<1x40x125xi32, #tpu.memory_space<hbm>> -> memref<40x125xi32, #tpu.memory_space<hbm>>
      tpu.wait_dma2 semaphore(%run_scoped3A : memref<!tpu.dma_semaphore, #tpu.memory_space<semaphore_mem>>) src(%dma_wait3A_132 : memref<40x125xi32, #tpu.memory_space<hbm>>) dst(%arg8 : memref<40x125xi32, #tpu.memory_space<vmem>>)
      tpu.yield
    }) : () -> ()
    "tpu.region"() ({
      %run_scoped3A = tpu.sem_alloc : memref<!tpu.dma_semaphore, #tpu.memory_space<semaphore_mem>>
      %dma_start3A_117 = arith.constant 40 : i32
      %dma_start3A_118 = arith.constant 0 : i32
      %dma_start3A_119 = tpu.memref_slice %arg4[%arg1, %dma_start3A_117, %dma_start3A_118] : memref<16x160x125xi32, #tpu.memory_space<hbm>> -> memref<1x40x125xi32, #tpu.memory_space<hbm>>
      %dma_start3A_120 = tpu.memref_squeeze %dma_start3A_119 : memref<1x40x125xi32, #tpu.memory_space<hbm>> -> memref<40x125xi32, #tpu.memory_space<hbm>>
      %dma_start3A_121 = arith.constant 40 : i32
      %dma_start3A_122 = arith.constant 0 : i32
      %dma_start3A_123 = tpu.memref_slice %arg4[%arg1, %dma_start3A_121, %dma_start3A_122] : memref<16x160x125xi32, #tpu.memory_space<hbm>> -> memref<1x40x125xi32, #tpu.memory_space<hbm>>
      %dma_start3A_124 = tpu.memref_squeeze %dma_start3A_123 : memref<1x40x125xi32, #tpu.memory_space<hbm>> -> memref<40x125xi32, #tpu.memory_space<hbm>>
      tpu.enqueue_dma source(%dma_start3A_124 : memref<40x125xi32, #tpu.memory_space<hbm>>) target(%arg9 : memref<40x125xi32, #tpu.memory_space<vmem>>) target_semaphore(%run_scoped3A : memref<!tpu.dma_semaphore, #tpu.memory_space<semaphore_mem>>)
      %dma_wait3A_125 = arith.constant 40 : i32
      %dma_wait3A_126 = arith.constant 0 : i32
      %dma_wait3A_127 = tpu.memref_slice %arg4[%arg1, %dma_wait3A_125, %dma_wait3A_126] : memref<16x160x125xi32, #tpu.memory_space<hbm>> -> memref<1x40x125xi32, #tpu.memory_space<hbm>>
      %dma_wait3A_128 = tpu.memref_squeeze %dma_wait3A_127 : memref<1x40x125xi32, #tpu.memory_space<hbm>> -> memref<40x125xi32, #tpu.memory_space<hbm>>
      %dma_wait3A_129 = arith.constant 40 : i32
      %dma_wait3A_130 = arith.constant 0 : i32
      %dma_wait3A_131 = tpu.memref_slice %arg4[%arg1, %dma_wait3A_129, %dma_wait3A_130] : memref<16x160x125xi32, #tpu.memory_space<hbm>> -> memref<1x40x125xi32, #tpu.memory_space<hbm>>
      %dma_wait3A_132 = tpu.memref_squeeze %dma_wait3A_131 : memref<1x40x125xi32, #tpu.memory_space<hbm>> -> memref<40x125xi32, #tpu.memory_space<hbm>>
      tpu.wait_dma2 semaphore(%run_scoped3A : memref<!tpu.dma_semaphore, #tpu.memory_space<semaphore_mem>>) src(%dma_wait3A_132 : memref<40x125xi32, #tpu.memory_space<hbm>>) dst(%arg9 : memref<40x125xi32, #tpu.memory_space<vmem>>)
      tpu.yield
    }) : () -> ()
    %dma_start3A_37 = arith.constant 0 : i32
    %dma_start3A_38 = arith.constant 0 : i32
    %dma_start3A_39 = arith.constant 0 : i32
    %dma_start3A_40 = tpu.memref_slice %arg10[%dma_start3A_38, %dma_start3A_39] : memref<128x64xf32, #tpu.memory_space<vmem>> -> memref<125x64xf32, #tpu.memory_space<vmem>>
    %dma_start3A_41 = arith.constant 0 : i32
    %dma_start3A_42 = tpu.memref_slice %arg8[%dma_start3A_37, %dma_start3A_41] : memref<40x125xi32, #tpu.memory_space<vmem>> -> memref<1x125xi32, #tpu.memory_space<vmem>>
    %dma_start3A_43 = tpu.memref_squeeze %dma_start3A_42 : memref<1x125xi32, #tpu.memory_space<vmem>> -> memref<125xi32, #tpu.memory_space<vmem>>
    %dma_start3A_44 = arith.constant 0 : i32
    %dma_start3A_45 = arith.constant 0 : i32
    %dma_start3A_46 = tpu.memref_slice %arg6[%dma_start3A_44, %dma_start3A_45] : memref<10240x64xf32, #tpu.memory_space<vmem_shared>> -> memref<10240x64xf32, #tpu.memory_space<vmem_shared>>
    tpu.enqueue_indirect_dma source(%dma_start3A_46 : memref<10240x64xf32, #tpu.memory_space<vmem_shared>>) target(%dma_start3A_40 : memref<125x64xf32, #tpu.memory_space<vmem>>) offsets(%dma_start3A_43 : memref<125xi32, #tpu.memory_space<vmem>>) semaphore(%arg12 : memref<!tpu.dma_semaphore, #tpu.memory_space<semaphore_mem>>)
    %scan3A_47 = arith.constant 0 : i32
    %scan3A_48 = arith.constant 0 : i32
    %scan3A_49 = arith.constant 20 : i32
    %scan3A_50 = arith.addi %scan3A_48, %scan3A_49 : i32
    %scan3A_51 = arith.constant 1 : i32
    scf.for %scan3A_117 = %scan3A_48 to %scan3A_50 step %scan3A_51  : i32 {
      %mul3A_118 = arith.constant 2 : i32
      %mul3A_119 = arith.muli %mul3A_118, %scan3A_117 : i32
      %mul3A_120 = arith.constant 2 : i32
      %mul3A_121 = arith.muli %mul3A_120, %scan3A_117 : i32
      %add3A = arith.constant 1 : i32
      %add3A_122 = arith.addi %mul3A_121, %add3A : i32
      %dma_wait3A_123 = arith.constant 0 : i32
      %dma_wait3A_124 = arith.constant 0 : i32
      %dma_wait3A_125 = tpu.memref_slice %arg10[%dma_wait3A_123, %dma_wait3A_124] : memref<128x64xf32, #tpu.memory_space<vmem>> -> memref<125x64xf32, #tpu.memory_space<vmem>>
      %dma_wait3A_126 = arith.constant 0 : i32
      %dma_wait3A_127 = tpu.memref_slice %arg8[%mul3A_119, %dma_wait3A_126] : memref<40x125xi32, #tpu.memory_space<vmem>> -> memref<1x125xi32, #tpu.memory_space<vmem>>
      %dma_wait3A_128 = tpu.memref_squeeze %dma_wait3A_127 : memref<1x125xi32, #tpu.memory_space<vmem>> -> memref<125xi32, #tpu.memory_space<vmem>>
      %dma_wait3A_129 = arith.constant 0 : i32
      %dma_wait3A_130 = arith.constant 0 : i32
      %dma_wait3A_131 = tpu.memref_slice %arg6[%dma_wait3A_129, %dma_wait3A_130] : memref<10240x64xf32, #tpu.memory_space<vmem_shared>> -> memref<10240x64xf32, #tpu.memory_space<vmem_shared>>
      tpu.wait_indirect_dma semaphore(%arg12 : memref<!tpu.dma_semaphore, #tpu.memory_space<semaphore_mem>>) src(%dma_wait3A_131 : memref<10240x64xf32, #tpu.memory_space<vmem_shared>>) dst(%dma_wait3A_125 : memref<125x64xf32, #tpu.memory_space<vmem>>)
      %dma_start3A_132 = arith.constant 0 : i32
      %dma_start3A_133 = arith.constant 0 : i32
      %dma_start3A_134 = tpu.memref_slice %arg10[%dma_start3A_132, %dma_start3A_133] : memref<128x64xf32, #tpu.memory_space<vmem>> -> memref<125x64xf32, #tpu.memory_space<vmem>>
      %dma_start3A_135 = arith.constant 0 : i32
      %dma_start3A_136 = tpu.memref_slice %arg9[%mul3A_119, %dma_start3A_135] : memref<40x125xi32, #tpu.memory_space<vmem>> -> memref<1x125xi32, #tpu.memory_space<vmem>>
      %dma_start3A_137 = tpu.memref_squeeze %dma_start3A_136 : memref<1x125xi32, #tpu.memory_space<vmem>> -> memref<125xi32, #tpu.memory_space<vmem>>
      %dma_start3A_138 = arith.constant 0 : i32
      %dma_start3A_139 = arith.constant 0 : i32
      %dma_start3A_140 = tpu.memref_slice %arg7[%dma_start3A_138, %dma_start3A_139] : memref<10240x64xf32, #tpu.memory_space<vmem_shared>> -> memref<10240x64xf32, #tpu.memory_space<vmem_shared>>
      tpu.enqueue_indirect_dma source(%dma_start3A_134 : memref<125x64xf32, #tpu.memory_space<vmem>>) target(%dma_start3A_140 : memref<10240x64xf32, #tpu.memory_space<vmem_shared>>) offsets(%dma_start3A_137 : memref<125xi32, #tpu.memory_space<vmem>>) semaphore(%arg14 : memref<!tpu.dma_semaphore, #tpu.memory_space<semaphore_mem>>) {add = true}
      %gt3A = arith.constant 0 : i32
      %gt3A_141 = arith.cmpi sgt, %scan3A_117, %gt3A : i32
      %convert_element_type3A_142 = arith.extui %gt3A_141 : i1 to i32
      %cond3A_143 = arith.constant 0 : i32
      %cond3A_144 = arith.cmpi ne, %convert_element_type3A_142, %cond3A_143 : i32
      scf.if %cond3A_144 {
        %dma_wait3A_186 = arith.constant 0 : i32
        %dma_wait3A_187 = arith.constant 0 : i32
        %dma_wait3A_188 = tpu.memref_slice %arg11[%dma_wait3A_186, %dma_wait3A_187] : memref<128x64xf32, #tpu.memory_space<vmem>> -> memref<125x64xf32, #tpu.memory_space<vmem>>
        %dma_wait3A_189 = arith.constant 0 : i32
        %dma_wait3A_190 = tpu.memref_slice %arg9[%add3A_122, %dma_wait3A_189] : memref<40x125xi32, #tpu.memory_space<vmem>> -> memref<1x125xi32, #tpu.memory_space<vmem>>
        %dma_wait3A_191 = tpu.memref_squeeze %dma_wait3A_190 : memref<1x125xi32, #tpu.memory_space<vmem>> -> memref<125xi32, #tpu.memory_space<vmem>>
        %dma_wait3A_192 = arith.constant 0 : i32
        %dma_wait3A_193 = arith.constant 0 : i32
        %dma_wait3A_194 = tpu.memref_slice %arg7[%dma_wait3A_192, %dma_wait3A_193] : memref<10240x64xf32, #tpu.memory_space<vmem_shared>> -> memref<10240x64xf32, #tpu.memory_space<vmem_shared>>
        tpu.wait_indirect_dma semaphore(%arg15 : memref<!tpu.dma_semaphore, #tpu.memory_space<semaphore_mem>>) src(%dma_wait3A_188 : memref<125x64xf32, #tpu.memory_space<vmem>>) dst(%dma_wait3A_194 : memref<10240x64xf32, #tpu.memory_space<vmem_shared>>)
      } else {
      }
      %dma_start3A_145 = arith.constant 0 : i32
      %dma_start3A_146 = arith.constant 0 : i32
      %dma_start3A_147 = tpu.memref_slice %arg11[%dma_start3A_145, %dma_start3A_146] : memref<128x64xf32, #tpu.memory_space<vmem>> -> memref<125x64xf32, #tpu.memory_space<vmem>>
      %dma_start3A_148 = arith.constant 0 : i32
      %dma_start3A_149 = tpu.memref_slice %arg8[%add3A_122, %dma_start3A_148] : memref<40x125xi32, #tpu.memory_space<vmem>> -> memref<1x125xi32, #tpu.memory_space<vmem>>
      %dma_start3A_150 = tpu.memref_squeeze %dma_start3A_149 : memref<1x125xi32, #tpu.memory_space<vmem>> -> memref<125xi32, #tpu.memory_space<vmem>>
      %dma_start3A_151 = arith.constant 0 : i32
      %dma_start3A_152 = arith.constant 0 : i32
      %dma_start3A_153 = tpu.memref_slice %arg6[%dma_start3A_151, %dma_start3A_152] : memref<10240x64xf32, #tpu.memory_space<vmem_shared>> -> memref<10240x64xf32, #tpu.memory_space<vmem_shared>>
      tpu.enqueue_indirect_dma source(%dma_start3A_153 : memref<10240x64xf32, #tpu.memory_space<vmem_shared>>) target(%dma_start3A_147 : memref<125x64xf32, #tpu.memory_space<vmem>>) offsets(%dma_start3A_150 : memref<125xi32, #tpu.memory_space<vmem>>) semaphore(%arg13 : memref<!tpu.dma_semaphore, #tpu.memory_space<semaphore_mem>>)
      %dma_wait3A_154 = arith.constant 0 : i32
      %dma_wait3A_155 = arith.constant 0 : i32
      %dma_wait3A_156 = tpu.memref_slice %arg11[%dma_wait3A_154, %dma_wait3A_155] : memref<128x64xf32, #tpu.memory_space<vmem>> -> memref<125x64xf32, #tpu.memory_space<vmem>>
      %dma_wait3A_157 = arith.constant 0 : i32
      %dma_wait3A_158 = tpu.memref_slice %arg8[%add3A_122, %dma_wait3A_157] : memref<40x125xi32, #tpu.memory_space<vmem>> -> memref<1x125xi32, #tpu.memory_space<vmem>>
      %dma_wait3A_159 = tpu.memref_squeeze %dma_wait3A_158 : memref<1x125xi32, #tpu.memory_space<vmem>> -> memref<125xi32, #tpu.memory_space<vmem>>
      %dma_wait3A_160 = arith.constant 0 : i32
      %dma_wait3A_161 = arith.constant 0 : i32
      %dma_wait3A_162 = tpu.memref_slice %arg6[%dma_wait3A_160, %dma_wait3A_161] : memref<10240x64xf32, #tpu.memory_space<vmem_shared>> -> memref<10240x64xf32, #tpu.memory_space<vmem_shared>>
      tpu.wait_indirect_dma semaphore(%arg13 : memref<!tpu.dma_semaphore, #tpu.memory_space<semaphore_mem>>) src(%dma_wait3A_162 : memref<10240x64xf32, #tpu.memory_space<vmem_shared>>) dst(%dma_wait3A_156 : memref<125x64xf32, #tpu.memory_space<vmem>>)
      %dma_start3A_163 = arith.constant 0 : i32
      %dma_start3A_164 = arith.constant 0 : i32
      %dma_start3A_165 = tpu.memref_slice %arg11[%dma_start3A_163, %dma_start3A_164] : memref<128x64xf32, #tpu.memory_space<vmem>> -> memref<125x64xf32, #tpu.memory_space<vmem>>
      %dma_start3A_166 = arith.constant 0 : i32
      %dma_start3A_167 = tpu.memref_slice %arg9[%add3A_122, %dma_start3A_166] : memref<40x125xi32, #tpu.memory_space<vmem>> -> memref<1x125xi32, #tpu.memory_space<vmem>>
      %dma_start3A_168 = tpu.memref_squeeze %dma_start3A_167 : memref<1x125xi32, #tpu.memory_space<vmem>> -> memref<125xi32, #tpu.memory_space<vmem>>
      %dma_start3A_169 = arith.constant 0 : i32
      %dma_start3A_170 = arith.constant 0 : i32
      %dma_start3A_171 = tpu.memref_slice %arg7[%dma_start3A_169, %dma_start3A_170] : memref<10240x64xf32, #tpu.memory_space<vmem_shared>> -> memref<10240x64xf32, #tpu.memory_space<vmem_shared>>
      tpu.enqueue_indirect_dma source(%dma_start3A_165 : memref<125x64xf32, #tpu.memory_space<vmem>>) target(%dma_start3A_171 : memref<10240x64xf32, #tpu.memory_space<vmem_shared>>) offsets(%dma_start3A_168 : memref<125xi32, #tpu.memory_space<vmem>>) semaphore(%arg15 : memref<!tpu.dma_semaphore, #tpu.memory_space<semaphore_mem>>) {add = true}
      %dma_wait3A_172 = arith.constant 0 : i32
      %dma_wait3A_173 = arith.constant 0 : i32
      %dma_wait3A_174 = tpu.memref_slice %arg10[%dma_wait3A_172, %dma_wait3A_173] : memref<128x64xf32, #tpu.memory_space<vmem>> -> memref<125x64xf32, #tpu.memory_space<vmem>>
      %dma_wait3A_175 = arith.constant 0 : i32
      %dma_wait3A_176 = tpu.memref_slice %arg9[%mul3A_119, %dma_wait3A_175] : memref<40x125xi32, #tpu.memory_space<vmem>> -> memref<1x125xi32, #tpu.memory_space<vmem>>
      %dma_wait3A_177 = tpu.memref_squeeze %dma_wait3A_176 : memref<1x125xi32, #tpu.memory_space<vmem>> -> memref<125xi32, #tpu.memory_space<vmem>>
      %dma_wait3A_178 = arith.constant 0 : i32
      %dma_wait3A_179 = arith.constant 0 : i32
      %dma_wait3A_180 = tpu.memref_slice %arg7[%dma_wait3A_178, %dma_wait3A_179] : memref<10240x64xf32, #tpu.memory_space<vmem_shared>> -> memref<10240x64xf32, #tpu.memory_space<vmem_shared>>
      tpu.wait_indirect_dma semaphore(%arg14 : memref<!tpu.dma_semaphore, #tpu.memory_space<semaphore_mem>>) src(%dma_wait3A_174 : memref<125x64xf32, #tpu.memory_space<vmem>>) dst(%dma_wait3A_180 : memref<10240x64xf32, #tpu.memory_space<vmem_shared>>)
      %lt3A_181 = arith.constant 19 : i32
      %lt3A_182 = arith.cmpi slt, %scan3A_117, %lt3A_181 : i32
      %convert_element_type3A_183 = arith.extui %lt3A_182 : i1 to i32
      %cond3A_184 = arith.constant 0 : i32
      %cond3A_185 = arith.cmpi ne, %convert_element_type3A_183, %cond3A_184 : i32
      scf.if %cond3A_185 {
        %mul3A_186 = arith.constant 2 : i32
        %mul3A_187 = arith.muli %mul3A_186, %scan3A_117 : i32
        %add3A_188 = arith.constant 2 : i32
        %add3A_189 = arith.addi %mul3A_187, %add3A_188 : i32
        %dma_start3A_190 = arith.constant 0 : i32
        %dma_start3A_191 = arith.constant 0 : i32
        %dma_start3A_192 = tpu.memref_slice %arg10[%dma_start3A_190, %dma_start3A_191] : memref<128x64xf32, #tpu.memory_space<vmem>> -> memref<125x64xf32, #tpu.memory_space<vmem>>
        %dma_start3A_193 = arith.constant 0 : i32
        %dma_start3A_194 = tpu.memref_slice %arg8[%add3A_189, %dma_start3A_193] : memref<40x125xi32, #tpu.memory_space<vmem>> -> memref<1x125xi32, #tpu.memory_space<vmem>>
        %dma_start3A_195 = tpu.memref_squeeze %dma_start3A_194 : memref<1x125xi32, #tpu.memory_space<vmem>> -> memref<125xi32, #tpu.memory_space<vmem>>
        %dma_start3A_196 = arith.constant 0 : i32
        %dma_start3A_197 = arith.constant 0 : i32
        %dma_start3A_198 = tpu.memref_slice %arg6[%dma_start3A_196, %dma_start3A_197] : memref<10240x64xf32, #tpu.memory_space<vmem_shared>> -> memref<10240x64xf32, #tpu.memory_space<vmem_shared>>
        tpu.enqueue_indirect_dma source(%dma_start3A_198 : memref<10240x64xf32, #tpu.memory_space<vmem_shared>>) target(%dma_start3A_192 : memref<125x64xf32, #tpu.memory_space<vmem>>) offsets(%dma_start3A_195 : memref<125xi32, #tpu.memory_space<vmem>>) semaphore(%arg12 : memref<!tpu.dma_semaphore, #tpu.memory_space<semaphore_mem>>)
      } else {
      }
    }
    %scan3A_52 = arith.constant 20 : i32
    %dma_wait3A_53 = arith.constant 39 : i32
    %dma_wait3A_54 = arith.constant 0 : i32
    %dma_wait3A_55 = arith.constant 0 : i32
    %dma_wait3A_56 = tpu.memref_slice %arg11[%dma_wait3A_54, %dma_wait3A_55] : memref<128x64xf32, #tpu.memory_space<vmem>> -> memref<125x64xf32, #tpu.memory_space<vmem>>
    %dma_wait3A_57 = arith.constant 0 : i32
    %dma_wait3A_58 = tpu.memref_slice %arg9[%dma_wait3A_53, %dma_wait3A_57] : memref<40x125xi32, #tpu.memory_space<vmem>> -> memref<1x125xi32, #tpu.memory_space<vmem>>
    %dma_wait3A_59 = tpu.memref_squeeze %dma_wait3A_58 : memref<1x125xi32, #tpu.memory_space<vmem>> -> memref<125xi32, #tpu.memory_space<vmem>>
    %dma_wait3A_60 = arith.constant 0 : i32
    %dma_wait3A_61 = arith.constant 0 : i32
    %dma_wait3A_62 = tpu.memref_slice %arg7[%dma_wait3A_60, %dma_wait3A_61] : memref<10240x64xf32, #tpu.memory_space<vmem_shared>> -> memref<10240x64xf32, #tpu.memory_space<vmem_shared>>
    tpu.wait_indirect_dma semaphore(%arg15 : memref<!tpu.dma_semaphore, #tpu.memory_space<semaphore_mem>>) src(%dma_wait3A_56 : memref<125x64xf32, #tpu.memory_space<vmem>>) dst(%dma_wait3A_62 : memref<10240x64xf32, #tpu.memory_space<vmem_shared>>)
    "tpu.region"() ({
      %run_scoped3A = tpu.sem_alloc : memref<!tpu.dma_semaphore, #tpu.memory_space<semaphore_mem>>
      %dma_start3A_117 = arith.constant 80 : i32
      %dma_start3A_118 = arith.constant 0 : i32
      %dma_start3A_119 = tpu.memref_slice %arg3[%arg1, %dma_start3A_117, %dma_start3A_118] : memref<16x160x125xi32, #tpu.memory_space<hbm>> -> memref<1x40x125xi32, #tpu.memory_space<hbm>>
      %dma_start3A_120 = tpu.memref_squeeze %dma_start3A_119 : memref<1x40x125xi32, #tpu.memory_space<hbm>> -> memref<40x125xi32, #tpu.memory_space<hbm>>
      %dma_start3A_121 = arith.constant 80 : i32
      %dma_start3A_122 = arith.constant 0 : i32
      %dma_start3A_123 = tpu.memref_slice %arg3[%arg1, %dma_start3A_121, %dma_start3A_122] : memref<16x160x125xi32, #tpu.memory_space<hbm>> -> memref<1x40x125xi32, #tpu.memory_space<hbm>>
      %dma_start3A_124 = tpu.memref_squeeze %dma_start3A_123 : memref<1x40x125xi32, #tpu.memory_space<hbm>> -> memref<40x125xi32, #tpu.memory_space<hbm>>
      tpu.enqueue_dma source(%dma_start3A_124 : memref<40x125xi32, #tpu.memory_space<hbm>>) target(%arg8 : memref<40x125xi32, #tpu.memory_space<vmem>>) target_semaphore(%run_scoped3A : memref<!tpu.dma_semaphore, #tpu.memory_space<semaphore_mem>>)
      %dma_wait3A_125 = arith.constant 80 : i32
      %dma_wait3A_126 = arith.constant 0 : i32
      %dma_wait3A_127 = tpu.memref_slice %arg3[%arg1, %dma_wait3A_125, %dma_wait3A_126] : memref<16x160x125xi32, #tpu.memory_space<hbm>> -> memref<1x40x125xi32, #tpu.memory_space<hbm>>
      %dma_wait3A_128 = tpu.memref_squeeze %dma_wait3A_127 : memref<1x40x125xi32, #tpu.memory_space<hbm>> -> memref<40x125xi32, #tpu.memory_space<hbm>>
      %dma_wait3A_129 = arith.constant 80 : i32
      %dma_wait3A_130 = arith.constant 0 : i32
      %dma_wait3A_131 = tpu.memref_slice %arg3[%arg1, %dma_wait3A_129, %dma_wait3A_130] : memref<16x160x125xi32, #tpu.memory_space<hbm>> -> memref<1x40x125xi32, #tpu.memory_space<hbm>>
      %dma_wait3A_132 = tpu.memref_squeeze %dma_wait3A_131 : memref<1x40x125xi32, #tpu.memory_space<hbm>> -> memref<40x125xi32, #tpu.memory_space<hbm>>
      tpu.wait_dma2 semaphore(%run_scoped3A : memref<!tpu.dma_semaphore, #tpu.memory_space<semaphore_mem>>) src(%dma_wait3A_132 : memref<40x125xi32, #tpu.memory_space<hbm>>) dst(%arg8 : memref<40x125xi32, #tpu.memory_space<vmem>>)
      tpu.yield
    }) : () -> ()
    "tpu.region"() ({
      %run_scoped3A = tpu.sem_alloc : memref<!tpu.dma_semaphore, #tpu.memory_space<semaphore_mem>>
      %dma_start3A_117 = arith.constant 80 : i32
      %dma_start3A_118 = arith.constant 0 : i32
      %dma_start3A_119 = tpu.memref_slice %arg4[%arg1, %dma_start3A_117, %dma_start3A_118] : memref<16x160x125xi32, #tpu.memory_space<hbm>> -> memref<1x40x125xi32, #tpu.memory_space<hbm>>
      %dma_start3A_120 = tpu.memref_squeeze %dma_start3A_119 : memref<1x40x125xi32, #tpu.memory_space<hbm>> -> memref<40x125xi32, #tpu.memory_space<hbm>>
      %dma_start3A_121 = arith.constant 80 : i32
      %dma_start3A_122 = arith.constant 0 : i32
      %dma_start3A_123 = tpu.memref_slice %arg4[%arg1, %dma_start3A_121, %dma_start3A_122] : memref<16x160x125xi32, #tpu.memory_space<hbm>> -> memref<1x40x125xi32, #tpu.memory_space<hbm>>
      %dma_start3A_124 = tpu.memref_squeeze %dma_start3A_123 : memref<1x40x125xi32, #tpu.memory_space<hbm>> -> memref<40x125xi32, #tpu.memory_space<hbm>>
      tpu.enqueue_dma source(%dma_start3A_124 : memref<40x125xi32, #tpu.memory_space<hbm>>) target(%arg9 : memref<40x125xi32, #tpu.memory_space<vmem>>) target_semaphore(%run_scoped3A : memref<!tpu.dma_semaphore, #tpu.memory_space<semaphore_mem>>)
      %dma_wait3A_125 = arith.constant 80 : i32
      %dma_wait3A_126 = arith.constant 0 : i32
      %dma_wait3A_127 = tpu.memref_slice %arg4[%arg1, %dma_wait3A_125, %dma_wait3A_126] : memref<16x160x125xi32, #tpu.memory_space<hbm>> -> memref<1x40x125xi32, #tpu.memory_space<hbm>>
      %dma_wait3A_128 = tpu.memref_squeeze %dma_wait3A_127 : memref<1x40x125xi32, #tpu.memory_space<hbm>> -> memref<40x125xi32, #tpu.memory_space<hbm>>
      %dma_wait3A_129 = arith.constant 80 : i32
      %dma_wait3A_130 = arith.constant 0 : i32
      %dma_wait3A_131 = tpu.memref_slice %arg4[%arg1, %dma_wait3A_129, %dma_wait3A_130] : memref<16x160x125xi32, #tpu.memory_space<hbm>> -> memref<1x40x125xi32, #tpu.memory_space<hbm>>
      %dma_wait3A_132 = tpu.memref_squeeze %dma_wait3A_131 : memref<1x40x125xi32, #tpu.memory_space<hbm>> -> memref<40x125xi32, #tpu.memory_space<hbm>>
      tpu.wait_dma2 semaphore(%run_scoped3A : memref<!tpu.dma_semaphore, #tpu.memory_space<semaphore_mem>>) src(%dma_wait3A_132 : memref<40x125xi32, #tpu.memory_space<hbm>>) dst(%arg9 : memref<40x125xi32, #tpu.memory_space<vmem>>)
      tpu.yield
    }) : () -> ()
    %dma_start3A_63 = arith.constant 0 : i32
    %dma_start3A_64 = arith.constant 0 : i32
    %dma_start3A_65 = arith.constant 0 : i32
    %dma_start3A_66 = tpu.memref_slice %arg10[%dma_start3A_64, %dma_start3A_65] : memref<128x64xf32, #tpu.memory_space<vmem>> -> memref<125x64xf32, #tpu.memory_space<vmem>>
    %dma_start3A_67 = arith.constant 0 : i32
    %dma_start3A_68 = tpu.memref_slice %arg8[%dma_start3A_63, %dma_start3A_67] : memref<40x125xi32, #tpu.memory_space<vmem>> -> memref<1x125xi32, #tpu.memory_space<vmem>>
    %dma_start3A_69 = tpu.memref_squeeze %dma_start3A_68 : memref<1x125xi32, #tpu.memory_space<vmem>> -> memref<125xi32, #tpu.memory_space<vmem>>
    %dma_start3A_70 = arith.constant 0 : i32
    %dma_start3A_71 = arith.constant 0 : i32
    %dma_start3A_72 = tpu.memref_slice %arg6[%dma_start3A_70, %dma_start3A_71] : memref<10240x64xf32, #tpu.memory_space<vmem_shared>> -> memref<10240x64xf32, #tpu.memory_space<vmem_shared>>
    tpu.enqueue_indirect_dma source(%dma_start3A_72 : memref<10240x64xf32, #tpu.memory_space<vmem_shared>>) target(%dma_start3A_66 : memref<125x64xf32, #tpu.memory_space<vmem>>) offsets(%dma_start3A_69 : memref<125xi32, #tpu.memory_space<vmem>>) semaphore(%arg12 : memref<!tpu.dma_semaphore, #tpu.memory_space<semaphore_mem>>)
    %scan3A_73 = arith.constant 0 : i32
    %scan3A_74 = arith.constant 0 : i32
    %scan3A_75 = arith.constant 20 : i32
    %scan3A_76 = arith.addi %scan3A_74, %scan3A_75 : i32
    %scan3A_77 = arith.constant 1 : i32
    scf.for %scan3A_117 = %scan3A_74 to %scan3A_76 step %scan3A_77  : i32 {
      %mul3A_118 = arith.constant 2 : i32
      %mul3A_119 = arith.muli %mul3A_118, %scan3A_117 : i32
      %mul3A_120 = arith.constant 2 : i32
      %mul3A_121 = arith.muli %mul3A_120, %scan3A_117 : i32
      %add3A = arith.constant 1 : i32
      %add3A_122 = arith.addi %mul3A_121, %add3A : i32
      %dma_wait3A_123 = arith.constant 0 : i32
      %dma_wait3A_124 = arith.constant 0 : i32
      %dma_wait3A_125 = tpu.memref_slice %arg10[%dma_wait3A_123, %dma_wait3A_124] : memref<128x64xf32, #tpu.memory_space<vmem>> -> memref<125x64xf32, #tpu.memory_space<vmem>>
      %dma_wait3A_126 = arith.constant 0 : i32
      %dma_wait3A_127 = tpu.memref_slice %arg8[%mul3A_119, %dma_wait3A_126] : memref<40x125xi32, #tpu.memory_space<vmem>> -> memref<1x125xi32, #tpu.memory_space<vmem>>
      %dma_wait3A_128 = tpu.memref_squeeze %dma_wait3A_127 : memref<1x125xi32, #tpu.memory_space<vmem>> -> memref<125xi32, #tpu.memory_space<vmem>>
      %dma_wait3A_129 = arith.constant 0 : i32
      %dma_wait3A_130 = arith.constant 0 : i32
      %dma_wait3A_131 = tpu.memref_slice %arg6[%dma_wait3A_129, %dma_wait3A_130] : memref<10240x64xf32, #tpu.memory_space<vmem_shared>> -> memref<10240x64xf32, #tpu.memory_space<vmem_shared>>
      tpu.wait_indirect_dma semaphore(%arg12 : memref<!tpu.dma_semaphore, #tpu.memory_space<semaphore_mem>>) src(%dma_wait3A_131 : memref<10240x64xf32, #tpu.memory_space<vmem_shared>>) dst(%dma_wait3A_125 : memref<125x64xf32, #tpu.memory_space<vmem>>)
      %dma_start3A_132 = arith.constant 0 : i32
      %dma_start3A_133 = arith.constant 0 : i32
      %dma_start3A_134 = tpu.memref_slice %arg10[%dma_start3A_132, %dma_start3A_133] : memref<128x64xf32, #tpu.memory_space<vmem>> -> memref<125x64xf32, #tpu.memory_space<vmem>>
      %dma_start3A_135 = arith.constant 0 : i32
      %dma_start3A_136 = tpu.memref_slice %arg9[%mul3A_119, %dma_start3A_135] : memref<40x125xi32, #tpu.memory_space<vmem>> -> memref<1x125xi32, #tpu.memory_space<vmem>>
      %dma_start3A_137 = tpu.memref_squeeze %dma_start3A_136 : memref<1x125xi32, #tpu.memory_space<vmem>> -> memref<125xi32, #tpu.memory_space<vmem>>
      %dma_start3A_138 = arith.constant 0 : i32
      %dma_start3A_139 = arith.constant 0 : i32
      %dma_start3A_140 = tpu.memref_slice %arg7[%dma_start3A_138, %dma_start3A_139] : memref<10240x64xf32, #tpu.memory_space<vmem_shared>> -> memref<10240x64xf32, #tpu.memory_space<vmem_shared>>
      tpu.enqueue_indirect_dma source(%dma_start3A_134 : memref<125x64xf32, #tpu.memory_space<vmem>>) target(%dma_start3A_140 : memref<10240x64xf32, #tpu.memory_space<vmem_shared>>) offsets(%dma_start3A_137 : memref<125xi32, #tpu.memory_space<vmem>>) semaphore(%arg14 : memref<!tpu.dma_semaphore, #tpu.memory_space<semaphore_mem>>) {add = true}
      %gt3A = arith.constant 0 : i32
      %gt3A_141 = arith.cmpi sgt, %scan3A_117, %gt3A : i32
      %convert_element_type3A_142 = arith.extui %gt3A_141 : i1 to i32
      %cond3A_143 = arith.constant 0 : i32
      %cond3A_144 = arith.cmpi ne, %convert_element_type3A_142, %cond3A_143 : i32
      scf.if %cond3A_144 {
        %dma_wait3A_186 = arith.constant 0 : i32
        %dma_wait3A_187 = arith.constant 0 : i32
        %dma_wait3A_188 = tpu.memref_slice %arg11[%dma_wait3A_186, %dma_wait3A_187] : memref<128x64xf32, #tpu.memory_space<vmem>> -> memref<125x64xf32, #tpu.memory_space<vmem>>
        %dma_wait3A_189 = arith.constant 0 : i32
        %dma_wait3A_190 = tpu.memref_slice %arg9[%add3A_122, %dma_wait3A_189] : memref<40x125xi32, #tpu.memory_space<vmem>> -> memref<1x125xi32, #tpu.memory_space<vmem>>
        %dma_wait3A_191 = tpu.memref_squeeze %dma_wait3A_190 : memref<1x125xi32, #tpu.memory_space<vmem>> -> memref<125xi32, #tpu.memory_space<vmem>>
        %dma_wait3A_192 = arith.constant 0 : i32
        %dma_wait3A_193 = arith.constant 0 : i32
        %dma_wait3A_194 = tpu.memref_slice %arg7[%dma_wait3A_192, %dma_wait3A_193] : memref<10240x64xf32, #tpu.memory_space<vmem_shared>> -> memref<10240x64xf32, #tpu.memory_space<vmem_shared>>
        tpu.wait_indirect_dma semaphore(%arg15 : memref<!tpu.dma_semaphore, #tpu.memory_space<semaphore_mem>>) src(%dma_wait3A_188 : memref<125x64xf32, #tpu.memory_space<vmem>>) dst(%dma_wait3A_194 : memref<10240x64xf32, #tpu.memory_space<vmem_shared>>)
      } else {
      }
      %dma_start3A_145 = arith.constant 0 : i32
      %dma_start3A_146 = arith.constant 0 : i32
      %dma_start3A_147 = tpu.memref_slice %arg11[%dma_start3A_145, %dma_start3A_146] : memref<128x64xf32, #tpu.memory_space<vmem>> -> memref<125x64xf32, #tpu.memory_space<vmem>>
      %dma_start3A_148 = arith.constant 0 : i32
      %dma_start3A_149 = tpu.memref_slice %arg8[%add3A_122, %dma_start3A_148] : memref<40x125xi32, #tpu.memory_space<vmem>> -> memref<1x125xi32, #tpu.memory_space<vmem>>
      %dma_start3A_150 = tpu.memref_squeeze %dma_start3A_149 : memref<1x125xi32, #tpu.memory_space<vmem>> -> memref<125xi32, #tpu.memory_space<vmem>>
      %dma_start3A_151 = arith.constant 0 : i32
      %dma_start3A_152 = arith.constant 0 : i32
      %dma_start3A_153 = tpu.memref_slice %arg6[%dma_start3A_151, %dma_start3A_152] : memref<10240x64xf32, #tpu.memory_space<vmem_shared>> -> memref<10240x64xf32, #tpu.memory_space<vmem_shared>>
      tpu.enqueue_indirect_dma source(%dma_start3A_153 : memref<10240x64xf32, #tpu.memory_space<vmem_shared>>) target(%dma_start3A_147 : memref<125x64xf32, #tpu.memory_space<vmem>>) offsets(%dma_start3A_150 : memref<125xi32, #tpu.memory_space<vmem>>) semaphore(%arg13 : memref<!tpu.dma_semaphore, #tpu.memory_space<semaphore_mem>>)
      %dma_wait3A_154 = arith.constant 0 : i32
      %dma_wait3A_155 = arith.constant 0 : i32
      %dma_wait3A_156 = tpu.memref_slice %arg11[%dma_wait3A_154, %dma_wait3A_155] : memref<128x64xf32, #tpu.memory_space<vmem>> -> memref<125x64xf32, #tpu.memory_space<vmem>>
      %dma_wait3A_157 = arith.constant 0 : i32
      %dma_wait3A_158 = tpu.memref_slice %arg8[%add3A_122, %dma_wait3A_157] : memref<40x125xi32, #tpu.memory_space<vmem>> -> memref<1x125xi32, #tpu.memory_space<vmem>>
      %dma_wait3A_159 = tpu.memref_squeeze %dma_wait3A_158 : memref<1x125xi32, #tpu.memory_space<vmem>> -> memref<125xi32, #tpu.memory_space<vmem>>
      %dma_wait3A_160 = arith.constant 0 : i32
      %dma_wait3A_161 = arith.constant 0 : i32
      %dma_wait3A_162 = tpu.memref_slice %arg6[%dma_wait3A_160, %dma_wait3A_161] : memref<10240x64xf32, #tpu.memory_space<vmem_shared>> -> memref<10240x64xf32, #tpu.memory_space<vmem_shared>>
      tpu.wait_indirect_dma semaphore(%arg13 : memref<!tpu.dma_semaphore, #tpu.memory_space<semaphore_mem>>) src(%dma_wait3A_162 : memref<10240x64xf32, #tpu.memory_space<vmem_shared>>) dst(%dma_wait3A_156 : memref<125x64xf32, #tpu.memory_space<vmem>>)
      %dma_start3A_163 = arith.constant 0 : i32
      %dma_start3A_164 = arith.constant 0 : i32
      %dma_start3A_165 = tpu.memref_slice %arg11[%dma_start3A_163, %dma_start3A_164] : memref<128x64xf32, #tpu.memory_space<vmem>> -> memref<125x64xf32, #tpu.memory_space<vmem>>
      %dma_start3A_166 = arith.constant 0 : i32
      %dma_start3A_167 = tpu.memref_slice %arg9[%add3A_122, %dma_start3A_166] : memref<40x125xi32, #tpu.memory_space<vmem>> -> memref<1x125xi32, #tpu.memory_space<vmem>>
      %dma_start3A_168 = tpu.memref_squeeze %dma_start3A_167 : memref<1x125xi32, #tpu.memory_space<vmem>> -> memref<125xi32, #tpu.memory_space<vmem>>
      %dma_start3A_169 = arith.constant 0 : i32
      %dma_start3A_170 = arith.constant 0 : i32
      %dma_start3A_171 = tpu.memref_slice %arg7[%dma_start3A_169, %dma_start3A_170] : memref<10240x64xf32, #tpu.memory_space<vmem_shared>> -> memref<10240x64xf32, #tpu.memory_space<vmem_shared>>
      tpu.enqueue_indirect_dma source(%dma_start3A_165 : memref<125x64xf32, #tpu.memory_space<vmem>>) target(%dma_start3A_171 : memref<10240x64xf32, #tpu.memory_space<vmem_shared>>) offsets(%dma_start3A_168 : memref<125xi32, #tpu.memory_space<vmem>>) semaphore(%arg15 : memref<!tpu.dma_semaphore, #tpu.memory_space<semaphore_mem>>) {add = true}
      %dma_wait3A_172 = arith.constant 0 : i32
      %dma_wait3A_173 = arith.constant 0 : i32
      %dma_wait3A_174 = tpu.memref_slice %arg10[%dma_wait3A_172, %dma_wait3A_173] : memref<128x64xf32, #tpu.memory_space<vmem>> -> memref<125x64xf32, #tpu.memory_space<vmem>>
      %dma_wait3A_175 = arith.constant 0 : i32
      %dma_wait3A_176 = tpu.memref_slice %arg9[%mul3A_119, %dma_wait3A_175] : memref<40x125xi32, #tpu.memory_space<vmem>> -> memref<1x125xi32, #tpu.memory_space<vmem>>
      %dma_wait3A_177 = tpu.memref_squeeze %dma_wait3A_176 : memref<1x125xi32, #tpu.memory_space<vmem>> -> memref<125xi32, #tpu.memory_space<vmem>>
      %dma_wait3A_178 = arith.constant 0 : i32
      %dma_wait3A_179 = arith.constant 0 : i32
      %dma_wait3A_180 = tpu.memref_slice %arg7[%dma_wait3A_178, %dma_wait3A_179] : memref<10240x64xf32, #tpu.memory_space<vmem_shared>> -> memref<10240x64xf32, #tpu.memory_space<vmem_shared>>
      tpu.wait_indirect_dma semaphore(%arg14 : memref<!tpu.dma_semaphore, #tpu.memory_space<semaphore_mem>>) src(%dma_wait3A_174 : memref<125x64xf32, #tpu.memory_space<vmem>>) dst(%dma_wait3A_180 : memref<10240x64xf32, #tpu.memory_space<vmem_shared>>)
      %lt3A_181 = arith.constant 19 : i32
      %lt3A_182 = arith.cmpi slt, %scan3A_117, %lt3A_181 : i32
      %convert_element_type3A_183 = arith.extui %lt3A_182 : i1 to i32
      %cond3A_184 = arith.constant 0 : i32
      %cond3A_185 = arith.cmpi ne, %convert_element_type3A_183, %cond3A_184 : i32
      scf.if %cond3A_185 {
        %mul3A_186 = arith.constant 2 : i32
        %mul3A_187 = arith.muli %mul3A_186, %scan3A_117 : i32
        %add3A_188 = arith.constant 2 : i32
        %add3A_189 = arith.addi %mul3A_187, %add3A_188 : i32
        %dma_start3A_190 = arith.constant 0 : i32
        %dma_start3A_191 = arith.constant 0 : i32
        %dma_start3A_192 = tpu.memref_slice %arg10[%dma_start3A_190, %dma_start3A_191] : memref<128x64xf32, #tpu.memory_space<vmem>> -> memref<125x64xf32, #tpu.memory_space<vmem>>
        %dma_start3A_193 = arith.constant 0 : i32
        %dma_start3A_194 = tpu.memref_slice %arg8[%add3A_189, %dma_start3A_193] : memref<40x125xi32, #tpu.memory_space<vmem>> -> memref<1x125xi32, #tpu.memory_space<vmem>>
        %dma_start3A_195 = tpu.memref_squeeze %dma_start3A_194 : memref<1x125xi32, #tpu.memory_space<vmem>> -> memref<125xi32, #tpu.memory_space<vmem>>
        %dma_start3A_196 = arith.constant 0 : i32
        %dma_start3A_197 = arith.constant 0 : i32
        %dma_start3A_198 = tpu.memref_slice %arg6[%dma_start3A_196, %dma_start3A_197] : memref<10240x64xf32, #tpu.memory_space<vmem_shared>> -> memref<10240x64xf32, #tpu.memory_space<vmem_shared>>
        tpu.enqueue_indirect_dma source(%dma_start3A_198 : memref<10240x64xf32, #tpu.memory_space<vmem_shared>>) target(%dma_start3A_192 : memref<125x64xf32, #tpu.memory_space<vmem>>) offsets(%dma_start3A_195 : memref<125xi32, #tpu.memory_space<vmem>>) semaphore(%arg12 : memref<!tpu.dma_semaphore, #tpu.memory_space<semaphore_mem>>)
      } else {
      }
    }
    %scan3A_78 = arith.constant 20 : i32
    %dma_wait3A_79 = arith.constant 39 : i32
    %dma_wait3A_80 = arith.constant 0 : i32
    %dma_wait3A_81 = arith.constant 0 : i32
    %dma_wait3A_82 = tpu.memref_slice %arg11[%dma_wait3A_80, %dma_wait3A_81] : memref<128x64xf32, #tpu.memory_space<vmem>> -> memref<125x64xf32, #tpu.memory_space<vmem>>
    %dma_wait3A_83 = arith.constant 0 : i32
    %dma_wait3A_84 = tpu.memref_slice %arg9[%dma_wait3A_79, %dma_wait3A_83] : memref<40x125xi32, #tpu.memory_space<vmem>> -> memref<1x125xi32, #tpu.memory_space<vmem>>
    %dma_wait3A_85 = tpu.memref_squeeze %dma_wait3A_84 : memref<1x125xi32, #tpu.memory_space<vmem>> -> memref<125xi32, #tpu.memory_space<vmem>>
    %dma_wait3A_86 = arith.constant 0 : i32
    %dma_wait3A_87 = arith.constant 0 : i32
    %dma_wait3A_88 = tpu.memref_slice %arg7[%dma_wait3A_86, %dma_wait3A_87] : memref<10240x64xf32, #tpu.memory_space<vmem_shared>> -> memref<10240x64xf32, #tpu.memory_space<vmem_shared>>
    tpu.wait_indirect_dma semaphore(%arg15 : memref<!tpu.dma_semaphore, #tpu.memory_space<semaphore_mem>>) src(%dma_wait3A_82 : memref<125x64xf32, #tpu.memory_space<vmem>>) dst(%dma_wait3A_88 : memref<10240x64xf32, #tpu.memory_space<vmem_shared>>)
    "tpu.region"() ({
      %run_scoped3A = tpu.sem_alloc : memref<!tpu.dma_semaphore, #tpu.memory_space<semaphore_mem>>
      %dma_start3A_117 = arith.constant 120 : i32
      %dma_start3A_118 = arith.constant 0 : i32
      %dma_start3A_119 = tpu.memref_slice %arg3[%arg1, %dma_start3A_117, %dma_start3A_118] : memref<16x160x125xi32, #tpu.memory_space<hbm>> -> memref<1x40x125xi32, #tpu.memory_space<hbm>>
      %dma_start3A_120 = tpu.memref_squeeze %dma_start3A_119 : memref<1x40x125xi32, #tpu.memory_space<hbm>> -> memref<40x125xi32, #tpu.memory_space<hbm>>
      %dma_start3A_121 = arith.constant 120 : i32
      %dma_start3A_122 = arith.constant 0 : i32
      %dma_start3A_123 = tpu.memref_slice %arg3[%arg1, %dma_start3A_121, %dma_start3A_122] : memref<16x160x125xi32, #tpu.memory_space<hbm>> -> memref<1x40x125xi32, #tpu.memory_space<hbm>>
      %dma_start3A_124 = tpu.memref_squeeze %dma_start3A_123 : memref<1x40x125xi32, #tpu.memory_space<hbm>> -> memref<40x125xi32, #tpu.memory_space<hbm>>
      tpu.enqueue_dma source(%dma_start3A_124 : memref<40x125xi32, #tpu.memory_space<hbm>>) target(%arg8 : memref<40x125xi32, #tpu.memory_space<vmem>>) target_semaphore(%run_scoped3A : memref<!tpu.dma_semaphore, #tpu.memory_space<semaphore_mem>>)
      %dma_wait3A_125 = arith.constant 120 : i32
      %dma_wait3A_126 = arith.constant 0 : i32
      %dma_wait3A_127 = tpu.memref_slice %arg3[%arg1, %dma_wait3A_125, %dma_wait3A_126] : memref<16x160x125xi32, #tpu.memory_space<hbm>> -> memref<1x40x125xi32, #tpu.memory_space<hbm>>
      %dma_wait3A_128 = tpu.memref_squeeze %dma_wait3A_127 : memref<1x40x125xi32, #tpu.memory_space<hbm>> -> memref<40x125xi32, #tpu.memory_space<hbm>>
      %dma_wait3A_129 = arith.constant 120 : i32
      %dma_wait3A_130 = arith.constant 0 : i32
      %dma_wait3A_131 = tpu.memref_slice %arg3[%arg1, %dma_wait3A_129, %dma_wait3A_130] : memref<16x160x125xi32, #tpu.memory_space<hbm>> -> memref<1x40x125xi32, #tpu.memory_space<hbm>>
      %dma_wait3A_132 = tpu.memref_squeeze %dma_wait3A_131 : memref<1x40x125xi32, #tpu.memory_space<hbm>> -> memref<40x125xi32, #tpu.memory_space<hbm>>
      tpu.wait_dma2 semaphore(%run_scoped3A : memref<!tpu.dma_semaphore, #tpu.memory_space<semaphore_mem>>) src(%dma_wait3A_132 : memref<40x125xi32, #tpu.memory_space<hbm>>) dst(%arg8 : memref<40x125xi32, #tpu.memory_space<vmem>>)
      tpu.yield
    }) : () -> ()
    "tpu.region"() ({
      %run_scoped3A = tpu.sem_alloc : memref<!tpu.dma_semaphore, #tpu.memory_space<semaphore_mem>>
      %dma_start3A_117 = arith.constant 120 : i32
      %dma_start3A_118 = arith.constant 0 : i32
      %dma_start3A_119 = tpu.memref_slice %arg4[%arg1, %dma_start3A_117, %dma_start3A_118] : memref<16x160x125xi32, #tpu.memory_space<hbm>> -> memref<1x40x125xi32, #tpu.memory_space<hbm>>
      %dma_start3A_120 = tpu.memref_squeeze %dma_start3A_119 : memref<1x40x125xi32, #tpu.memory_space<hbm>> -> memref<40x125xi32, #tpu.memory_space<hbm>>
      %dma_start3A_121 = arith.constant 120 : i32
      %dma_start3A_122 = arith.constant 0 : i32
      %dma_start3A_123 = tpu.memref_slice %arg4[%arg1, %dma_start3A_121, %dma_start3A_122] : memref<16x160x125xi32, #tpu.memory_space<hbm>> -> memref<1x40x125xi32, #tpu.memory_space<hbm>>
      %dma_start3A_124 = tpu.memref_squeeze %dma_start3A_123 : memref<1x40x125xi32, #tpu.memory_space<hbm>> -> memref<40x125xi32, #tpu.memory_space<hbm>>
      tpu.enqueue_dma source(%dma_start3A_124 : memref<40x125xi32, #tpu.memory_space<hbm>>) target(%arg9 : memref<40x125xi32, #tpu.memory_space<vmem>>) target_semaphore(%run_scoped3A : memref<!tpu.dma_semaphore, #tpu.memory_space<semaphore_mem>>)
      %dma_wait3A_125 = arith.constant 120 : i32
      %dma_wait3A_126 = arith.constant 0 : i32
      %dma_wait3A_127 = tpu.memref_slice %arg4[%arg1, %dma_wait3A_125, %dma_wait3A_126] : memref<16x160x125xi32, #tpu.memory_space<hbm>> -> memref<1x40x125xi32, #tpu.memory_space<hbm>>
      %dma_wait3A_128 = tpu.memref_squeeze %dma_wait3A_127 : memref<1x40x125xi32, #tpu.memory_space<hbm>> -> memref<40x125xi32, #tpu.memory_space<hbm>>
      %dma_wait3A_129 = arith.constant 120 : i32
      %dma_wait3A_130 = arith.constant 0 : i32
      %dma_wait3A_131 = tpu.memref_slice %arg4[%arg1, %dma_wait3A_129, %dma_wait3A_130] : memref<16x160x125xi32, #tpu.memory_space<hbm>> -> memref<1x40x125xi32, #tpu.memory_space<hbm>>
      %dma_wait3A_132 = tpu.memref_squeeze %dma_wait3A_131 : memref<1x40x125xi32, #tpu.memory_space<hbm>> -> memref<40x125xi32, #tpu.memory_space<hbm>>
      tpu.wait_dma2 semaphore(%run_scoped3A : memref<!tpu.dma_semaphore, #tpu.memory_space<semaphore_mem>>) src(%dma_wait3A_132 : memref<40x125xi32, #tpu.memory_space<hbm>>) dst(%arg9 : memref<40x125xi32, #tpu.memory_space<vmem>>)
      tpu.yield
    }) : () -> ()
    %dma_start3A_89 = arith.constant 0 : i32
    %dma_start3A_90 = arith.constant 0 : i32
    %dma_start3A_91 = arith.constant 0 : i32
    %dma_start3A_92 = tpu.memref_slice %arg10[%dma_start3A_90, %dma_start3A_91] : memref<128x64xf32, #tpu.memory_space<vmem>> -> memref<125x64xf32, #tpu.memory_space<vmem>>
    %dma_start3A_93 = arith.constant 0 : i32
    %dma_start3A_94 = tpu.memref_slice %arg8[%dma_start3A_89, %dma_start3A_93] : memref<40x125xi32, #tpu.memory_space<vmem>> -> memref<1x125xi32, #tpu.memory_space<vmem>>
    %dma_start3A_95 = tpu.memref_squeeze %dma_start3A_94 : memref<1x125xi32, #tpu.memory_space<vmem>> -> memref<125xi32, #tpu.memory_space<vmem>>
    %dma_start3A_96 = arith.constant 0 : i32
    %dma_start3A_97 = arith.constant 0 : i32
    %dma_start3A_98 = tpu.memref_slice %arg6[%dma_start3A_96, %dma_start3A_97] : memref<10240x64xf32, #tpu.memory_space<vmem_shared>> -> memref<10240x64xf32, #tpu.memory_space<vmem_shared>>
    tpu.enqueue_indirect_dma source(%dma_start3A_98 : memref<10240x64xf32, #tpu.memory_space<vmem_shared>>) target(%dma_start3A_92 : memref<125x64xf32, #tpu.memory_space<vmem>>) offsets(%dma_start3A_95 : memref<125xi32, #tpu.memory_space<vmem>>) semaphore(%arg12 : memref<!tpu.dma_semaphore, #tpu.memory_space<semaphore_mem>>)
    %scan3A_99 = arith.constant 0 : i32
    %scan3A_100 = arith.constant 0 : i32
    %scan3A_101 = arith.constant 20 : i32
    %scan3A_102 = arith.addi %scan3A_100, %scan3A_101 : i32
    %scan3A_103 = arith.constant 1 : i32
    scf.for %scan3A_117 = %scan3A_100 to %scan3A_102 step %scan3A_103  : i32 {
      %mul3A_118 = arith.constant 2 : i32
      %mul3A_119 = arith.muli %mul3A_118, %scan3A_117 : i32
      %mul3A_120 = arith.constant 2 : i32
      %mul3A_121 = arith.muli %mul3A_120, %scan3A_117 : i32
      %add3A = arith.constant 1 : i32
      %add3A_122 = arith.addi %mul3A_121, %add3A : i32
      %dma_wait3A_123 = arith.constant 0 : i32
      %dma_wait3A_124 = arith.constant 0 : i32
      %dma_wait3A_125 = tpu.memref_slice %arg10[%dma_wait3A_123, %dma_wait3A_124] : memref<128x64xf32, #tpu.memory_space<vmem>> -> memref<125x64xf32, #tpu.memory_space<vmem>>
      %dma_wait3A_126 = arith.constant 0 : i32
      %dma_wait3A_127 = tpu.memref_slice %arg8[%mul3A_119, %dma_wait3A_126] : memref<40x125xi32, #tpu.memory_space<vmem>> -> memref<1x125xi32, #tpu.memory_space<vmem>>
      %dma_wait3A_128 = tpu.memref_squeeze %dma_wait3A_127 : memref<1x125xi32, #tpu.memory_space<vmem>> -> memref<125xi32, #tpu.memory_space<vmem>>
      %dma_wait3A_129 = arith.constant 0 : i32
      %dma_wait3A_130 = arith.constant 0 : i32
      %dma_wait3A_131 = tpu.memref_slice %arg6[%dma_wait3A_129, %dma_wait3A_130] : memref<10240x64xf32, #tpu.memory_space<vmem_shared>> -> memref<10240x64xf32, #tpu.memory_space<vmem_shared>>
      tpu.wait_indirect_dma semaphore(%arg12 : memref<!tpu.dma_semaphore, #tpu.memory_space<semaphore_mem>>) src(%dma_wait3A_131 : memref<10240x64xf32, #tpu.memory_space<vmem_shared>>) dst(%dma_wait3A_125 : memref<125x64xf32, #tpu.memory_space<vmem>>)
      %dma_start3A_132 = arith.constant 0 : i32
      %dma_start3A_133 = arith.constant 0 : i32
      %dma_start3A_134 = tpu.memref_slice %arg10[%dma_start3A_132, %dma_start3A_133] : memref<128x64xf32, #tpu.memory_space<vmem>> -> memref<125x64xf32, #tpu.memory_space<vmem>>
      %dma_start3A_135 = arith.constant 0 : i32
      %dma_start3A_136 = tpu.memref_slice %arg9[%mul3A_119, %dma_start3A_135] : memref<40x125xi32, #tpu.memory_space<vmem>> -> memref<1x125xi32, #tpu.memory_space<vmem>>
      %dma_start3A_137 = tpu.memref_squeeze %dma_start3A_136 : memref<1x125xi32, #tpu.memory_space<vmem>> -> memref<125xi32, #tpu.memory_space<vmem>>
      %dma_start3A_138 = arith.constant 0 : i32
      %dma_start3A_139 = arith.constant 0 : i32
      %dma_start3A_140 = tpu.memref_slice %arg7[%dma_start3A_138, %dma_start3A_139] : memref<10240x64xf32, #tpu.memory_space<vmem_shared>> -> memref<10240x64xf32, #tpu.memory_space<vmem_shared>>
      tpu.enqueue_indirect_dma source(%dma_start3A_134 : memref<125x64xf32, #tpu.memory_space<vmem>>) target(%dma_start3A_140 : memref<10240x64xf32, #tpu.memory_space<vmem_shared>>) offsets(%dma_start3A_137 : memref<125xi32, #tpu.memory_space<vmem>>) semaphore(%arg14 : memref<!tpu.dma_semaphore, #tpu.memory_space<semaphore_mem>>) {add = true}
      %gt3A = arith.constant 0 : i32
      %gt3A_141 = arith.cmpi sgt, %scan3A_117, %gt3A : i32
      %convert_element_type3A_142 = arith.extui %gt3A_141 : i1 to i32
      %cond3A_143 = arith.constant 0 : i32
      %cond3A_144 = arith.cmpi ne, %convert_element_type3A_142, %cond3A_143 : i32
      scf.if %cond3A_144 {
        %dma_wait3A_186 = arith.constant 0 : i32
        %dma_wait3A_187 = arith.constant 0 : i32
        %dma_wait3A_188 = tpu.memref_slice %arg11[%dma_wait3A_186, %dma_wait3A_187] : memref<128x64xf32, #tpu.memory_space<vmem>> -> memref<125x64xf32, #tpu.memory_space<vmem>>
        %dma_wait3A_189 = arith.constant 0 : i32
        %dma_wait3A_190 = tpu.memref_slice %arg9[%add3A_122, %dma_wait3A_189] : memref<40x125xi32, #tpu.memory_space<vmem>> -> memref<1x125xi32, #tpu.memory_space<vmem>>
        %dma_wait3A_191 = tpu.memref_squeeze %dma_wait3A_190 : memref<1x125xi32, #tpu.memory_space<vmem>> -> memref<125xi32, #tpu.memory_space<vmem>>
        %dma_wait3A_192 = arith.constant 0 : i32
        %dma_wait3A_193 = arith.constant 0 : i32
        %dma_wait3A_194 = tpu.memref_slice %arg7[%dma_wait3A_192, %dma_wait3A_193] : memref<10240x64xf32, #tpu.memory_space<vmem_shared>> -> memref<10240x64xf32, #tpu.memory_space<vmem_shared>>
        tpu.wait_indirect_dma semaphore(%arg15 : memref<!tpu.dma_semaphore, #tpu.memory_space<semaphore_mem>>) src(%dma_wait3A_188 : memref<125x64xf32, #tpu.memory_space<vmem>>) dst(%dma_wait3A_194 : memref<10240x64xf32, #tpu.memory_space<vmem_shared>>)
      } else {
      }
      %dma_start3A_145 = arith.constant 0 : i32
      %dma_start3A_146 = arith.constant 0 : i32
      %dma_start3A_147 = tpu.memref_slice %arg11[%dma_start3A_145, %dma_start3A_146] : memref<128x64xf32, #tpu.memory_space<vmem>> -> memref<125x64xf32, #tpu.memory_space<vmem>>
      %dma_start3A_148 = arith.constant 0 : i32
      %dma_start3A_149 = tpu.memref_slice %arg8[%add3A_122, %dma_start3A_148] : memref<40x125xi32, #tpu.memory_space<vmem>> -> memref<1x125xi32, #tpu.memory_space<vmem>>
      %dma_start3A_150 = tpu.memref_squeeze %dma_start3A_149 : memref<1x125xi32, #tpu.memory_space<vmem>> -> memref<125xi32, #tpu.memory_space<vmem>>
      %dma_start3A_151 = arith.constant 0 : i32
      %dma_start3A_152 = arith.constant 0 : i32
      %dma_start3A_153 = tpu.memref_slice %arg6[%dma_start3A_151, %dma_start3A_152] : memref<10240x64xf32, #tpu.memory_space<vmem_shared>> -> memref<10240x64xf32, #tpu.memory_space<vmem_shared>>
      tpu.enqueue_indirect_dma source(%dma_start3A_153 : memref<10240x64xf32, #tpu.memory_space<vmem_shared>>) target(%dma_start3A_147 : memref<125x64xf32, #tpu.memory_space<vmem>>) offsets(%dma_start3A_150 : memref<125xi32, #tpu.memory_space<vmem>>) semaphore(%arg13 : memref<!tpu.dma_semaphore, #tpu.memory_space<semaphore_mem>>)
      %dma_wait3A_154 = arith.constant 0 : i32
      %dma_wait3A_155 = arith.constant 0 : i32
      %dma_wait3A_156 = tpu.memref_slice %arg11[%dma_wait3A_154, %dma_wait3A_155] : memref<128x64xf32, #tpu.memory_space<vmem>> -> memref<125x64xf32, #tpu.memory_space<vmem>>
      %dma_wait3A_157 = arith.constant 0 : i32
      %dma_wait3A_158 = tpu.memref_slice %arg8[%add3A_122, %dma_wait3A_157] : memref<40x125xi32, #tpu.memory_space<vmem>> -> memref<1x125xi32, #tpu.memory_space<vmem>>
      %dma_wait3A_159 = tpu.memref_squeeze %dma_wait3A_158 : memref<1x125xi32, #tpu.memory_space<vmem>> -> memref<125xi32, #tpu.memory_space<vmem>>
      %dma_wait3A_160 = arith.constant 0 : i32
      %dma_wait3A_161 = arith.constant 0 : i32
      %dma_wait3A_162 = tpu.memref_slice %arg6[%dma_wait3A_160, %dma_wait3A_161] : memref<10240x64xf32, #tpu.memory_space<vmem_shared>> -> memref<10240x64xf32, #tpu.memory_space<vmem_shared>>
      tpu.wait_indirect_dma semaphore(%arg13 : memref<!tpu.dma_semaphore, #tpu.memory_space<semaphore_mem>>) src(%dma_wait3A_162 : memref<10240x64xf32, #tpu.memory_space<vmem_shared>>) dst(%dma_wait3A_156 : memref<125x64xf32, #tpu.memory_space<vmem>>)
      %dma_start3A_163 = arith.constant 0 : i32
      %dma_start3A_164 = arith.constant 0 : i32
      %dma_start3A_165 = tpu.memref_slice %arg11[%dma_start3A_163, %dma_start3A_164] : memref<128x64xf32, #tpu.memory_space<vmem>> -> memref<125x64xf32, #tpu.memory_space<vmem>>
      %dma_start3A_166 = arith.constant 0 : i32
      %dma_start3A_167 = tpu.memref_slice %arg9[%add3A_122, %dma_start3A_166] : memref<40x125xi32, #tpu.memory_space<vmem>> -> memref<1x125xi32, #tpu.memory_space<vmem>>
      %dma_start3A_168 = tpu.memref_squeeze %dma_start3A_167 : memref<1x125xi32, #tpu.memory_space<vmem>> -> memref<125xi32, #tpu.memory_space<vmem>>
      %dma_start3A_169 = arith.constant 0 : i32
      %dma_start3A_170 = arith.constant 0 : i32
      %dma_start3A_171 = tpu.memref_slice %arg7[%dma_start3A_169, %dma_start3A_170] : memref<10240x64xf32, #tpu.memory_space<vmem_shared>> -> memref<10240x64xf32, #tpu.memory_space<vmem_shared>>
      tpu.enqueue_indirect_dma source(%dma_start3A_165 : memref<125x64xf32, #tpu.memory_space<vmem>>) target(%dma_start3A_171 : memref<10240x64xf32, #tpu.memory_space<vmem_shared>>) offsets(%dma_start3A_168 : memref<125xi32, #tpu.memory_space<vmem>>) semaphore(%arg15 : memref<!tpu.dma_semaphore, #tpu.memory_space<semaphore_mem>>) {add = true}
      %dma_wait3A_172 = arith.constant 0 : i32
      %dma_wait3A_173 = arith.constant 0 : i32
      %dma_wait3A_174 = tpu.memref_slice %arg10[%dma_wait3A_172, %dma_wait3A_173] : memref<128x64xf32, #tpu.memory_space<vmem>> -> memref<125x64xf32, #tpu.memory_space<vmem>>
      %dma_wait3A_175 = arith.constant 0 : i32
      %dma_wait3A_176 = tpu.memref_slice %arg9[%mul3A_119, %dma_wait3A_175] : memref<40x125xi32, #tpu.memory_space<vmem>> -> memref<1x125xi32, #tpu.memory_space<vmem>>
      %dma_wait3A_177 = tpu.memref_squeeze %dma_wait3A_176 : memref<1x125xi32, #tpu.memory_space<vmem>> -> memref<125xi32, #tpu.memory_space<vmem>>
      %dma_wait3A_178 = arith.constant 0 : i32
      %dma_wait3A_179 = arith.constant 0 : i32
      %dma_wait3A_180 = tpu.memref_slice %arg7[%dma_wait3A_178, %dma_wait3A_179] : memref<10240x64xf32, #tpu.memory_space<vmem_shared>> -> memref<10240x64xf32, #tpu.memory_space<vmem_shared>>
      tpu.wait_indirect_dma semaphore(%arg14 : memref<!tpu.dma_semaphore, #tpu.memory_space<semaphore_mem>>) src(%dma_wait3A_174 : memref<125x64xf32, #tpu.memory_space<vmem>>) dst(%dma_wait3A_180 : memref<10240x64xf32, #tpu.memory_space<vmem_shared>>)
      %lt3A_181 = arith.constant 19 : i32
      %lt3A_182 = arith.cmpi slt, %scan3A_117, %lt3A_181 : i32
      %convert_element_type3A_183 = arith.extui %lt3A_182 : i1 to i32
      %cond3A_184 = arith.constant 0 : i32
      %cond3A_185 = arith.cmpi ne, %convert_element_type3A_183, %cond3A_184 : i32
      scf.if %cond3A_185 {
        %mul3A_186 = arith.constant 2 : i32
        %mul3A_187 = arith.muli %mul3A_186, %scan3A_117 : i32
        %add3A_188 = arith.constant 2 : i32
        %add3A_189 = arith.addi %mul3A_187, %add3A_188 : i32
        %dma_start3A_190 = arith.constant 0 : i32
        %dma_start3A_191 = arith.constant 0 : i32
        %dma_start3A_192 = tpu.memref_slice %arg10[%dma_start3A_190, %dma_start3A_191] : memref<128x64xf32, #tpu.memory_space<vmem>> -> memref<125x64xf32, #tpu.memory_space<vmem>>
        %dma_start3A_193 = arith.constant 0 : i32
        %dma_start3A_194 = tpu.memref_slice %arg8[%add3A_189, %dma_start3A_193] : memref<40x125xi32, #tpu.memory_space<vmem>> -> memref<1x125xi32, #tpu.memory_space<vmem>>
        %dma_start3A_195 = tpu.memref_squeeze %dma_start3A_194 : memref<1x125xi32, #tpu.memory_space<vmem>> -> memref<125xi32, #tpu.memory_space<vmem>>
        %dma_start3A_196 = arith.constant 0 : i32
        %dma_start3A_197 = arith.constant 0 : i32
        %dma_start3A_198 = tpu.memref_slice %arg6[%dma_start3A_196, %dma_start3A_197] : memref<10240x64xf32, #tpu.memory_space<vmem_shared>> -> memref<10240x64xf32, #tpu.memory_space<vmem_shared>>
        tpu.enqueue_indirect_dma source(%dma_start3A_198 : memref<10240x64xf32, #tpu.memory_space<vmem_shared>>) target(%dma_start3A_192 : memref<125x64xf32, #tpu.memory_space<vmem>>) offsets(%dma_start3A_195 : memref<125xi32, #tpu.memory_space<vmem>>) semaphore(%arg12 : memref<!tpu.dma_semaphore, #tpu.memory_space<semaphore_mem>>)
      } else {
      }
    }
    %scan3A_104 = arith.constant 20 : i32
    %dma_wait3A_105 = arith.constant 39 : i32
    %dma_wait3A_106 = arith.constant 0 : i32
    %dma_wait3A_107 = arith.constant 0 : i32
    %dma_wait3A_108 = tpu.memref_slice %arg11[%dma_wait3A_106, %dma_wait3A_107] : memref<128x64xf32, #tpu.memory_space<vmem>> -> memref<125x64xf32, #tpu.memory_space<vmem>>
    %dma_wait3A_109 = arith.constant 0 : i32
    %dma_wait3A_110 = tpu.memref_slice %arg9[%dma_wait3A_105, %dma_wait3A_109] : memref<40x125xi32, #tpu.memory_space<vmem>> -> memref<1x125xi32, #tpu.memory_space<vmem>>
    %dma_wait3A_111 = tpu.memref_squeeze %dma_wait3A_110 : memref<1x125xi32, #tpu.memory_space<vmem>> -> memref<125xi32, #tpu.memory_space<vmem>>
    %dma_wait3A_112 = arith.constant 0 : i32
    %dma_wait3A_113 = arith.constant 0 : i32
    %dma_wait3A_114 = tpu.memref_slice %arg7[%dma_wait3A_112, %dma_wait3A_113] : memref<10240x64xf32, #tpu.memory_space<vmem_shared>> -> memref<10240x64xf32, #tpu.memory_space<vmem_shared>>
    tpu.wait_indirect_dma semaphore(%arg15 : memref<!tpu.dma_semaphore, #tpu.memory_space<semaphore_mem>>) src(%dma_wait3A_108 : memref<125x64xf32, #tpu.memory_space<vmem>>) dst(%dma_wait3A_114 : memref<10240x64xf32, #tpu.memory_space<vmem_shared>>)
    %barrier3A_115 = arith.constant 0 : index
    tpu.barrier barrier_id(%barrier3A_115)
    %mul3A = arith.constant 640 : i32
    %mul3A_116 = arith.muli %arg1, %mul3A : i32
    "tpu.region"() ({
      %run_scoped3A = tpu.sem_alloc : memref<!tpu.dma_semaphore, #tpu.memory_space<semaphore_mem>>
      %dma_start3A_117 = arith.constant 0 : i32
      %dma_start3A_118 = tpu.memref_slice %arg5[%arg0, %mul3A_116, %dma_start3A_117] : memref<2x10240x64xf32, #tpu.memory_space<hbm>> -> memref<1x640x64xf32, #tpu.memory_space<hbm>>
      %dma_start3A_119 = tpu.memref_squeeze %dma_start3A_118 : memref<1x640x64xf32, #tpu.memory_space<hbm>> -> memref<640x64xf32, #tpu.memory_space<hbm>>
      %dma_start3A_120 = arith.constant 0 : i32
      %dma_start3A_121 = tpu.memref_slice %arg7[%mul3A_116, %dma_start3A_120] : memref<10240x64xf32, #tpu.memory_space<vmem_shared>> -> memref<640x64xf32, #tpu.memory_space<vmem_shared>>
      tpu.enqueue_dma source(%dma_start3A_121 : memref<640x64xf32, #tpu.memory_space<vmem_shared>>) target(%dma_start3A_119 : memref<640x64xf32, #tpu.memory_space<hbm>>) target_semaphore(%run_scoped3A : memref<!tpu.dma_semaphore, #tpu.memory_space<semaphore_mem>>)
      %dma_wait3A_122 = arith.constant 0 : i32
      %dma_wait3A_123 = tpu.memref_slice %arg5[%arg0, %mul3A_116, %dma_wait3A_122] : memref<2x10240x64xf32, #tpu.memory_space<hbm>> -> memref<1x640x64xf32, #tpu.memory_space<hbm>>
      %dma_wait3A_124 = tpu.memref_squeeze %dma_wait3A_123 : memref<1x640x64xf32, #tpu.memory_space<hbm>> -> memref<640x64xf32, #tpu.memory_space<hbm>>
      %dma_wait3A_125 = arith.constant 0 : i32
      %dma_wait3A_126 = tpu.memref_slice %arg7[%mul3A_116, %dma_wait3A_125] : memref<10240x64xf32, #tpu.memory_space<vmem_shared>> -> memref<640x64xf32, #tpu.memory_space<vmem_shared>>
      tpu.wait_dma2 semaphore(%run_scoped3A : memref<!tpu.dma_semaphore, #tpu.memory_space<semaphore_mem>>) src(%dma_wait3A_126 : memref<640x64xf32, #tpu.memory_space<vmem_shared>>) dst(%dma_wait3A_124 : memref<640x64xf32, #tpu.memory_space<hbm>>)
      tpu.yield
    }) : () -> ()
    return
  }
}

module attributes {stable_mosaic.version = 14 : i64} {
  func.func @_mlp1_body(%arg0: i32, %arg1: memref<2000x128xf32, #tpu.memory_space<vmem>>, %arg2: memref<2x2000x64xf32, #tpu.memory_space<vmem>>, %arg3: memref<128x128xf32, #tpu.memory_space<vmem>>, %arg4: memref<1x128xf32, #tpu.memory_space<vmem>>, %arg5: memref<128x128xf32, #tpu.memory_space<vmem>>, %arg6: memref<1x128xf32, #tpu.memory_space<vmem>>, %arg7: memref<2x2000x64xf32, #tpu.memory_space<vmem>>) attributes {dimension_semantics = [#tpu.dimension_semantics<arbitrary>], iteration_bounds = array<i64: 5>, scalar_prefetch = 0 : i64, scratch_operands = 0 : i64, tpu.core_type = #tpu.core_type<tc>, window_params = [{transform_indices = @transform_0, window_bounds = array<i64: 2000, 128>}, {transform_indices = @transform_1, window_bounds = array<i64: 2, 2000, 64>}, {pipeline_mode = #tpu.pipeline_mode<synchronous>, transform_indices = @transform_2, window_bounds = array<i64: 128, 128>}, {pipeline_mode = #tpu.pipeline_mode<synchronous>, transform_indices = @transform_3, window_bounds = array<i64: 1, 128>}, {pipeline_mode = #tpu.pipeline_mode<synchronous>, transform_indices = @transform_4, window_bounds = array<i64: 128, 128>}, {pipeline_mode = #tpu.pipeline_mode<synchronous>, transform_indices = @transform_5, window_bounds = array<i64: 1, 128>}, {transform_indices = @transform_6, window_bounds = array<i64: 2, 2000, 64>}]} {
    %get3A = arith.constant 0 : index
    %get3A_0 = arith.constant 0 : index
    %get3A_1 = vector.load %arg1[%get3A, %get3A_0] : memref<2000x128xf32, #tpu.memory_space<vmem>>, vector<2000x128xf32>
    %get3A_2 = arith.constant 0 : index
    %get3A_3 = arith.constant 0 : index
    %get3A_4 = arith.constant 0 : index
    %get3A_5 = vector.load %arg2[%get3A_2, %get3A_3, %get3A_4] : memref<2x2000x64xf32, #tpu.memory_space<vmem>>, vector<1x2000x64xf32>
    %get3A_6 = vector.shape_cast %get3A_5 : vector<1x2000x64xf32> to vector<2000x64xf32>
    %get3A_7 = arith.constant 1 : index
    %get3A_8 = arith.constant 0 : index
    %get3A_9 = arith.constant 0 : index
    %get3A_10 = vector.load %arg2[%get3A_7, %get3A_8, %get3A_9] : memref<2x2000x64xf32, #tpu.memory_space<vmem>>, vector<1x2000x64xf32>
    %get3A_11 = vector.shape_cast %get3A_10 : vector<1x2000x64xf32> to vector<2000x64xf32>
    %concatenate3A = tpu.concatenate %get3A_6, %get3A_11 in 1 : vector<2000x64xf32>, vector<2000x64xf32> -> vector<2000x128xf32>
    %add3A = arith.addf %get3A_1, %concatenate3A : vector<2000x128xf32>
    %get3A_12 = arith.constant 0 : index
    %get3A_13 = arith.constant 0 : index
    %get3A_14 = vector.load %arg3[%get3A_12, %get3A_13] : memref<128x128xf32, #tpu.memory_space<vmem>>, vector<128x128xf32>
    %dot_general3A = arith.constant dense<0.000000e+00> : vector<2000x128xf32>
    %dot_general3A_15 = tpu.matmul %add3A, %get3A_14, %dot_general3A {dimension_numbers = #tpu.dot_dimension_numbers<[1], [0], [0], [1], [0, 0, 1, 1], [], []>, transpose_lhs_hint = false} : vector<2000x128xf32>, vector<128x128xf32>, vector<2000x128xf32> -> vector<2000x128xf32>
    %get3A_16 = arith.constant 0 : index
    %get3A_17 = arith.constant 0 : index
    %get3A_18 = vector.load %arg4[%get3A_16, %get3A_17] : memref<1x128xf32, #tpu.memory_space<vmem>>, vector<1x128xf32>
    %add3A_19 = vector.broadcast %get3A_18 : vector<1x128xf32> to vector<2000x128xf32>
    %add3A_20 = arith.addf %dot_general3A_15, %add3A_19 : vector<2000x128xf32>
    %max3A = arith.constant 0.000000e+00 : f32
    %max3A_21 = vector.broadcast %max3A : f32 to vector<2000x128xf32>
    %max3A_22 = arith.maximumf %add3A_20, %max3A_21 : vector<2000x128xf32>
    %get3A_23 = arith.constant 0 : index
    %get3A_24 = arith.constant 0 : index
    %get3A_25 = vector.load %arg5[%get3A_23, %get3A_24] : memref<128x128xf32, #tpu.memory_space<vmem>>, vector<128x128xf32>
    %dot_general3A_26 = arith.constant dense<0.000000e+00> : vector<2000x128xf32>
    %dot_general3A_27 = tpu.matmul %max3A_22, %get3A_25, %dot_general3A_26 {dimension_numbers = #tpu.dot_dimension_numbers<[1], [0], [0], [1], [0, 0, 1, 1], [], []>, transpose_lhs_hint = false} : vector<2000x128xf32>, vector<128x128xf32>, vector<2000x128xf32> -> vector<2000x128xf32>
    %get3A_28 = arith.constant 0 : index
    %get3A_29 = arith.constant 0 : index
    %get3A_30 = vector.load %arg6[%get3A_28, %get3A_29] : memref<1x128xf32, #tpu.memory_space<vmem>>, vector<1x128xf32>
    %add3A_31 = vector.broadcast %get3A_30 : vector<1x128xf32> to vector<2000x128xf32>
    %add3A_32 = arith.addf %dot_general3A_27, %add3A_31 : vector<2000x128xf32>
    %max3A_33 = arith.constant 0.000000e+00 : f32
    %max3A_34 = vector.broadcast %max3A_33 : f32 to vector<2000x128xf32>
    %max3A_35 = arith.maximumf %add3A_32, %max3A_34 : vector<2000x128xf32>
    %slice3A = vector.extract_strided_slice %max3A_35 {offsets = [0, 0], sizes = [2000, 64], strides = [1, 1]} : vector<2000x128xf32> to vector<2000x64xf32>
    %swap3A = arith.constant 0 : index
    %swap3A_36 = arith.constant 0 : index
    %swap3A_37 = arith.constant 0 : index
    %swap3A_38 = vector.load %arg7[%swap3A, %swap3A_36, %swap3A_37] : memref<2x2000x64xf32, #tpu.memory_space<vmem>>, vector<1x2000x64xf32>
    %swap3A_39 = vector.shape_cast %swap3A_38 : vector<1x2000x64xf32> to vector<2000x64xf32>
    %swap3A_40 = vector.shape_cast %slice3A : vector<2000x64xf32> to vector<1x2000x64xf32>
    tpu.vector_store %arg7[%swap3A, %swap3A_36, %swap3A_37], %swap3A_40 {strides = array<i32>} : memref<2x2000x64xf32, #tpu.memory_space<vmem>>, vector<1x2000x64xf32>,
    %slice3A_41 = vector.extract_strided_slice %max3A_35 {offsets = [0, 64], sizes = [2000, 64], strides = [1, 1]} : vector<2000x128xf32> to vector<2000x64xf32>
    %swap3A_42 = arith.constant 1 : index
    %swap3A_43 = arith.constant 0 : index
    %swap3A_44 = arith.constant 0 : index
    %swap3A_45 = vector.load %arg7[%swap3A_42, %swap3A_43, %swap3A_44] : memref<2x2000x64xf32, #tpu.memory_space<vmem>>, vector<1x2000x64xf32>
    %swap3A_46 = vector.shape_cast %swap3A_45 : vector<1x2000x64xf32> to vector<2000x64xf32>
    %swap3A_47 = vector.shape_cast %slice3A_41 : vector<2000x64xf32> to vector<1x2000x64xf32>
    tpu.vector_store %arg7[%swap3A_42, %swap3A_43, %swap3A_44], %swap3A_47 {strides = array<i32>} : memref<2x2000x64xf32, #tpu.memory_space<vmem>>, vector<1x2000x64xf32>,
    return
  }
  func.func @transform_0(%arg0: i32) -> (i32, i32) {
    %c0_i32 = arith.constant 0 : i32
    %c0_i32_0 = arith.constant 0 : i32
    return %arg0, %c0_i32 : i32, i32
  }
  func.func @transform_1(%arg0: i32) -> (i32, i32, i32) {
    %c0_i32 = arith.constant 0 : i32
    %c0_i32_0 = arith.constant 0 : i32
    %c0_i32_1 = arith.constant 0 : i32
    return %c0_i32, %arg0, %c0_i32_0 : i32, i32, i32
  }
  func.func @transform_2(%arg0: i32) -> (i32, i32) {
    %c0_i32 = arith.constant 0 : i32
    %c0_i32_0 = arith.constant 0 : i32
    %c0_i32_1 = arith.constant 0 : i32
    return %c0_i32, %c0_i32_0 : i32, i32
  }
  func.func @transform_3(%arg0: i32) -> (i32, i32) {
    %c0_i32 = arith.constant 0 : i32
    %c0_i32_0 = arith.constant 0 : i32
    %c0_i32_1 = arith.constant 0 : i32
    return %c0_i32, %c0_i32_0 : i32, i32
  }
  func.func @transform_4(%arg0: i32) -> (i32, i32) {
    %c0_i32 = arith.constant 0 : i32
    %c0_i32_0 = arith.constant 0 : i32
    %c0_i32_1 = arith.constant 0 : i32
    return %c0_i32, %c0_i32_0 : i32, i32
  }
  func.func @transform_5(%arg0: i32) -> (i32, i32) {
    %c0_i32 = arith.constant 0 : i32
    %c0_i32_0 = arith.constant 0 : i32
    %c0_i32_1 = arith.constant 0 : i32
    return %c0_i32, %c0_i32_0 : i32, i32
  }
  func.func @transform_6(%arg0: i32) -> (i32, i32, i32) {
    %c0_i32 = arith.constant 0 : i32
    %c0_i32_0 = arith.constant 0 : i32
    %c0_i32_1 = arith.constant 0 : i32
    return %c0_i32, %arg0, %c0_i32_0 : i32, i32, i32
  }
}

module attributes {stable_mosaic.version = 14 : i64} {
  func.func @_mlp2_pool_body(%arg0: i32, %arg1: memref<2x2000x64xf32, #tpu.memory_space<vmem>>, %arg2: memref<2x2000x64xf32, #tpu.memory_space<vmem>>, %arg3: memref<128x128xf32, #tpu.memory_space<vmem>>, %arg4: memref<1x128xf32, #tpu.memory_space<vmem>>, %arg5: memref<128x128xf32, #tpu.memory_space<vmem>>, %arg6: memref<1x128xf32, #tpu.memory_space<vmem>>, %arg7: memref<1x1x2000xi32, #tpu.memory_space<vmem>>, %arg8: memref<64x128xf32, #tpu.memory_space<vmem>>, %arg9: memref<64x128xf32, #tpu.memory_space<vmem>>, %arg10: memref<64x128xf32, #tpu.memory_space<vmem>>) attributes {dimension_semantics = [#tpu.dimension_semantics<arbitrary>], iteration_bounds = array<i64: 5>, scalar_prefetch = 0 : i64, scratch_operands = 2 : i64, tpu.core_type = #tpu.core_type<tc>, window_params = [{transform_indices = @transform_0, window_bounds = array<i64: 2, 2000, 64>}, {transform_indices = @transform_1, window_bounds = array<i64: 2, 2000, 64>}, {pipeline_mode = #tpu.pipeline_mode<synchronous>, transform_indices = @transform_2, window_bounds = array<i64: 128, 128>}, {pipeline_mode = #tpu.pipeline_mode<synchronous>, transform_indices = @transform_3, window_bounds = array<i64: 1, 128>}, {pipeline_mode = #tpu.pipeline_mode<synchronous>, transform_indices = @transform_4, window_bounds = array<i64: 128, 128>}, {pipeline_mode = #tpu.pipeline_mode<synchronous>, transform_indices = @transform_5, window_bounds = array<i64: 1, 128>}, {transform_indices = @transform_6, window_bounds = array<i64: 1, 1, 2000>}, {pipeline_mode = #tpu.pipeline_mode<synchronous>, transform_indices = @transform_7, window_bounds = array<i64: 64, 128>}]} {
    %get3A = arith.constant 0 : index
    %get3A_0 = arith.constant 0 : index
    %get3A_1 = arith.constant 0 : index
    %get3A_2 = vector.load %arg1[%get3A, %get3A_0, %get3A_1] : memref<2x2000x64xf32, #tpu.memory_space<vmem>>, vector<1x2000x64xf32>
    %get3A_3 = vector.shape_cast %get3A_2 : vector<1x2000x64xf32> to vector<2000x64xf32>
    %get3A_4 = arith.constant 1 : index
    %get3A_5 = arith.constant 0 : index
    %get3A_6 = arith.constant 0 : index
    %get3A_7 = vector.load %arg1[%get3A_4, %get3A_5, %get3A_6] : memref<2x2000x64xf32, #tpu.memory_space<vmem>>, vector<1x2000x64xf32>
    %get3A_8 = vector.shape_cast %get3A_7 : vector<1x2000x64xf32> to vector<2000x64xf32>
    %concatenate3A = tpu.concatenate %get3A_3, %get3A_8 in 1 : vector<2000x64xf32>, vector<2000x64xf32> -> vector<2000x128xf32>
    %get3A_9 = arith.constant 0 : index
    %get3A_10 = arith.constant 0 : index
    %get3A_11 = arith.constant 0 : index
    %get3A_12 = vector.load %arg2[%get3A_9, %get3A_10, %get3A_11] : memref<2x2000x64xf32, #tpu.memory_space<vmem>>, vector<1x2000x64xf32>
    %get3A_13 = vector.shape_cast %get3A_12 : vector<1x2000x64xf32> to vector<2000x64xf32>
    %get3A_14 = arith.constant 1 : index
    %get3A_15 = arith.constant 0 : index
    %get3A_16 = arith.constant 0 : index
    %get3A_17 = vector.load %arg2[%get3A_14, %get3A_15, %get3A_16] : memref<2x2000x64xf32, #tpu.memory_space<vmem>>, vector<1x2000x64xf32>
    %get3A_18 = vector.shape_cast %get3A_17 : vector<1x2000x64xf32> to vector<2000x64xf32>
    %concatenate3A_19 = tpu.concatenate %get3A_13, %get3A_18 in 1 : vector<2000x64xf32>, vector<2000x64xf32> -> vector<2000x128xf32>
    %add3A = arith.addf %concatenate3A, %concatenate3A_19 : vector<2000x128xf32>
    %get3A_20 = arith.constant 0 : index
    %get3A_21 = arith.constant 0 : index
    %get3A_22 = vector.load %arg3[%get3A_20, %get3A_21] : memref<128x128xf32, #tpu.memory_space<vmem>>, vector<128x128xf32>
    %dot_general3A = arith.constant dense<0.000000e+00> : vector<2000x128xf32>
    %dot_general3A_23 = tpu.matmul %add3A, %get3A_22, %dot_general3A {dimension_numbers = #tpu.dot_dimension_numbers<[1], [0], [0], [1], [0, 0, 1, 1], [], []>, transpose_lhs_hint = false} : vector<2000x128xf32>, vector<128x128xf32>, vector<2000x128xf32> -> vector<2000x128xf32>
    %get3A_24 = arith.constant 0 : index
    %get3A_25 = arith.constant 0 : index
    %get3A_26 = vector.load %arg4[%get3A_24, %get3A_25] : memref<1x128xf32, #tpu.memory_space<vmem>>, vector<1x128xf32>
    %add3A_27 = vector.broadcast %get3A_26 : vector<1x128xf32> to vector<2000x128xf32>
    %add3A_28 = arith.addf %dot_general3A_23, %add3A_27 : vector<2000x128xf32>
    %max3A = arith.constant 0.000000e+00 : f32
    %max3A_29 = vector.broadcast %max3A : f32 to vector<2000x128xf32>
    %max3A_30 = arith.maximumf %add3A_28, %max3A_29 : vector<2000x128xf32>
    %get3A_31 = arith.constant 0 : index
    %get3A_32 = arith.constant 0 : index
    %get3A_33 = vector.load %arg5[%get3A_31, %get3A_32] : memref<128x128xf32, #tpu.memory_space<vmem>>, vector<128x128xf32>
    %dot_general3A_34 = arith.constant dense<0.000000e+00> : vector<2000x128xf32>
    %dot_general3A_35 = tpu.matmul %max3A_30, %get3A_33, %dot_general3A_34 {dimension_numbers = #tpu.dot_dimension_numbers<[1], [0], [0], [1], [0, 0, 1, 1], [], []>, transpose_lhs_hint = false} : vector<2000x128xf32>, vector<128x128xf32>, vector<2000x128xf32> -> vector<2000x128xf32>
    %get3A_36 = arith.constant 0 : index
    %get3A_37 = arith.constant 0 : index
    %get3A_38 = vector.load %arg6[%get3A_36, %get3A_37] : memref<1x128xf32, #tpu.memory_space<vmem>>, vector<1x128xf32>
    %add3A_39 = vector.broadcast %get3A_38 : vector<1x128xf32> to vector<2000x128xf32>
    %add3A_40 = arith.addf %dot_general3A_35, %add3A_39 : vector<2000x128xf32>
    %get3A_41 = arith.constant 0 : index
    %get3A_42 = arith.constant 0 : index
    %get3A_43 = arith.constant 0 : index
    %get3A_44 = vector.load %arg7[%get3A_41, %get3A_42, %get3A_43] : memref<1x1x2000xi32, #tpu.memory_space<vmem>>, vector<1x1x2000xi32>
    %get3A_45 = vector.shape_cast %get3A_44 : vector<1x1x2000xi32> to vector<1x2000xi32>
    %iota3A = tpu.iota {dimensions = array<i32: 0>} : vector<64x2000xi32>
    %broadcast_in_dim3A = vector.shape_cast %get3A_45 : vector<1x2000xi32> to vector<1x2000xi32>
    %broadcast_in_dim3A_46 = vector.broadcast %broadcast_in_dim3A : vector<1x2000xi32> to vector<64x2000xi32>
    %eq3A = arith.cmpi eq, %iota3A, %broadcast_in_dim3A_46 : vector<64x2000xi32>
    %convert_element_type3A = arith.extui %eq3A : vector<64x2000xi1> to vector<64x2000xi32>
    %convert_element_type3A_47 = arith.sitofp %convert_element_type3A : vector<64x2000xi32> to vector<64x2000xf32>
    %dot_general3A_48 = arith.constant dense<0.000000e+00> : vector<64x128xf32>
    %dot_general3A_49 = tpu.matmul %convert_element_type3A_47, %add3A_40, %dot_general3A_48 {dimension_numbers = #tpu.dot_dimension_numbers<[1], [0], [0], [1], [0, 0, 1, 1], [], []>, transpose_lhs_hint = false} : vector<64x2000xf32>, vector<2000x128xf32>, vector<64x128xf32> -> vector<64x128xf32>
    %eq3A_50 = arith.constant 0 : i32
    %eq3A_51 = arith.cmpi eq, %arg0, %eq3A_50 : i32
    %convert_element_type3A_52 = arith.extui %eq3A_51 : i1 to i32
    %cond3A = arith.constant 0 : i32
    %cond3A_53 = arith.cmpi ne, %convert_element_type3A_52, %cond3A : i32
    scf.if %cond3A_53 {
      %broadcast_in_dim3A_76 = arith.constant 0.000000e+00 : f32
      %broadcast_in_dim3A_77 = vector.broadcast %broadcast_in_dim3A_76 : f32 to vector<64x128xf32>
      %swap3A_78 = arith.constant 0 : index
      %swap3A_79 = arith.constant 0 : index
      %swap3A_80 = vector.load %arg9[%swap3A_78, %swap3A_79] : memref<64x128xf32, #tpu.memory_space<vmem>>, vector<64x128xf32>
      tpu.vector_store %arg9[%swap3A_78, %swap3A_79], %broadcast_in_dim3A_77 {strides = array<i32>} : memref<64x128xf32, #tpu.memory_space<vmem>>, vector<64x128xf32>,
      %broadcast_in_dim3A_81 = arith.constant 0.000000e+00 : f32
      %broadcast_in_dim3A_82 = vector.broadcast %broadcast_in_dim3A_81 : f32 to vector<64x128xf32>
      %swap3A_83 = arith.constant 0 : index
      %swap3A_84 = arith.constant 0 : index
      %swap3A_85 = vector.load %arg10[%swap3A_83, %swap3A_84] : memref<64x128xf32, #tpu.memory_space<vmem>>, vector<64x128xf32>
      tpu.vector_store %arg10[%swap3A_83, %swap3A_84], %broadcast_in_dim3A_82 {strides = array<i32>} : memref<64x128xf32, #tpu.memory_space<vmem>>, vector<64x128xf32>,
    } else {
    }
    %get3A_54 = arith.constant 0 : index
    %get3A_55 = arith.constant 0 : index
    %get3A_56 = vector.load %arg9[%get3A_54, %get3A_55] : memref<64x128xf32, #tpu.memory_space<vmem>>, vector<64x128xf32>
    %add3A_57 = arith.addf %get3A_56, %dot_general3A_49 : vector<64x128xf32>
    %swap3A = arith.constant 0 : index
    %swap3A_58 = arith.constant 0 : index
    %swap3A_59 = vector.load %arg9[%swap3A, %swap3A_58] : memref<64x128xf32, #tpu.memory_space<vmem>>, vector<64x128xf32>
    tpu.vector_store %arg9[%swap3A, %swap3A_58], %add3A_57 {strides = array<i32>} : memref<64x128xf32, #tpu.memory_space<vmem>>, vector<64x128xf32>,
    %get3A_60 = arith.constant 0 : index
    %get3A_61 = arith.constant 0 : index
    %get3A_62 = vector.load %arg10[%get3A_60, %get3A_61] : memref<64x128xf32, #tpu.memory_space<vmem>>, vector<64x128xf32>
    %reduce_sum3A = arith.constant dense<0.000000e+00> : vector<64xf32>
    %reduce_sum3A_63 = vector.multi_reduction <add>, %convert_element_type3A_47, %reduce_sum3A [1] : vector<64x2000xf32> to vector<64xf32>
    %broadcast_in_dim3A_64 = vector.shape_cast %reduce_sum3A_63 : vector<64xf32> to vector<64x1xf32>
    %broadcast_in_dim3A_65 = vector.shape_cast %broadcast_in_dim3A_64 : vector<64x1xf32> to vector<64x1xf32>
    %broadcast_in_dim3A_66 = vector.broadcast %broadcast_in_dim3A_65 : vector<64x1xf32> to vector<64x128xf32>
    %add3A_67 = arith.addf %get3A_62, %broadcast_in_dim3A_66 : vector<64x128xf32>
    %swap3A_68 = arith.constant 0 : index
    %swap3A_69 = arith.constant 0 : index
    %swap3A_70 = vector.load %arg10[%swap3A_68, %swap3A_69] : memref<64x128xf32, #tpu.memory_space<vmem>>, vector<64x128xf32>
    tpu.vector_store %arg10[%swap3A_68, %swap3A_69], %add3A_67 {strides = array<i32>} : memref<64x128xf32, #tpu.memory_space<vmem>>, vector<64x128xf32>,
    %eq3A_71 = arith.constant 4 : i32
    %eq3A_72 = arith.cmpi eq, %arg0, %eq3A_71 : i32
    %convert_element_type3A_73 = arith.extui %eq3A_72 : i1 to i32
    %cond3A_74 = arith.constant 0 : i32
    %cond3A_75 = arith.cmpi ne, %convert_element_type3A_73, %cond3A_74 : i32
    scf.if %cond3A_75 {
      %get3A_76 = arith.constant 0 : index
      %get3A_77 = arith.constant 0 : index
      %get3A_78 = vector.load %arg9[%get3A_76, %get3A_77] : memref<64x128xf32, #tpu.memory_space<vmem>>, vector<64x128xf32>
      %get3A_79 = arith.constant 0 : index
      %get3A_80 = arith.constant 0 : index
      %get3A_81 = vector.load %arg10[%get3A_79, %get3A_80] : memref<64x128xf32, #tpu.memory_space<vmem>>, vector<64x128xf32>
      %max3A_82 = arith.constant 1.000000e+00 : f32
      %max3A_83 = vector.broadcast %max3A_82 : f32 to vector<64x128xf32>
      %max3A_84 = arith.maximumf %get3A_81, %max3A_83 : vector<64x128xf32>
      %div3A = arith.divf %get3A_78, %max3A_84 : vector<64x128xf32>
      %swap3A_85 = arith.constant 0 : index
      %swap3A_86 = arith.constant 0 : index
      %swap3A_87 = vector.load %arg8[%swap3A_85, %swap3A_86] : memref<64x128xf32, #tpu.memory_space<vmem>>, vector<64x128xf32>
      tpu.vector_store %arg8[%swap3A_85, %swap3A_86], %div3A {strides = array<i32>} : memref<64x128xf32, #tpu.memory_space<vmem>>, vector<64x128xf32>,
    } else {
    }
    return
  }
  func.func @transform_0(%arg0: i32) -> (i32, i32, i32) {
    %c0_i32 = arith.constant 0 : i32
    %c0_i32_0 = arith.constant 0 : i32
    %c0_i32_1 = arith.constant 0 : i32
    return %c0_i32, %arg0, %c0_i32_0 : i32, i32, i32
  }
  func.func @transform_1(%arg0: i32) -> (i32, i32, i32) {
    %c0_i32 = arith.constant 0 : i32
    %c0_i32_0 = arith.constant 0 : i32
    %c0_i32_1 = arith.constant 0 : i32
    return %c0_i32, %arg0, %c0_i32_0 : i32, i32, i32
  }
  func.func @transform_2(%arg0: i32) -> (i32, i32) {
    %c0_i32 = arith.constant 0 : i32
    %c0_i32_0 = arith.constant 0 : i32
    %c0_i32_1 = arith.constant 0 : i32
    return %c0_i32, %c0_i32_0 : i32, i32
  }
  func.func @transform_3(%arg0: i32) -> (i32, i32) {
    %c0_i32 = arith.constant 0 : i32
    %c0_i32_0 = arith.constant 0 : i32
    %c0_i32_1 = arith.constant 0 : i32
    return %c0_i32, %c0_i32_0 : i32, i32
  }
  func.func @transform_4(%arg0: i32) -> (i32, i32) {
    %c0_i32 = arith.constant 0 : i32
    %c0_i32_0 = arith.constant 0 : i32
    %c0_i32_1 = arith.constant 0 : i32
    return %c0_i32, %c0_i32_0 : i32, i32
  }
  func.func @transform_5(%arg0: i32) -> (i32, i32) {
    %c0_i32 = arith.constant 0 : i32
    %c0_i32_0 = arith.constant 0 : i32
    %c0_i32_1 = arith.constant 0 : i32
    return %c0_i32, %c0_i32_0 : i32, i32
  }
  func.func @transform_6(%arg0: i32) -> (i32, i32, i32) {
    %c0_i32 = arith.constant 0 : i32
    %c0_i32_0 = arith.constant 0 : i32
    %c0_i32_1 = arith.constant 0 : i32
    return %arg0, %c0_i32, %c0_i32_0 : i32, i32, i32
  }
  func.func @transform_7(%arg0: i32) -> (i32, i32) {
    %c0_i32 = arith.constant 0 : i32
    %c0_i32_0 = arith.constant 0 : i32
    %c0_i32_1 = arith.constant 0 : i32
    return %c0_i32, %c0_i32_0 : i32, i32
  }
}

</mosaic_0001>

<sc_bundles>
// kernel: kernel.6.cloned.1.call-start
scs
__scs_entry_jumppad:
0x0: {  	(pc) =	sbr.rel $0x88, $3  }
0x1: {  	(tag) =	ssettag $0x0;
	lr =	simm.s32 $0x1  }
0x2: {  	[smem:$0x3F96] =	sst lr;
	_ =	strace $0xD0000000  }
0x3: {  	_ = 	snop  }
0x4: {  	_ = 	snop  }
0x5: {  	_ = 	snop  }
0x6: {  	_ = 	snop  }
0x7: {  	_ = 	snop  }
__scs_overlays_trampoline_lowered:
0x8: {  	[smem:$0x3FA5] =	sst s0  }
0x9: {  	[smem:$0x3FA6] =	sst s1  }
0xa: {  	[smem:$0x3FA7] =	sst s2  }
0xb: {  	[smem:$0x3FA8] =	sst s3  }
0xc: {  	[smem:$0x3FA9] =	sst s4  }
0xd: {  	[smem:$0x3FAA] =	sst s5  }
0xe: {  	[smem:$0x3FAB] =	sst s6  }
0xf: {  	[smem:$0x3FAC] =	sst s7  }
0x10: {  	[smem:$0x3FAD] =	sst s8  }
0x11: {  	[smem:$0x3FAE] =	sst s9;
	s0 =	simm.s32 @!p0 $0x0  }
0x12: {  	s1 =	sld [smem:$0x3F94];
	s0 =	simm.s32 @p0 $0x1  }
0x13: {  	[smem:$0x3FAF] =	sst s0;
	s0 =	simm.s32 @!p1 $0x0  }
0x14: {  	s2 =	sld [smem:$0x3F93];
	s0 =	simm.s32 @p1 $0x1  }
0x15: {  	[smem:$0x3FB0] =	sst s0;
	s0 =	simm.s32 @!p2 $0x0  }
0x16: {  	s3 =	sld [smem:$0x3FDB];
	s0 =	simm.s32 @p2 $0x1  }
0x17: {  	s4 =	simm.s32 $0x1BF5;
	[smem:$0x3FB2] =	sst s0  }
0x18: {  	s0 =	sld [smem:$0x3F95];
	_ =	swait.ge [sflag:s4], $0x0  }
0x19: {  	s7 =	sld [smem:$0x3F96]  }
0x1a: {  	s8 =	sadd.s32 $0xFFFFE003, lr  }
0x1b: {  	s9 =	sadd.s32 $0xFFFFFEF7, lr;
	s5 =	simm.s32 $0xFFFFFFFF;
	p2 =	slt.u32 s8, $0xFFFFF086  }
0x1c: {  	p1 =	slt.u32 s9, $0xF7A;
	s5 =	simm.s32 @!p2 $0x0  }
0x1d: {  	s5 =	simm.s32 @p1 $0x1;
	p0 =	seq.s32 s7, s2  }
0x1e: {  	s7 =	smul.u32 @!p0 $0xF7A, s2;
	p2 =	seq.s32 @!p0 s5, $0x0  }
0x1f: {  	s9 =	smul.u32 $0xF7A, s1;
	s8 =	simm.s32 @!p0 $0x1BF5;
	p2 =	por !p2, p0  }
0x20: {  	[sflag:s8] =	ssyncset.s32 @!p0 $0xFFFFF086;
	s6 =	sadd.s32 @!p0 s3, s7;
	s7 =	simm.s32 @!p0 $0x108  }
0x21: {  	s3 =	sadd.s32 s3, s9;
	s6 =	sadd.s32 @!p0 $0x88, s6;
	s7 =	simm.s32 @p2 $0x1082  }
0x22: {  	[simem:s7], [sflag:s8] =	dma.local @!p0 [hbm:s6], $0xF7A  }
0x23: {  	s9 =	sor.u32 $0xD0000000, s2;
	s6 =	simm.s32 $0x108;
	_ =	swait.ge @!p0 [sflag:s8], $0x0  }
0x24: {  	s3 =	sadd.s32 $0x88, s3;
	s6 =	simm.s32 @!p1 $0x1082;
	[sflag:s4] =	ssyncset.s32 $0xFFFFF086  }
0x25: {  	[simem:s6], [sflag:s4] =	dma.local [hbm:s3], $0xF7A  }
0x26: {  	[smem:$0x3F96] =	sst s1;
	(tag) =	ssettag s2;
	_ =	strace s9  }
0x27: {  	s1 =	sld [smem:$0x3FA6]  }
0x28: {  	s2 =	sld [smem:$0x3FA7]  }
0x29: {  	s4 =	sld [smem:$0x3FA9]  }
0x2a: {  	p0 =	seq.s32 s5, $0x0;
	s5 =	sld [smem:$0x3FAA]  }
0x2b: {  	s6 =	sld [smem:$0x3FAB]  }
0x2c: {  	s7 =	sld [smem:$0x3FAC]  }
0x2d: {  	s3 =	simm.s32 $0x108;
	s8 =	sld [smem:$0x3FAD]  }
0x2e: {  	s3 =	simm.s32 @!p0 $0x1082;
	s9 =	sld [smem:$0x3FAE]  }
0x2f: {  	lr =	sadd.s32 s0, s3;
	s0 =	sld [smem:$0x3FA5]  }
0x30: {  	s3 =	sld [smem:$0x3FA8]  }
0x31: {  	[smem:$0x3FB1] =	sst s10  }
0x32: {  	s10 =	sld [smem:$0x3FAF];
	_ =	sdelay $0x3  }
0x33: {  	p0 =	seq.s32 s10, $0x1;
	s10 =	sld [smem:$0x3FB1];
	_ =	sdelay $0x3  }
0x34: {  	[smem:$0x3FB1] =	sst s10  }
0x35: {  	s10 =	sld [smem:$0x3FB0];
	_ =	sdelay $0x3  }
0x36: {  	p1 =	seq.s32 s10, $0x1;
	s10 =	sld [smem:$0x3FB1];
	_ =	sdelay $0x3  }
0x37: {  	[smem:$0x3FB1] =	sst s10  }
0x38: {  	s10 =	sld [smem:$0x3FB2]  }
0x39: {  	_ = 	snop;
	(pc) =	sbr.ind lr, $3  }
0x3a: {  	_ = 	snop  }
0x3b: {  	_ = 	snop  }
0x3c: {  	p2 =	seq.s32 s10, $0x1;
	s10 =	sld [smem:$0x3FB1]  }
0x3d: {  	_ =	shalt  }
0x3e: {  	_ =	shalt  }
0x3f: {  	_ =	shalt  }
0x40: {  	_ =	shalt  }
0x41: {  	_ =	shalt  }
0x42: {  	_ =	shalt  }
0x43: {  	_ =	shalt  }
0x44: {  	_ =	shalt  }
0x45: {  	_ =	shalt  }
0x46: {  	_ =	shalt  }
0x47: {  	_ =	shalt  }
0x48: {  	_ =	shalt  }
0x49: {  	_ =	shalt  }
0x4a: {  	_ =	shalt  }
0x4b: {  	_ =	shalt  }
0x4c: {  	_ =	shalt  }
0x4d: {  	_ =	shalt  }
0x4e: {  	_ =	shalt  }
0x4f: {  	_ =	shalt  }
0x50: {  	_ =	shalt  }
0x51: {  	_ =	shalt  }
0x52: {  	_ =	shalt  }
0x53: {  	_ =	shalt  }
0x54: {  	_ =	shalt  }
0x55: {  	_ =	shalt  }
0x56: {  	_ =	shalt  }
0x57: {  	_ =	shalt  }
0x58: {  	_ =	shalt  }
0x59: {  	_ =	shalt  }
0x5a: {  	_ =	shalt  }
0x5b: {  	_ =	shalt  }
0x5c: {  	_ =	shalt  }
0x5d: {  	_ =	shalt  }
0x5e: {  	_ =	shalt  }
0x5f: {  	_ =	shalt  }
0x60: {  	_ =	shalt  }
0x61: {  	_ =	shalt  }
0x62: {  	_ =	shalt  }
0x63: {  	_ =	shalt  }
0x64: {  	_ =	shalt  }
0x65: {  	_ =	shalt  }
0x66: {  	_ =	shalt  }
0x67: {  	_ =	shalt  }
0x68: {  	_ =	shalt  }
0x69: {  	_ =	shalt  }
0x6a: {  	_ =	shalt  }
0x6b: {  	_ =	shalt  }
0x6c: {  	_ =	shalt  }
0x6d: {  	_ =	shalt  }
0x6e: {  	_ =	shalt  }
0x6f: {  	_ =	shalt  }
0x70: {  	_ =	shalt  }
0x71: {  	_ =	shalt  }
0x72: {  	_ =	shalt  }
0x73: {  	_ =	shalt  }
0x74: {  	_ =	shalt  }
0x75: {  	_ =	shalt  }
0x76: {  	_ =	shalt  }
0x77: {  	_ =	shalt  }
0x78: {  	_ =	shalt  }
0x79: {  	_ =	shalt  }
0x7a: {  	_ =	shalt  }
0x7b: {  	_ =	shalt  }
0x7c: {  	_ =	shalt  }
0x7d: {  	_ =	shalt  }
0x7e: {  	_ =	shalt  }
0x7f: {  	_ =	shalt  }
0x80: {  	_ =	shalt  }
0x81: {  	_ =	shalt  }
0x82: {  	_ =	shalt  }
0x83: {  	_ =	shalt  }
0x84: {  	_ =	shalt  }
0x85: {  	_ =	shalt  }
0x86: {  	_ =	shalt  }
0x87: {  	_ =	shalt  }
.Lfunc_end0:
.L_simem_size_0:
called_computation_lowered:
.L_overlay_start_0:
0x88: {  	s2 =	sld [smem:$0x3FD9]  }
0x89: {  	s3 =	sld [smem:$0x3FFE];
	_ =	sdelay $0x1  }
0x8a: {  	s1 =	srdreg.scid  }
0x8b: {  	s0 =	sand.u32 $0x1, s1  }
0x8c: {  	s16 =	sshll.u32 s0, $0xA;
	s2 =	sadd.s32 s3, s2  }
0x8d: {  	s2 =	sadd.s32 s2, s16  }
0x8e: {  	[smem:$0x3FBD] =	sst s2  }
0x8f: {  	_ = 	snop  }
0x90: {  	(tm) =	ssettm $0x1  }
0x91: {  	s17 =	sld [smem:$0x3FFB];
	_ =	sdelay $0x3  }
0x92: {  	_ =	strace s17  }
0x93: {  	s2 =	sld [smem:$0x3FFC];
	_ =	sdelay $0x3  }
0x94: {  	_ =	strace s2  }
0x95: {  	s2 =	sld [smem:$0x3FFD];
	_ =	sdelay $0x3  }
0x96: {  	_ =	strace s2  }
0x97: {  	_ =	strace $0x8FFFFFFF  }
0x98: {  	s18 =	sld [smem:$0x3FDB];
	_ =	sdelay $0x1  }
0x99: {  	s19 =	simm.s32 $_scs_section_size  }
0x9a: {  	s4 =	simm.s32 $_size__tile_overlayer_lowered;
	s5 =	simm.s32 $_tile_overlayer_lowered  }
0x9b: {  	s22 =	simm.s32 $0x1BFF;
	s21 =	sshll.u32 s5, $0x1;
	s2 =	sadd.s32 s19, s18  }
0x9c: {  	s6 =	simm.s32 $0x0;
	s20 =	sshll.u32 s4, $0x1;
	s4 =	sadd.s32 s21, s2  }
0x9d: {  	[timem:s6], [sflag:s22] =	dma.local [hbm:s4], s20  }
0x9e: {  	_ =	swait.ge [sflag:s22], s20  }
0x9f: {  	s3 =	ssub.s32 $0x0, s20;
	[sflag:s22] =	ssyncset.done $0x0  }
0xa0: {  	[sflag:s22] =	ssyncadd.s32 s3;
	_ =	sdelay $0x1  }
0xa1: {  	s23 =	simm.s32 $0x1B8B  }
0xa2: {  	_ =	swait.ge [sflag:s23], $0x1  }
0xa3: {  	[sflag:s23] =	ssyncset.done $0x0  }
0xa4: {  	s25 =	simm.s32 $0x1B8E;
	s24 =	sld [smem:$0x3FFE];
	[sflag:s23] =	ssyncadd.s32 $0xFFFFFFFF  }
0xa5: {  	s26 =	simm.s32 $execute0_lowered;
	[smem:$0x3FD2] =	sst s25  }
0xa6: {  	s4 =	sshll.u32 s26, $0x1;
	_ =	strace $0x80000046;
	[dreg:$0x1] =	wrdreg $0xFFFFFFFF  }
0xa7: {  	s28 =	simm.s32 $_size_execute0_lowered;
	s2 =	sadd.s32 s2, s4;
	[dreg:$0x0] =	wrdreg $0x0  }
0xa8: {  	s4 =	sshll.u32 s28, $0x1;
	[dreg:$0x2] =	wrdreg s2  }
0xa9: {  	[dreg:$0x3] =	wrdreg s4  }
0xaa: {  	[dreg:$0x4] =	wrdreg $0xC0  }
0xab: {  	_ =	task [dreg:s6], $0x5FFFF  }
0xac: {  	[dreg:$0x1] =	wrdreg $0xFFFFFFFF  }
0xad: {  	[dreg:$0x0] =	wrdreg $0x60  }
0xae: {  	[dreg:$0x2] =	wrdreg s24  }
0xaf: {  	[dreg:$0x3] =	wrdreg $0x0  }
0xb0: {  	[dreg:$0x4] =	wrdreg $0xA0000  }
0xb1: {  	[dreg:$0x5] =	wrdreg $0x9  }
0xb2: {  	_ =	task.clear_ibuf [dreg:s6], $0x6FFFF;
	_ =	strace $0x90000046  }
0xb3: {  	s29 =	simm.s32 $0x9;
	_ =	strace $0x80000048  }
0xb4: {  	_ =	swait.ge [sflag:s29], $0x1  }
0xb5: {  	[sflag:s29] =	ssyncadd.s32 $0xFFFFFFFF  }
0xb6: {  	_ =	strace $0x90000048  }
0xb7: {  	_ =	sfence  }
0xb8: {  	s30 =	sld [smem:$0x0];
	_ =	sdelay $0x2  }
0xb9: {  	s31 =	sshll.u32 s1, $0xD;
	s1 =	sshrl.u32 s1, $0x2  }
0xba: {  	s3 =	sand.u32 $0x4000, s31;
	s1 =	sadd.s32 s1, s30  }
0xbb: {  	s0 =	sor.u32 s3, s0;
	s1 =	sshll.u32 s1, $0x11  }
0xbc: {  	s0 =	sor.u32 s1, s0  }
0xbd: {  	s0 =	sadd.s32 $0x8F2B, s0  }
0xbe: {  	[sflag:s0] =	ssyncadd.remote.s32 $0x1  }
0xbf: {  	_ =	sfence.sel $0xFFFF  }
0xc0: {  	[dreg:$0x0] =	wrdreg $0xFFFFFFFF;
	(pc) =	sbr.abs _section_cstart, $3  }
0xc1: {  	[dreg:$0x1] =	wrdreg $0xFFFFFFFF  }
0xc2: {  	_ =	task.clear_ibuf [dreg:s6], $0x2FFFF;
	_ =	strace $0x9FFFFFFF  }
0xc3: {  	(tm) =	ssettm $0x7FFFFFFF  }
tec
execute0_lowered:
.L_overlay_start_1:
0x0: {  	(tag) =	ssettag $0x1  }
0x1: {  	s0 =	rddreg [dreg:$0x0]  }
0x2: {  	s1 =	srdreg.scid;
	s11 =	stileid.u32  }
0x3: {  	s2 =	rddreg [dreg:$0x1];
	s6 =	smul.u32 $0x1F400, s11  }
0x4: {  	s3 =	rddreg [dreg:$0x2];
	s4 =	simm.s32 $0x0;
	s18 =	smul.u32 $0x14000, s11  }
0x5: {  	s28 =	simm.s32 $0x1;
	s29 =	simm.s32 $0x14080;
	s9 =	smul.u32 $0x7D000, s11  }
0x6: {  	s30 =	simm.s32 $0x1A800;
	s31 =	simm.s32 $0x2;
	s20 =	smul.u32 $0x50000, s11  }
0x7: {  	s1 =	sand.u32 $0x1, s1;
	[smem:$0x7FF] =	sst s4;
	s11 =	smul.u32 $0x5000, s11  }
0x8: {  	s8 =	sadd.s32 $0x2400, s0;
	s19 =	sadd.s32 $0xC400, s0;
	s5 =	smul.u32 $0x138800, s1  }
0x9: {  	s7 =	smul.u32 $0x140000, s1;
	_ =	strace $0x80000047;
	s1 =	ssub.s32 $0x2, s1  }
0xa: {  	s10 =	sshrl.u32 s1, $0x1;
	s9 =	sshrl.u32 s9, $0x2;
	s21 =	sshrl.u32 s11, $0x3  }
0xb: {  	s11 =	stileid.u32;
	s5 =	sadd.s32 s6, s5;
	s6 =	sadd.s32 s18, s7  }
0xc: {  	s1 =	ssub.s32 s1, s10;
	s9 =	sadd.s32 s9, s2;
	s22 =	sadd.s32 s8, s21  }
0xd: {  	s23 =	sadd.s32 s19, s21;
	s24 =	sadd.s32 $0x280, s21;
	s25 =	sadd.s32 $0x500, s21  }
0xe: {  	p0 =	sgt.u32 s11, $0x9;
	s7 =	simm.s32 $0x4;
	[dreg:$0x5] =	wrdreg s22  }
0xf: {  	s5 =	sshrl.u32 s5, $0x3;
	s6 =	sshrl.u32 s6, $0x3;
	[dreg:$0x6] =	wrdreg s23  }
0x10: {  	s12 =	sadd.s32 s8, s24;
	s10 =	sadd.s32 s19, s24;
	s26 =	sadd.s32 s8, s25  }
0x11: {  	s16 =	smax.u32 s1, $0x1;
	s22 =	simm.s32 $0x16800;
	s23 =	simm.s32 $0x5  }
0x12: {  	s24 =	simm.s32 $0x14000;
	s1 =	simm.s32 $0x15480;
	[dreg:$0x7] =	wrdreg s12  }
0x13: {  	s5 =	sadd.s32 s5, s0;
	s0 =	sadd.s32 s6, s0;
	[dreg:$0x8] =	wrdreg s10  }
0x14: {  	s6 =	sshrl.u32 s20, $0x2;
	[dreg:$0x9] =	wrdreg s26;
	s12 =	sadd.s32 s19, s25  }
0x15: {  	s25 =	simm.s32 $0x15400;
	s26 =	simm.s32 $0x7D;
	s5 =	sadd.s32 $0x16400, s5  }
.Ltmp0:
0x16: {  	s6 =	sadd.s32 s6, s3;
	s15 =	sadd.s32 $0x64600, s0;
	(pc) =	sbr.rel .LBB2_1-.Ltmp0, $4  }
0x17: {  	s0 =	simm.s32 $0x14100;
	[dreg:$0x4] =	wrdreg s5;
	s5 =	sadd.s32 $0x780, s21  }
0x18: {  	s17 =	sadd.s32 $0x4000, s6;
	s18 =	sadd.s32 $0x8000, s6;
	s20 =	sadd.s32 $0x10000, s6  }
0x19: {  	s21 =	sshrl.u32 @!p0 s9, $0x3;
	s13 =	sadd.s32 s8, s5;
	s14 =	sadd.s32 s19, s5  }
0x1a: {  	v0 =	vimm.f32 $0.0e+00;
	s19 =	sadd.s32 $0xC000, s6;
	s5 =	simm.s32 $0x3;
	s8 =	simm.s32 $0x0  }
.LBB2_15:
0x1b: {  	_ =	swait.ge [sflag:s7], $0x1F40;
	s11 =	stileid.u32  }
0x1c: {  	s10 =	sshrl.u32 s6, $0x3;
	s8 =	sadd.s32 $0x1, s8;
	[sflag:s7] =	ssyncset.done $0x0  }
0x1d: {  	s9 =	sshll.u32 s11, $0x6;
	p1 =	sne.s32 s8, s16;
	[sflag:s7] =	ssyncadd.s32 $0xFFFFE0C0  }
.Ltmp1:
0x1e: {  	s9 =	sor.u32 $0x1C05, s9;
	[bflag:$0x0] =	sbarrier.arrive $0xFFFF;
	(pc) =	sbr.rel @!p1 .LBB2_16-.Ltmp1, $4  }
0x1f: {  	[hbm:s15], [sflag:s9] =	dma.local [spmem:s10], $0x2800  }
0x20: {  	_ =	swait.ge [sflag:s23], $0x2800  }
0x21: {  	[sflag:s23] =	ssyncset.done $0x0  }
0x22: {  	[sflag:s23] =	ssyncadd.s32 $0xFFFFD800  }
.LBB2_1:
0x23: {  	s9 =	sshll.u32 @!p0 s11, $0x6  }
0x24: {  	s10 =	rddreg [dreg:$0x4];
	s9 =	sor.u32 @!p0 $0x1C05, s9  }
0x25: {  	[spmem:s21], [sflag:s9] =	dma.local @!p0 [hbm:s10], $0x3E80  }
0x26: {  	s9 =	simm.s32 @!p0 $0x5  }
0x27: {  	_ =	swait.ge @!p0 [sflag:s9], $0x3E80  }
0x28: {  	[sflag:s9] =	ssyncset.done @!p0 $0x0  }
0x29: {  	s10 =	simm.s32 $0x200;
	[sflag:s9] =	ssyncadd.s32 @!p0 $0xFFFFC180;
	s9 =	simm.s32 $0x0  }
.LBB2_2:
0x2a: {  	p1 =	sne.s32 s10, $0xFE00;
	[tilespmem:s9+$0x16830] =	vst v0;
	s11 =	smov.u32 s10;
	s10 =	sadd.s32 $0x200, s10  }
.Ltmp2:
0x2b: {  	[tilespmem:s9+$0x16820] =	vst v0;
	(pc) =	sbr.rel @p1 .LBB2_2-.Ltmp2, $3  }
0x2c: {  	[tilespmem:s9+$0x16800] =	vst v0  }
0x2d: {  	[tilespmem:s9+$0x16810] =	vst v0;
	_ =	sdelay $0x1  }
0x2e: {  	s9 =	sshra.s32 s11, $0x2  }
0x2f: {  	[tilespmem:s9+$0x16830] =	vst v0  }
0x30: {  	[tilespmem:s9+$0x16820] =	vst v0  }
0x31: {  	[tilespmem:s9+$0x16800] =	vst v0  }
0x32: {  	[tilespmem:s9+$0x16810] =	vst v0  }
0x33: {  	[spmem:s6] =	stream.linear.scatter [tilespmem:s22], [sflag:$0x5], $0x4000, $0x38;
	[tilespmem:$0x1E800] =	vst v63  }
0x34: {  	_ =	swait.ge [sflag:s23], $0x4000  }
0x35: {  	[sflag:s23] =	ssyncset.done $0x0  }
0x36: {  	[sflag:s23] =	ssyncadd.s32 $0xFFFFC000  }
0x37: {  	[spmem:s17] =	stream.linear.scatter [tilespmem:s22], [sflag:$0x5], $0x4000, $0x38;
	[tilespmem:$0x1E800] =	vst v63  }
0x38: {  	_ =	swait.ge [sflag:s23], $0x4000  }
0x39: {  	[sflag:s23] =	ssyncset.done $0x0  }
0x3a: {  	[sflag:s23] =	ssyncadd.s32 $0xFFFFC000  }
0x3b: {  	[spmem:s18] =	stream.linear.scatter [tilespmem:s22], [sflag:$0x5], $0x4000, $0x38;
	[tilespmem:$0x1E800] =	vst v63  }
0x3c: {  	_ =	swait.ge [sflag:s23], $0x4000  }
0x3d: {  	[sflag:s23] =	ssyncset.done $0x0  }
0x3e: {  	[sflag:s23] =	ssyncadd.s32 $0xFFFFC000  }
0x3f: {  	[spmem:s19] =	stream.linear.scatter [tilespmem:s22], [sflag:$0x5], $0x4000, $0x38;
	[tilespmem:$0x1E800] =	vst v63  }
0x40: {  	_ =	swait.ge [sflag:s23], $0x4000  }
0x41: {  	[sflag:s23] =	ssyncset.done $0x0  }
0x42: {  	[sflag:s23] =	ssyncadd.s32 $0xFFFFC000  }
0x43: {  	[spmem:s20] =	stream.linear.scatter [tilespmem:s22], [sflag:$0x5], $0x4000, $0x38;
	[tilespmem:$0x1E800] =	vst v63  }
0x44: {  	_ =	swait.ge [sflag:s23], $0x4000  }
0x45: {  	[sflag:s23] =	ssyncset.done $0x0  }
0x46: {  	[sflag:s23] =	ssyncadd.s32 $0xFFFFC000  }
0x47: {  	[bflag:$0x0] =	sbarrier.arrive $0xFFFF  }
0x48: {  	s10 =	rddreg [dreg:$0x5]  }
0x49: {  	[tilespmem:s24], [sflag:$0x5] =	stream.linear.gather [hbm4b:s10+s4], $0x1400, $0x38;
	[tilespmem:$0x1E800] =	vst v63  }
0x4a: {  	_ =	swait.ge [sflag:s23], $0x1400  }
0x4b: {  	[sflag:s23] =	ssyncset.done $0x0  }
0x4c: {  	s11 =	rddreg [dreg:$0x6];
	[sflag:s23] =	ssyncadd.s32 $0xFFFFEC00  }
0x4d: {  	[tilespmem:s25], [sflag:$0x5] =	stream.linear.gather [hbm4b:s11+s4], $0x1400, $0x38;
	[tilespmem:$0x1E800] =	vst v63  }
0x4e: {  	_ =	swait.ge [sflag:s23], $0x1400  }
0x4f: {  	[sflag:s23] =	ssyncset.done $0x0  }
0x50: {  	[sflag:s23] =	ssyncadd.s32 $0xFFFFEC00  }
0x51: {  	[tilespmem:s22], [sflag:$0x1] =	stream.indirect.gather [spmem:s2], $0x40, s24, s26, $0xb8;
	[tilespmem:$0x1E800] =	vst v63  }
0x52: {  	_ =	swait.ge [sflag:s28], $0x1F40  }
0x53: {  	[sflag:s28] =	ssyncset.done $0x0  }
0x54: {  	[sflag:s28] =	ssyncadd.s32 $0xFFFFE0C0  }
0x55: {  	[spmem:s3] =	stream.indirect.scatter.add.f32 [tilespmem:s22], [sflag:$0x3], $0x40, s25, s26, $0xb8;
	[tilespmem:$0x1E800] =	vst v63  }
0x56: {  	_ = 	snop  }
0x57: {  	[tilespmem:s30], [sflag:$0x2] =	stream.indirect.gather [spmem:s2], $0x40, s29, s26, $0xb8;
	[tilespmem:$0x1E800] =	vst v63  }
0x58: {  	_ =	swait.ge [sflag:s31], $0x1F40  }
0x59: {  	[sflag:s31] =	ssyncset.done $0x0  }
0x5a: {  	[sflag:s31] =	ssyncadd.s32 $0xFFFFE0C0  }
0x5b: {  	[spmem:s3] =	stream.indirect.scatter.add.f32 [tilespmem:s30], [sflag:$0x4], $0x40, s1, s26, $0xb8;
	[tilespmem:$0x1E800] =	vst v63  }
0x5c: {  	_ =	swait.ge [sflag:s5], $0x1F40  }
0x5d: {  	[sflag:s5] =	ssyncset.done $0x0  }
0x5e: {  	s9 =	simm.s32 $0xFFFFB800;
	[sflag:s5] =	ssyncadd.s32 $0xFFFFE0C0  }
0x5f: {  	[tilespmem:s22], [sflag:$0x1] =	stream.indirect.gather [spmem:s2], $0x40, s0, s26, $0xb8;
	[tilespmem:$0x1E800] =	vst v63  }
.LBB2_4:
0x60: {  	_ =	swait.ge [sflag:s28], $0x1F40  }
0x61: {  	s10 =	sshra.s32 s9, $0x2;
	[sflag:s28] =	ssyncset.done $0x0  }
0x62: {  	s11 =	sadd.s32 $0x16700, s10;
	[sflag:s28] =	ssyncadd.s32 $0xFFFFE0C0  }
0x63: {  	[spmem:s3] =	stream.indirect.scatter.add.f32 [tilespmem:s22], [sflag:$0x3], $0x40, s11, s26, $0xb8;
	[tilespmem:$0x1E800] =	vst v63  }
0x64: {  	_ =	swait.ge [sflag:s7], $0x1F40  }
0x65: {  	[sflag:s7] =	ssyncset.done $0x0  }
0x66: {  	s11 =	sadd.s32 $0x15380, s10;
	[sflag:s7] =	ssyncadd.s32 $0xFFFFE0C0  }
0x67: {  	[tilespmem:s30], [sflag:$0x2] =	stream.indirect.gather [spmem:s2], $0x40, s11, s26, $0xb8;
	[tilespmem:$0x1E800] =	vst v63  }
0x68: {  	_ =	swait.ge [sflag:s31], $0x1F40  }
0x69: {  	p1 =	seq.s32 s9, $0x0;
	[sflag:s31] =	ssyncset.done $0x0  }
.Ltmp3:
0x6a: {  	s11 =	sadd.s32 $0x16780, s10;
	[sflag:s31] =	ssyncadd.s32 $0xFFFFE0C0;
	(pc) =	sbr.rel @p1 .LBB2_6-.Ltmp3, $4  }
0x6b: {  	[spmem:s3] =	stream.indirect.scatter.add.f32 [tilespmem:s30], [sflag:$0x4], $0x40, s11, s26, $0xb8;
	[tilespmem:$0x1E800] =	vst v63  }
0x6c: {  	_ =	swait.ge [sflag:s5], $0x1F40  }
0x6d: {  	[sflag:s5] =	ssyncset.done $0x0  }
0x6e: {  	[sflag:s5] =	ssyncadd.s32 $0xFFFFE0C0  }
.Ltmp4:
0x6f: {  	(pc) =	sbr.rel .LBB2_4-.Ltmp4, $3  }
0x70: {  	_ =	sdelay $0x1  }
0x71: {  	s10 =	sadd.s32 $0x15400, s10;
	s9 =	sadd.s32 $0x400, s9  }
0x72: {  	[tilespmem:s22], [sflag:$0x1] =	stream.indirect.gather [spmem:s2], $0x40, s10, s26, $0xb8;
	[tilespmem:$0x1E800] =	vst v63  }
.LBB2_6:
0x73: {  	_ =	swait.ge [sflag:s7], $0x1F40  }
0x74: {  	[sflag:s7] =	ssyncset.done $0x0  }
0x75: {  	s9 =	rddreg [dreg:$0x7];
	[sflag:s7] =	ssyncadd.s32 $0xFFFFE0C0  }
0x76: {  	[tilespmem:s24], [sflag:$0x5] =	stream.linear.gather [hbm4b:s9+s4], $0x1400, $0x38;
	[tilespmem:$0x1E800] =	vst v63  }
0x77: {  	_ =	swait.ge [sflag:s23], $0x1400  }
0x78: {  	[sflag:s23] =	ssyncset.done $0x0  }
0x79: {  	s11 =	rddreg [dreg:$0x8];
	[sflag:s23] =	ssyncadd.s32 $0xFFFFEC00  }
0x7a: {  	[tilespmem:s25], [sflag:$0x5] =	stream.linear.gather [hbm4b:s11+s4], $0x1400, $0x38;
	[tilespmem:$0x1E800] =	vst v63  }
0x7b: {  	_ =	swait.ge [sflag:s23], $0x1400  }
0x7c: {  	[sflag:s23] =	ssyncset.done $0x0  }
0x7d: {  	[sflag:s23] =	ssyncadd.s32 $0xFFFFEC00  }
0x7e: {  	[tilespmem:s22], [sflag:$0x1] =	stream.indirect.gather [spmem:s2], $0x40, s24, s26, $0xb8;
	[tilespmem:$0x1E800] =	vst v63  }
0x7f: {  	_ =	swait.ge [sflag:s28], $0x1F40  }
0x80: {  	[sflag:s28] =	ssyncset.done $0x0  }
0x81: {  	[sflag:s28] =	ssyncadd.s32 $0xFFFFE0C0  }
0x82: {  	[spmem:s3] =	stream.indirect.scatter.add.f32 [tilespmem:s22], [sflag:$0x3], $0x40, s25, s26, $0xb8;
	[tilespmem:$0x1E800] =	vst v63  }
0x83: {  	_ = 	snop  }
0x84: {  	[tilespmem:s30], [sflag:$0x2] =	stream.indirect.gather [spmem:s2], $0x40, s29, s26, $0xb8;
	[tilespmem:$0x1E800] =	vst v63  }
0x85: {  	_ =	swait.ge [sflag:s31], $0x1F40  }
0x86: {  	[sflag:s31] =	ssyncset.done $0x0  }
0x87: {  	[sflag:s31] =	ssyncadd.s32 $0xFFFFE0C0  }
0x88: {  	[spmem:s3] =	stream.indirect.scatter.add.f32 [tilespmem:s30], [sflag:$0x4], $0x40, s1, s26, $0xb8;
	[tilespmem:$0x1E800] =	vst v63  }
0x89: {  	_ =	swait.ge [sflag:s5], $0x1F40  }
0x8a: {  	[sflag:s5] =	ssyncset.done $0x0  }
0x8b: {  	s9 =	simm.s32 $0xFFFFB800;
	[sflag:s5] =	ssyncadd.s32 $0xFFFFE0C0  }
0x8c: {  	[tilespmem:s22], [sflag:$0x1] =	stream.indirect.gather [spmem:s2], $0x40, s0, s26, $0xb8;
	[tilespmem:$0x1E800] =	vst v63  }
.LBB2_7:
0x8d: {  	_ =	swait.ge [sflag:s28], $0x1F40  }
0x8e: {  	s10 =	sshra.s32 s9, $0x2;
	[sflag:s28] =	ssyncset.done $0x0  }
0x8f: {  	s11 =	sadd.s32 $0x16700, s10;
	[sflag:s28] =	ssyncadd.s32 $0xFFFFE0C0  }
0x90: {  	[spmem:s3] =	stream.indirect.scatter.add.f32 [tilespmem:s22], [sflag:$0x3], $0x40, s11, s26, $0xb8;
	[tilespmem:$0x1E800] =	vst v63  }
0x91: {  	_ =	swait.ge [sflag:s7], $0x1F40  }
0x92: {  	[sflag:s7] =	ssyncset.done $0x0  }
0x93: {  	s11 =	sadd.s32 $0x15380, s10;
	[sflag:s7] =	ssyncadd.s32 $0xFFFFE0C0  }
0x94: {  	[tilespmem:s30], [sflag:$0x2] =	stream.indirect.gather [spmem:s2], $0x40, s11, s26, $0xb8;
	[tilespmem:$0x1E800] =	vst v63  }
0x95: {  	_ =	swait.ge [sflag:s31], $0x1F40  }
0x96: {  	p1 =	seq.s32 s9, $0x0;
	[sflag:s31] =	ssyncset.done $0x0  }
.Ltmp5:
0x97: {  	s11 =	sadd.s32 $0x16780, s10;
	[sflag:s31] =	ssyncadd.s32 $0xFFFFE0C0;
	(pc) =	sbr.rel @p1 .LBB2_9-.Ltmp5, $4  }
0x98: {  	[spmem:s3] =	stream.indirect.scatter.add.f32 [tilespmem:s30], [sflag:$0x4], $0x40, s11, s26, $0xb8;
	[tilespmem:$0x1E800] =	vst v63  }
0x99: {  	_ =	swait.ge [sflag:s5], $0x1F40  }
0x9a: {  	[sflag:s5] =	ssyncset.done $0x0  }
0x9b: {  	[sflag:s5] =	ssyncadd.s32 $0xFFFFE0C0  }
.Ltmp6:
0x9c: {  	(pc) =	sbr.rel .LBB2_7-.Ltmp6, $3  }
0x9d: {  	_ =	sdelay $0x1  }
0x9e: {  	s10 =	sadd.s32 $0x15400, s10;
	s9 =	sadd.s32 $0x400, s9  }
0x9f: {  	[tilespmem:s22], [sflag:$0x1] =	stream.indirect.gather [spmem:s2], $0x40, s10, s26, $0xb8;
	[tilespmem:$0x1E800] =	vst v63  }
.LBB2_9:
0xa0: {  	_ =	swait.ge [sflag:s7], $0x1F40  }
0xa1: {  	[sflag:s7] =	ssyncset.done $0x0  }
0xa2: {  	s9 =	rddreg [dreg:$0x9];
	[sflag:s7] =	ssyncadd.s32 $0xFFFFE0C0  }
0xa3: {  	[tilespmem:s24], [sflag:$0x5] =	stream.linear.gather [hbm4b:s9+s4], $0x1400, $0x38;
	[tilespmem:$0x1E800] =	vst v63  }
0xa4: {  	_ =	swait.ge [sflag:s23], $0x1400  }
0xa5: {  	[sflag:s23] =	ssyncset.done $0x0  }
0xa6: {  	[sflag:s23] =	ssyncadd.s32 $0xFFFFEC00  }
0xa7: {  	[tilespmem:s25], [sflag:$0x5] =	stream.linear.gather [hbm4b:s12+s4], $0x1400, $0x38;
	[tilespmem:$0x1E800] =	vst v63  }
0xa8: {  	_ =	swait.ge [sflag:s23], $0x1400  }
0xa9: {  	[sflag:s23] =	ssyncset.done $0x0  }
0xaa: {  	[sflag:s23] =	ssyncadd.s32 $0xFFFFEC00  }
0xab: {  	[tilespmem:s22], [sflag:$0x1] =	stream.indirect.gather [spmem:s2], $0x40, s24, s26, $0xb8;
	[tilespmem:$0x1E800] =	vst v63  }
0xac: {  	_ =	swait.ge [sflag:s28], $0x1F40  }
0xad: {  	[sflag:s28] =	ssyncset.done $0x0  }
0xae: {  	[sflag:s28] =	ssyncadd.s32 $0xFFFFE0C0  }
0xaf: {  	[spmem:s3] =	stream.indirect.scatter.add.f32 [tilespmem:s22], [sflag:$0x3], $0x40, s25, s26, $0xb8;
	[tilespmem:$0x1E800] =	vst v63  }
0xb0: {  	_ = 	snop  }
0xb1: {  	[tilespmem:s30], [sflag:$0x2] =	stream.indirect.gather [spmem:s2], $0x40, s29, s26, $0xb8;
	[tilespmem:$0x1E800] =	vst v63  }
0xb2: {  	_ =	swait.ge [sflag:s31], $0x1F40  }
0xb3: {  	[sflag:s31] =	ssyncset.done $0x0  }
0xb4: {  	[sflag:s31] =	ssyncadd.s32 $0xFFFFE0C0  }
0xb5: {  	[spmem:s3] =	stream.indirect.scatter.add.f32 [tilespmem:s30], [sflag:$0x4], $0x40, s1, s26, $0xb8;
	[tilespmem:$0x1E800] =	vst v63  }
0xb6: {  	_ =	swait.ge [sflag:s5], $0x1F40  }
0xb7: {  	[sflag:s5] =	ssyncset.done $0x0  }
0xb8: {  	s9 =	simm.s32 $0xFFFFB800;
	[sflag:s5] =	ssyncadd.s32 $0xFFFFE0C0  }
0xb9: {  	[tilespmem:s22], [sflag:$0x1] =	stream.indirect.gather [spmem:s2], $0x40, s0, s26, $0xb8;
	[tilespmem:$0x1E800] =	vst v63  }
.LBB2_10:
0xba: {  	_ =	swait.ge [sflag:s28], $0x1F40  }
0xbb: {  	s10 =	sshra.s32 s9, $0x2;
	[sflag:s28] =	ssyncset.done $0x0  }
0xbc: {  	s11 =	sadd.s32 $0x16700, s10;
	[sflag:s28] =	ssyncadd.s32 $0xFFFFE0C0  }
0xbd: {  	[spmem:s3] =	stream.indirect.scatter.add.f32 [tilespmem:s22], [sflag:$0x3], $0x40, s11, s26, $0xb8;
	[tilespmem:$0x1E800] =	vst v63  }
0xbe: {  	_ =	swait.ge [sflag:s7], $0x1F40  }
0xbf: {  	[sflag:s7] =	ssyncset.done $0x0  }
0xc0: {  	s11 =	sadd.s32 $0x15380, s10;
	[sflag:s7] =	ssyncadd.s32 $0xFFFFE0C0  }
0xc1: {  	[tilespmem:s30], [sflag:$0x2] =	stream.indirect.gather [spmem:s2], $0x40, s11, s26, $0xb8;
	[tilespmem:$0x1E800] =	vst v63  }
0xc2: {  	_ =	swait.ge [sflag:s31], $0x1F40  }
0xc3: {  	p1 =	seq.s32 s9, $0x0;
	[sflag:s31] =	ssyncset.done $0x0  }
.Ltmp7:
0xc4: {  	s11 =	sadd.s32 $0x16780, s10;
	[sflag:s31] =	ssyncadd.s32 $0xFFFFE0C0;
	(pc) =	sbr.rel @p1 .LBB2_12-.Ltmp7, $4  }
0xc5: {  	[spmem:s3] =	stream.indirect.scatter.add.f32 [tilespmem:s30], [sflag:$0x4], $0x40, s11, s26, $0xb8;
	[tilespmem:$0x1E800] =	vst v63  }
0xc6: {  	_ =	swait.ge [sflag:s5], $0x1F40  }
0xc7: {  	[sflag:s5] =	ssyncset.done $0x0  }
0xc8: {  	[sflag:s5] =	ssyncadd.s32 $0xFFFFE0C0  }
.Ltmp8:
0xc9: {  	(pc) =	sbr.rel .LBB2_10-.Ltmp8, $3  }
0xca: {  	_ =	sdelay $0x1  }
0xcb: {  	s10 =	sadd.s32 $0x15400, s10;
	s9 =	sadd.s32 $0x400, s9  }
0xcc: {  	[tilespmem:s22], [sflag:$0x1] =	stream.indirect.gather [spmem:s2], $0x40, s10, s26, $0xb8;
	[tilespmem:$0x1E800] =	vst v63  }
.LBB2_12:
0xcd: {  	_ =	swait.ge [sflag:s7], $0x1F40  }
0xce: {  	[sflag:s7] =	ssyncset.done $0x0  }
0xcf: {  	[sflag:s7] =	ssyncadd.s32 $0xFFFFE0C0  }
0xd0: {  	[tilespmem:s24], [sflag:$0x5] =	stream.linear.gather [hbm4b:s13+s4], $0x1400, $0x38;
	[tilespmem:$0x1E800] =	vst v63  }
0xd1: {  	_ =	swait.ge [sflag:s23], $0x1400  }
0xd2: {  	[sflag:s23] =	ssyncset.done $0x0  }
0xd3: {  	[sflag:s23] =	ssyncadd.s32 $0xFFFFEC00  }
0xd4: {  	[tilespmem:s25], [sflag:$0x5] =	stream.linear.gather [hbm4b:s14+s4], $0x1400, $0x38;
	[tilespmem:$0x1E800] =	vst v63  }
0xd5: {  	_ =	swait.ge [sflag:s23], $0x1400  }
0xd6: {  	[sflag:s23] =	ssyncset.done $0x0  }
0xd7: {  	[sflag:s23] =	ssyncadd.s32 $0xFFFFEC00  }
0xd8: {  	[tilespmem:s22], [sflag:$0x1] =	stream.indirect.gather [spmem:s2], $0x40, s24, s26, $0xb8;
	[tilespmem:$0x1E800] =	vst v63  }
0xd9: {  	_ =	swait.ge [sflag:s28], $0x1F40  }
0xda: {  	[sflag:s28] =	ssyncset.done $0x0  }
0xdb: {  	[sflag:s28] =	ssyncadd.s32 $0xFFFFE0C0  }
0xdc: {  	[spmem:s3] =	stream.indirect.scatter.add.f32 [tilespmem:s22], [sflag:$0x3], $0x40, s25, s26, $0xb8;
	[tilespmem:$0x1E800] =	vst v63  }
0xdd: {  	_ = 	snop  }
0xde: {  	[tilespmem:s30], [sflag:$0x2] =	stream.indirect.gather [spmem:s2], $0x40, s29, s26, $0xb8;
	[tilespmem:$0x1E800] =	vst v63  }
0xdf: {  	_ =	swait.ge [sflag:s31], $0x1F40  }
0xe0: {  	[sflag:s31] =	ssyncset.done $0x0  }
0xe1: {  	[sflag:s31] =	ssyncadd.s32 $0xFFFFE0C0  }
0xe2: {  	[spmem:s3] =	stream.indirect.scatter.add.f32 [tilespmem:s30], [sflag:$0x4], $0x40, s1, s26, $0xb8;
	[tilespmem:$0x1E800] =	vst v63  }
0xe3: {  	_ =	swait.ge [sflag:s5], $0x1F40  }
0xe4: {  	[sflag:s5] =	ssyncset.done $0x0  }
0xe5: {  	s9 =	simm.s32 $0xFFFFB800;
	[sflag:s5] =	ssyncadd.s32 $0xFFFFE0C0  }
0xe6: {  	[tilespmem:s22], [sflag:$0x1] =	stream.indirect.gather [spmem:s2], $0x40, s0, s26, $0xb8;
	[tilespmem:$0x1E800] =	vst v63  }
.LBB2_13:
0xe7: {  	_ =	swait.ge [sflag:s28], $0x1F40  }
0xe8: {  	s10 =	sshra.s32 s9, $0x2;
	[sflag:s28] =	ssyncset.done $0x0  }
0xe9: {  	s11 =	sadd.s32 $0x16700, s10;
	[sflag:s28] =	ssyncadd.s32 $0xFFFFE0C0  }
0xea: {  	[spmem:s3] =	stream.indirect.scatter.add.f32 [tilespmem:s22], [sflag:$0x3], $0x40, s11, s26, $0xb8;
	[tilespmem:$0x1E800] =	vst v63  }
0xeb: {  	_ =	swait.ge [sflag:s7], $0x1F40  }
0xec: {  	[sflag:s7] =	ssyncset.done $0x0  }
0xed: {  	s11 =	sadd.s32 $0x15380, s10;
	[sflag:s7] =	ssyncadd.s32 $0xFFFFE0C0  }
0xee: {  	[tilespmem:s30], [sflag:$0x2] =	stream.indirect.gather [spmem:s2], $0x40, s11, s26, $0xb8;
	[tilespmem:$0x1E800] =	vst v63  }
0xef: {  	_ =	swait.ge [sflag:s31], $0x1F40  }
0xf0: {  	p1 =	seq.s32 s9, $0x0;
	[sflag:s31] =	ssyncset.done $0x0  }
.Ltmp9:
0xf1: {  	s11 =	sadd.s32 $0x16780, s10;
	[sflag:s31] =	ssyncadd.s32 $0xFFFFE0C0;
	(pc) =	sbr.rel @p1 .LBB2_15-.Ltmp9, $4  }
0xf2: {  	[spmem:s3] =	stream.indirect.scatter.add.f32 [tilespmem:s30], [sflag:$0x4], $0x40, s11, s26, $0xb8;
	[tilespmem:$0x1E800] =	vst v63  }
0xf3: {  	_ =	swait.ge [sflag:s5], $0x1F40  }
0xf4: {  	[sflag:s5] =	ssyncset.done $0x0  }
0xf5: {  	[sflag:s5] =	ssyncadd.s32 $0xFFFFE0C0  }
.Ltmp10:
0xf6: {  	(pc) =	sbr.rel .LBB2_13-.Ltmp10, $3  }
0xf7: {  	_ =	sdelay $0x1  }
0xf8: {  	s10 =	sadd.s32 $0x15400, s10;
	s9 =	sadd.s32 $0x400, s9  }
0xf9: {  	[tilespmem:s22], [sflag:$0x1] =	stream.indirect.gather [spmem:s2], $0x40, s10, s26, $0xb8;
	[tilespmem:$0x1E800] =	vst v63  }
.LBB2_16:
0xfa: {  	_ =	sfence.sel $0x180000  }
0xfb: {  	[bflag:$0x0] =	sbarrier.arrive $0xFFFF  }
0xfc: {  	_ =	strace $0x90000047  }
0xfd: {  	[bflag:$0x2] =	sbarrier.arrive $0xFFFF  }
0xfe: {  	p0 =	sne.s32 s11, $0x0;
	s0 =	rddreg [dreg:$0x3]  }
0xff: {  	s0 =	sadd.s32 @!p0 $0x100000, s0  }
0x100: {  	[sflag:s0] =	ssyncadd.tile.s32 @!p0 $0x1;
	_ =	shalt  }
.Lfunc_end2:
_tile_overlayer_lowered:
.L_overlay_start_2:
0x101: {  	(tag) =	ssettag $0x2  }
0x102: {  	s0 =	rddreg [dreg:$0x0];
	s2 =	stileid.u32  }
0x103: {  	s1 =	rddreg [dreg:$0x1];
	p0 =	sne.s32 s2, $0x0  }
0x104: {  	s3 =	rddreg [dreg:$0x2];
	[bflag:$0x3] =	sbarrier.arrive $0xFFFF;
	s2 =	simm.s32 @!p0 $0x1C05  }
0x105: {  	[timem:s3], [sflag:s2] =	dma.local @!p0 [hbm:s0], s1  }
0x106: {  	s0 =	simm.s32 @!p0 $0x5  }
0x107: {  	_ =	swait.ge @!p0 [sflag:s0], s1  }
0x108: {  	s1 =	ssub.s32 @!p0 $0x0, s1;
	[sflag:s0] =	ssyncset.done @!p0 $0x0  }
0x109: {  	[sflag:s0] =	ssyncadd.s32 @!p0 s1  }
0x10a: {  	[bflag:$0x3] =	sbarrier.arrive $0xFFFF  }
0x10b: {  	_ =	shalt  }

// kernel: kernel.9.cloned.1.call-start
scs
__scs_entry_jumppad:
0x0: {  	(pc) =	sbr.rel $0x88, $3  }
0x1: {  	(tag) =	ssettag $0x0;
	lr =	simm.s32 $0x1  }
0x2: {  	[smem:$0x3F96] =	sst lr;
	_ =	strace $0xD0000000  }
0x3: {  	_ = 	snop  }
0x4: {  	_ = 	snop  }
0x5: {  	_ = 	snop  }
0x6: {  	_ = 	snop  }
0x7: {  	_ = 	snop  }
__scs_overlays_trampoline_lowered:
0x8: {  	[smem:$0x3FA5] =	sst s0  }
0x9: {  	[smem:$0x3FA6] =	sst s1  }
0xa: {  	[smem:$0x3FA7] =	sst s2  }
0xb: {  	[smem:$0x3FA8] =	sst s3  }
0xc: {  	[smem:$0x3FA9] =	sst s4  }
0xd: {  	[smem:$0x3FAA] =	sst s5  }
0xe: {  	[smem:$0x3FAB] =	sst s6  }
0xf: {  	[smem:$0x3FAC] =	sst s7  }
0x10: {  	[smem:$0x3FAD] =	sst s8  }
0x11: {  	[smem:$0x3FAE] =	sst s9;
	s0 =	simm.s32 @!p0 $0x0  }
0x12: {  	s1 =	sld [smem:$0x3F94];
	s0 =	simm.s32 @p0 $0x1  }
0x13: {  	[smem:$0x3FAF] =	sst s0;
	s0 =	simm.s32 @!p1 $0x0  }
0x14: {  	s2 =	sld [smem:$0x3F93];
	s0 =	simm.s32 @p1 $0x1  }
0x15: {  	[smem:$0x3FB0] =	sst s0;
	s0 =	simm.s32 @!p2 $0x0  }
0x16: {  	s3 =	sld [smem:$0x3FDB];
	s0 =	simm.s32 @p2 $0x1  }
0x17: {  	s4 =	simm.s32 $0x1BF5;
	[smem:$0x3FB2] =	sst s0  }
0x18: {  	s0 =	sld [smem:$0x3F95];
	_ =	swait.ge [sflag:s4], $0x0  }
0x19: {  	s7 =	sld [smem:$0x3F96]  }
0x1a: {  	s8 =	sadd.s32 $0xFFFFE003, lr  }
0x1b: {  	s9 =	sadd.s32 $0xFFFFFEF7, lr;
	s5 =	simm.s32 $0xFFFFFFFF;
	p2 =	slt.u32 s8, $0xFFFFF086  }
0x1c: {  	p1 =	slt.u32 s9, $0xF7A;
	s5 =	simm.s32 @!p2 $0x0  }
0x1d: {  	s5 =	simm.s32 @p1 $0x1;
	p0 =	seq.s32 s7, s2  }
0x1e: {  	s7 =	smul.u32 @!p0 $0xF7A, s2;
	p2 =	seq.s32 @!p0 s5, $0x0  }
0x1f: {  	s9 =	smul.u32 $0xF7A, s1;
	s8 =	simm.s32 @!p0 $0x1BF5;
	p2 =	por !p2, p0  }
0x20: {  	[sflag:s8] =	ssyncset.s32 @!p0 $0xFFFFF086;
	s6 =	sadd.s32 @!p0 s3, s7;
	s7 =	simm.s32 @!p0 $0x108  }
0x21: {  	s3 =	sadd.s32 s3, s9;
	s6 =	sadd.s32 @!p0 $0x88, s6;
	s7 =	simm.s32 @p2 $0x1082  }
0x22: {  	[simem:s7], [sflag:s8] =	dma.local @!p0 [hbm:s6], $0xF7A  }
0x23: {  	s9 =	sor.u32 $0xD0000000, s2;
	s6 =	simm.s32 $0x108;
	_ =	swait.ge @!p0 [sflag:s8], $0x0  }
0x24: {  	s3 =	sadd.s32 $0x88, s3;
	s6 =	simm.s32 @!p1 $0x1082;
	[sflag:s4] =	ssyncset.s32 $0xFFFFF086  }
0x25: {  	[simem:s6], [sflag:s4] =	dma.local [hbm:s3], $0xF7A  }
0x26: {  	[smem:$0x3F96] =	sst s1;
	(tag) =	ssettag s2;
	_ =	strace s9  }
0x27: {  	s1 =	sld [smem:$0x3FA6]  }
0x28: {  	s2 =	sld [smem:$0x3FA7]  }
0x29: {  	s4 =	sld [smem:$0x3FA9]  }
0x2a: {  	p0 =	seq.s32 s5, $0x0;
	s5 =	sld [smem:$0x3FAA]  }
0x2b: {  	s6 =	sld [smem:$0x3FAB]  }
0x2c: {  	s7 =	sld [smem:$0x3FAC]  }
0x2d: {  	s3 =	simm.s32 $0x108;
	s8 =	sld [smem:$0x3FAD]  }
0x2e: {  	s3 =	simm.s32 @!p0 $0x1082;
	s9 =	sld [smem:$0x3FAE]  }
0x2f: {  	lr =	sadd.s32 s0, s3;
	s0 =	sld [smem:$0x3FA5]  }
0x30: {  	s3 =	sld [smem:$0x3FA8]  }
0x31: {  	[smem:$0x3FB1] =	sst s10  }
0x32: {  	s10 =	sld [smem:$0x3FAF];
	_ =	sdelay $0x3  }
0x33: {  	p0 =	seq.s32 s10, $0x1;
	s10 =	sld [smem:$0x3FB1];
	_ =	sdelay $0x3  }
0x34: {  	[smem:$0x3FB1] =	sst s10  }
0x35: {  	s10 =	sld [smem:$0x3FB0];
	_ =	sdelay $0x3  }
0x36: {  	p1 =	seq.s32 s10, $0x1;
	s10 =	sld [smem:$0x3FB1];
	_ =	sdelay $0x3  }
0x37: {  	[smem:$0x3FB1] =	sst s10  }
0x38: {  	s10 =	sld [smem:$0x3FB2]  }
0x39: {  	_ = 	snop;
	(pc) =	sbr.ind lr, $3  }
0x3a: {  	_ = 	snop  }
0x3b: {  	_ = 	snop  }
0x3c: {  	p2 =	seq.s32 s10, $0x1;
	s10 =	sld [smem:$0x3FB1]  }
0x3d: {  	_ =	shalt  }
0x3e: {  	_ =	shalt  }
0x3f: {  	_ =	shalt  }
0x40: {  	_ =	shalt  }
0x41: {  	_ =	shalt  }
0x42: {  	_ =	shalt  }
0x43: {  	_ =	shalt  }
0x44: {  	_ =	shalt  }
0x45: {  	_ =	shalt  }
0x46: {  	_ =	shalt  }
0x47: {  	_ =	shalt  }
0x48: {  	_ =	shalt  }
0x49: {  	_ =	shalt  }
0x4a: {  	_ =	shalt  }
0x4b: {  	_ =	shalt  }
0x4c: {  	_ =	shalt  }
0x4d: {  	_ =	shalt  }
0x4e: {  	_ =	shalt  }
0x4f: {  	_ =	shalt  }
0x50: {  	_ =	shalt  }
0x51: {  	_ =	shalt  }
0x52: {  	_ =	shalt  }
0x53: {  	_ =	shalt  }
0x54: {  	_ =	shalt  }
0x55: {  	_ =	shalt  }
0x56: {  	_ =	shalt  }
0x57: {  	_ =	shalt  }
0x58: {  	_ =	shalt  }
0x59: {  	_ =	shalt  }
0x5a: {  	_ =	shalt  }
0x5b: {  	_ =	shalt  }
0x5c: {  	_ =	shalt  }
0x5d: {  	_ =	shalt  }
0x5e: {  	_ =	shalt  }
0x5f: {  	_ =	shalt  }
0x60: {  	_ =	shalt  }
0x61: {  	_ =	shalt  }
0x62: {  	_ =	shalt  }
0x63: {  	_ =	shalt  }
0x64: {  	_ =	shalt  }
0x65: {  	_ =	shalt  }
0x66: {  	_ =	shalt  }
0x67: {  	_ =	shalt  }
0x68: {  	_ =	shalt  }
0x69: {  	_ =	shalt  }
0x6a: {  	_ =	shalt  }
0x6b: {  	_ =	shalt  }
0x6c: {  	_ =	shalt  }
0x6d: {  	_ =	shalt  }
0x6e: {  	_ =	shalt  }
0x6f: {  	_ =	shalt  }
0x70: {  	_ =	shalt  }
0x71: {  	_ =	shalt  }
0x72: {  	_ =	shalt  }
0x73: {  	_ =	shalt  }
0x74: {  	_ =	shalt  }
0x75: {  	_ =	shalt  }
0x76: {  	_ =	shalt  }
0x77: {  	_ =	shalt  }
0x78: {  	_ =	shalt  }
0x79: {  	_ =	shalt  }
0x7a: {  	_ =	shalt  }
0x7b: {  	_ =	shalt  }
0x7c: {  	_ =	shalt  }
0x7d: {  	_ =	shalt  }
0x7e: {  	_ =	shalt  }
0x7f: {  	_ =	shalt  }
0x80: {  	_ =	shalt  }
0x81: {  	_ =	shalt  }
0x82: {  	_ =	shalt  }
0x83: {  	_ =	shalt  }
0x84: {  	_ =	shalt  }
0x85: {  	_ =	shalt  }
0x86: {  	_ =	shalt  }
0x87: {  	_ =	shalt  }
.Lfunc_end0:
.L_simem_size_0:
called_computation.1_lowered:
.L_overlay_start_0:
0x88: {  	s2 =	sld [smem:$0x3FD9]  }
0x89: {  	s3 =	sld [smem:$0x3FFE];
	_ =	sdelay $0x1  }
0x8a: {  	s1 =	srdreg.scid  }
0x8b: {  	s0 =	sand.u32 $0x1, s1  }
0x8c: {  	s16 =	sshll.u32 s0, $0xA;
	s2 =	sadd.s32 s3, s2  }
0x8d: {  	s2 =	sadd.s32 s2, s16  }
0x8e: {  	[smem:$0x3FBD] =	sst s2  }
0x8f: {  	_ = 	snop  }
0x90: {  	(tm) =	ssettm $0x1  }
0x91: {  	s17 =	sld [smem:$0x3FFB];
	_ =	sdelay $0x3  }
0x92: {  	_ =	strace s17  }
0x93: {  	s2 =	sld [smem:$0x3FFC];
	_ =	sdelay $0x3  }
0x94: {  	_ =	strace s2  }
0x95: {  	s2 =	sld [smem:$0x3FFD];
	_ =	sdelay $0x3  }
0x96: {  	_ =	strace s2  }
0x97: {  	_ =	strace $0x8FFFFFFF  }
0x98: {  	s18 =	sld [smem:$0x3FDB];
	_ =	sdelay $0x1  }
0x99: {  	s19 =	simm.s32 $_scs_section_size  }
0x9a: {  	s4 =	simm.s32 $_size__tile_overlayer_lowered;
	s5 =	simm.s32 $_tile_overlayer_lowered  }
0x9b: {  	s22 =	simm.s32 $0x1BFF;
	s21 =	sshll.u32 s5, $0x1;
	s2 =	sadd.s32 s19, s18  }
0x9c: {  	s6 =	simm.s32 $0x0;
	s20 =	sshll.u32 s4, $0x1;
	s4 =	sadd.s32 s21, s2  }
0x9d: {  	[timem:s6], [sflag:s22] =	dma.local [hbm:s4], s20  }
0x9e: {  	_ =	swait.ge [sflag:s22], s20  }
0x9f: {  	s3 =	ssub.s32 $0x0, s20;
	[sflag:s22] =	ssyncset.done $0x0  }
0xa0: {  	[sflag:s22] =	ssyncadd.s32 s3;
	_ =	sdelay $0x1  }
0xa1: {  	s23 =	simm.s32 $0x1B8B  }
0xa2: {  	_ =	swait.ge [sflag:s23], $0x1  }
0xa3: {  	[sflag:s23] =	ssyncset.done $0x0  }
0xa4: {  	s25 =	simm.s32 $0x1B8E;
	s24 =	sld [smem:$0x3FFE];
	[sflag:s23] =	ssyncadd.s32 $0xFFFFFFFF  }
0xa5: {  	s26 =	simm.s32 $execute0_lowered;
	[smem:$0x3FD2] =	sst s25  }
0xa6: {  	s4 =	sshll.u32 s26, $0x1;
	_ =	strace $0x80000049;
	[dreg:$0x1] =	wrdreg $0xFFFFFFFF  }
0xa7: {  	s28 =	simm.s32 $_size_execute0_lowered;
	s2 =	sadd.s32 s2, s4;
	[dreg:$0x0] =	wrdreg $0x0  }
0xa8: {  	s4 =	sshll.u32 s28, $0x1;
	[dreg:$0x2] =	wrdreg s2  }
0xa9: {  	[dreg:$0x3] =	wrdreg s4  }
0xaa: {  	[dreg:$0x4] =	wrdreg $0xC0  }
0xab: {  	_ =	task [dreg:s6], $0x5FFFF  }
0xac: {  	[dreg:$0x1] =	wrdreg $0xFFFFFFFF  }
0xad: {  	[dreg:$0x0] =	wrdreg $0x60  }
0xae: {  	[dreg:$0x2] =	wrdreg s24  }
0xaf: {  	[dreg:$0x3] =	wrdreg $0x0  }
0xb0: {  	[dreg:$0x4] =	wrdreg $0xA0000  }
0xb1: {  	[dreg:$0x5] =	wrdreg $0x9  }
0xb2: {  	_ =	task.clear_ibuf [dreg:s6], $0x6FFFF;
	_ =	strace $0x90000049  }
0xb3: {  	s29 =	simm.s32 $0x9;
	_ =	strace $0x8000004B  }
0xb4: {  	_ =	swait.ge [sflag:s29], $0x1  }
0xb5: {  	[sflag:s29] =	ssyncadd.s32 $0xFFFFFFFF  }
0xb6: {  	_ =	strace $0x9000004B  }
0xb7: {  	_ =	sfence  }
0xb8: {  	s30 =	sld [smem:$0x0];
	_ =	sdelay $0x2  }
0xb9: {  	s31 =	sshll.u32 s1, $0xD;
	s1 =	sshrl.u32 s1, $0x2  }
0xba: {  	s3 =	sand.u32 $0x4000, s31;
	s1 =	sadd.s32 s1, s30  }
0xbb: {  	s0 =	sor.u32 s3, s0;
	s1 =	sshll.u32 s1, $0x11  }
0xbc: {  	s0 =	sor.u32 s1, s0  }
0xbd: {  	s0 =	sadd.s32 $0x8F2B, s0  }
0xbe: {  	[sflag:s0] =	ssyncadd.remote.s32 $0x1  }
0xbf: {  	_ =	sfence.sel $0xFFFF  }
0xc0: {  	[dreg:$0x0] =	wrdreg $0xFFFFFFFF;
	(pc) =	sbr.abs _section_cstart, $3  }
0xc1: {  	[dreg:$0x1] =	wrdreg $0xFFFFFFFF  }
0xc2: {  	_ =	task.clear_ibuf [dreg:s6], $0x2FFFF;
	_ =	strace $0x9FFFFFFF  }
0xc3: {  	(tm) =	ssettm $0x7FFFFFFF  }
tec
execute0_lowered:
.L_overlay_start_1:
0x0: {  	(tag) =	ssettag $0x1  }
0x1: {  	s0 =	rddreg [dreg:$0x0]  }
0x2: {  	s1 =	srdreg.scid;
	s11 =	stileid.u32  }
0x3: {  	s2 =	rddreg [dreg:$0x1];
	s6 =	smul.u32 $0x1F400, s11  }
0x4: {  	s3 =	rddreg [dreg:$0x2];
	s4 =	simm.s32 $0x0;
	s18 =	smul.u32 $0x14000, s11  }
0x5: {  	s28 =	simm.s32 $0x1;
	s29 =	simm.s32 $0x14080;
	s9 =	smul.u32 $0x7D000, s11  }
0x6: {  	s30 =	simm.s32 $0x1A800;
	s31 =	simm.s32 $0x2;
	s20 =	smul.u32 $0x50000, s11  }
0x7: {  	s1 =	sand.u32 $0x1, s1;
	[smem:$0x7FF] =	sst s4;
	s11 =	smul.u32 $0x5000, s11  }
0x8: {  	s8 =	sadd.s32 $0x2400, s0;
	s19 =	sadd.s32 $0xC400, s0;
	s5 =	smul.u32 $0x138800, s1  }
0x9: {  	s7 =	smul.u32 $0x140000, s1;
	_ =	strace $0x8000004A;
	s1 =	ssub.s32 $0x2, s1  }
0xa: {  	s10 =	sshrl.u32 s1, $0x1;
	s9 =	sshrl.u32 s9, $0x2;
	s21 =	sshrl.u32 s11, $0x3  }
0xb: {  	s11 =	stileid.u32;
	s5 =	sadd.s32 s6, s5;
	s6 =	sadd.s32 s18, s7  }
0xc: {  	s1 =	ssub.s32 s1, s10;
	s9 =	sadd.s32 s9, s2;
	s22 =	sadd.s32 s8, s21  }
0xd: {  	s23 =	sadd.s32 s19, s21;
	s24 =	sadd.s32 $0x280, s21;
	s25 =	sadd.s32 $0x500, s21  }
0xe: {  	p0 =	sgt.u32 s11, $0x9;
	s7 =	simm.s32 $0x4;
	[dreg:$0x5] =	wrdreg s22  }
0xf: {  	s5 =	sshrl.u32 s5, $0x3;
	s6 =	sshrl.u32 s6, $0x3;
	[dreg:$0x6] =	wrdreg s23  }
0x10: {  	s12 =	sadd.s32 s8, s24;
	s10 =	sadd.s32 s19, s24;
	s26 =	sadd.s32 s8, s25  }
0x11: {  	s16 =	smax.u32 s1, $0x1;
	s22 =	simm.s32 $0x16800;
	s23 =	simm.s32 $0x5  }
0x12: {  	s24 =	simm.s32 $0x14000;
	s1 =	simm.s32 $0x15480;
	[dreg:$0x7] =	wrdreg s12  }
0x13: {  	s5 =	sadd.s32 s5, s0;
	s0 =	sadd.s32 s6, s0;
	[dreg:$0x8] =	wrdreg s10  }
0x14: {  	s6 =	sshrl.u32 s20, $0x2;
	[dreg:$0x9] =	wrdreg s26;
	s12 =	sadd.s32 s19, s25  }
0x15: {  	s25 =	simm.s32 $0x15400;
	s26 =	simm.s32 $0x7D;
	s5 =	sadd.s32 $0x16400, s5  }
.Ltmp0:
0x16: {  	s6 =	sadd.s32 s6, s3;
	s15 =	sadd.s32 $0x64600, s0;
	(pc) =	sbr.rel .LBB2_1-.Ltmp0, $4  }
0x17: {  	s0 =	simm.s32 $0x14100;
	[dreg:$0x4] =	wrdreg s5;
	s5 =	sadd.s32 $0x780, s21  }
0x18: {  	s17 =	sadd.s32 $0x4000, s6;
	s18 =	sadd.s32 $0x8000, s6;
	s20 =	sadd.s32 $0x10000, s6  }
0x19: {  	s21 =	sshrl.u32 @!p0 s9, $0x3;
	s13 =	sadd.s32 s8, s5;
	s14 =	sadd.s32 s19, s5  }
0x1a: {  	v0 =	vimm.f32 $0.0e+00;
	s19 =	sadd.s32 $0xC000, s6;
	s5 =	simm.s32 $0x3;
	s8 =	simm.s32 $0x0  }
.LBB2_15:
0x1b: {  	_ =	swait.ge [sflag:s7], $0x1F40;
	s11 =	stileid.u32  }
0x1c: {  	s10 =	sshrl.u32 s6, $0x3;
	s8 =	sadd.s32 $0x1, s8;
	[sflag:s7] =	ssyncset.done $0x0  }
0x1d: {  	s9 =	sshll.u32 s11, $0x6;
	p1 =	sne.s32 s8, s16;
	[sflag:s7] =	ssyncadd.s32 $0xFFFFE0C0  }
.Ltmp1:
0x1e: {  	s9 =	sor.u32 $0x1C05, s9;
	[bflag:$0x0] =	sbarrier.arrive $0xFFFF;
	(pc) =	sbr.rel @!p1 .LBB2_16-.Ltmp1, $4  }
0x1f: {  	[hbm:s15], [sflag:s9] =	dma.local [spmem:s10], $0x2800  }
0x20: {  	_ =	swait.ge [sflag:s23], $0x2800  }
0x21: {  	[sflag:s23] =	ssyncset.done $0x0  }
0x22: {  	[sflag:s23] =	ssyncadd.s32 $0xFFFFD800  }
.LBB2_1:
0x23: {  	s9 =	sshll.u32 @!p0 s11, $0x6  }
0x24: {  	s10 =	rddreg [dreg:$0x4];
	s9 =	sor.u32 @!p0 $0x1C05, s9  }
0x25: {  	[spmem:s21], [sflag:s9] =	dma.local @!p0 [hbm:s10], $0x3E80  }
0x26: {  	s9 =	simm.s32 @!p0 $0x5  }
0x27: {  	_ =	swait.ge @!p0 [sflag:s9], $0x3E80  }
0x28: {  	[sflag:s9] =	ssyncset.done @!p0 $0x0  }
0x29: {  	s10 =	simm.s32 $0x200;
	[sflag:s9] =	ssyncadd.s32 @!p0 $0xFFFFC180;
	s9 =	simm.s32 $0x0  }
.LBB2_2:
0x2a: {  	p1 =	sne.s32 s10, $0xFE00;
	[tilespmem:s9+$0x16830] =	vst v0;
	s11 =	smov.u32 s10;
	s10 =	sadd.s32 $0x200, s10  }
.Ltmp2:
0x2b: {  	[tilespmem:s9+$0x16820] =	vst v0;
	(pc) =	sbr.rel @p1 .LBB2_2-.Ltmp2, $3  }
0x2c: {  	[tilespmem:s9+$0x16800] =	vst v0  }
0x2d: {  	[tilespmem:s9+$0x16810] =	vst v0;
	_ =	sdelay $0x1  }
0x2e: {  	s9 =	sshra.s32 s11, $0x2  }
0x2f: {  	[tilespmem:s9+$0x16830] =	vst v0  }
0x30: {  	[tilespmem:s9+$0x16820] =	vst v0  }
0x31: {  	[tilespmem:s9+$0x16800] =	vst v0  }
0x32: {  	[tilespmem:s9+$0x16810] =	vst v0  }
0x33: {  	[spmem:s6] =	stream.linear.scatter [tilespmem:s22], [sflag:$0x5], $0x4000, $0x38;
	[tilespmem:$0x1E800] =	vst v63  }
0x34: {  	_ =	swait.ge [sflag:s23], $0x4000  }
0x35: {  	[sflag:s23] =	ssyncset.done $0x0  }
0x36: {  	[sflag:s23] =	ssyncadd.s32 $0xFFFFC000  }
0x37: {  	[spmem:s17] =	stream.linear.scatter [tilespmem:s22], [sflag:$0x5], $0x4000, $0x38;
	[tilespmem:$0x1E800] =	vst v63  }
0x38: {  	_ =	swait.ge [sflag:s23], $0x4000  }
0x39: {  	[sflag:s23] =	ssyncset.done $0x0  }
0x3a: {  	[sflag:s23] =	ssyncadd.s32 $0xFFFFC000  }
0x3b: {  	[spmem:s18] =	stream.linear.scatter [tilespmem:s22], [sflag:$0x5], $0x4000, $0x38;
	[tilespmem:$0x1E800] =	vst v63  }
0x3c: {  	_ =	swait.ge [sflag:s23], $0x4000  }
0x3d: {  	[sflag:s23] =	ssyncset.done $0x0  }
0x3e: {  	[sflag:s23] =	ssyncadd.s32 $0xFFFFC000  }
0x3f: {  	[spmem:s19] =	stream.linear.scatter [tilespmem:s22], [sflag:$0x5], $0x4000, $0x38;
	[tilespmem:$0x1E800] =	vst v63  }
0x40: {  	_ =	swait.ge [sflag:s23], $0x4000  }
0x41: {  	[sflag:s23] =	ssyncset.done $0x0  }
0x42: {  	[sflag:s23] =	ssyncadd.s32 $0xFFFFC000  }
0x43: {  	[spmem:s20] =	stream.linear.scatter [tilespmem:s22], [sflag:$0x5], $0x4000, $0x38;
	[tilespmem:$0x1E800] =	vst v63  }
0x44: {  	_ =	swait.ge [sflag:s23], $0x4000  }
0x45: {  	[sflag:s23] =	ssyncset.done $0x0  }
0x46: {  	[sflag:s23] =	ssyncadd.s32 $0xFFFFC000  }
0x47: {  	[bflag:$0x0] =	sbarrier.arrive $0xFFFF  }
0x48: {  	s10 =	rddreg [dreg:$0x5]  }
0x49: {  	[tilespmem:s24], [sflag:$0x5] =	stream.linear.gather [hbm4b:s10+s4], $0x1400, $0x38;
	[tilespmem:$0x1E800] =	vst v63  }
0x4a: {  	_ =	swait.ge [sflag:s23], $0x1400  }
0x4b: {  	[sflag:s23] =	ssyncset.done $0x0  }
0x4c: {  	s11 =	rddreg [dreg:$0x6];
	[sflag:s23] =	ssyncadd.s32 $0xFFFFEC00  }
0x4d: {  	[tilespmem:s25], [sflag:$0x5] =	stream.linear.gather [hbm4b:s11+s4], $0x1400, $0x38;
	[tilespmem:$0x1E800] =	vst v63  }
0x4e: {  	_ =	swait.ge [sflag:s23], $0x1400  }
0x4f: {  	[sflag:s23] =	ssyncset.done $0x0  }
0x50: {  	[sflag:s23] =	ssyncadd.s32 $0xFFFFEC00  }
0x51: {  	[tilespmem:s22], [sflag:$0x1] =	stream.indirect.gather [spmem:s2], $0x40, s24, s26, $0xb8;
	[tilespmem:$0x1E800] =	vst v63  }
0x52: {  	_ =	swait.ge [sflag:s28], $0x1F40  }
0x53: {  	[sflag:s28] =	ssyncset.done $0x0  }
0x54: {  	[sflag:s28] =	ssyncadd.s32 $0xFFFFE0C0  }
0x55: {  	[spmem:s3] =	stream.indirect.scatter.add.f32 [tilespmem:s22], [sflag:$0x3], $0x40, s25, s26, $0xb8;
	[tilespmem:$0x1E800] =	vst v63  }
0x56: {  	_ = 	snop  }
0x57: {  	[tilespmem:s30], [sflag:$0x2] =	stream.indirect.gather [spmem:s2], $0x40, s29, s26, $0xb8;
	[tilespmem:$0x1E800] =	vst v63  }
0x58: {  	_ =	swait.ge [sflag:s31], $0x1F40  }
0x59: {  	[sflag:s31] =	ssyncset.done $0x0  }
0x5a: {  	[sflag:s31] =	ssyncadd.s32 $0xFFFFE0C0  }
0x5b: {  	[spmem:s3] =	stream.indirect.scatter.add.f32 [tilespmem:s30], [sflag:$0x4], $0x40, s1, s26, $0xb8;
	[tilespmem:$0x1E800] =	vst v63  }
0x5c: {  	_ =	swait.ge [sflag:s5], $0x1F40  }
0x5d: {  	[sflag:s5] =	ssyncset.done $0x0  }
0x5e: {  	s9 =	simm.s32 $0xFFFFB800;
	[sflag:s5] =	ssyncadd.s32 $0xFFFFE0C0  }
0x5f: {  	[tilespmem:s22], [sflag:$0x1] =	stream.indirect.gather [spmem:s2], $0x40, s0, s26, $0xb8;
	[tilespmem:$0x1E800] =	vst v63  }
.LBB2_4:
0x60: {  	_ =	swait.ge [sflag:s28], $0x1F40  }
0x61: {  	s10 =	sshra.s32 s9, $0x2;
	[sflag:s28] =	ssyncset.done $0x0  }
0x62: {  	s11 =	sadd.s32 $0x16700, s10;
	[sflag:s28] =	ssyncadd.s32 $0xFFFFE0C0  }
0x63: {  	[spmem:s3] =	stream.indirect.scatter.add.f32 [tilespmem:s22], [sflag:$0x3], $0x40, s11, s26, $0xb8;
	[tilespmem:$0x1E800] =	vst v63  }
0x64: {  	_ =	swait.ge [sflag:s7], $0x1F40  }
0x65: {  	[sflag:s7] =	ssyncset.done $0x0  }
0x66: {  	s11 =	sadd.s32 $0x15380, s10;
	[sflag:s7] =	ssyncadd.s32 $0xFFFFE0C0  }
0x67: {  	[tilespmem:s30], [sflag:$0x2] =	stream.indirect.gather [spmem:s2], $0x40, s11, s26, $0xb8;
	[tilespmem:$0x1E800] =	vst v63  }
0x68: {  	_ =	swait.ge [sflag:s31], $0x1F40  }
0x69: {  	p1 =	seq.s32 s9, $0x0;
	[sflag:s31] =	ssyncset.done $0x0  }
.Ltmp3:
0x6a: {  	s11 =	sadd.s32 $0x16780, s10;
	[sflag:s31] =	ssyncadd.s32 $0xFFFFE0C0;
	(pc) =	sbr.rel @p1 .LBB2_6-.Ltmp3, $4  }
0x6b: {  	[spmem:s3] =	stream.indirect.scatter.add.f32 [tilespmem:s30], [sflag:$0x4], $0x40, s11, s26, $0xb8;
	[tilespmem:$0x1E800] =	vst v63  }
0x6c: {  	_ =	swait.ge [sflag:s5], $0x1F40  }
0x6d: {  	[sflag:s5] =	ssyncset.done $0x0  }
0x6e: {  	[sflag:s5] =	ssyncadd.s32 $0xFFFFE0C0  }
.Ltmp4:
0x6f: {  	(pc) =	sbr.rel .LBB2_4-.Ltmp4, $3  }
0x70: {  	_ =	sdelay $0x1  }
0x71: {  	s10 =	sadd.s32 $0x15400, s10;
	s9 =	sadd.s32 $0x400, s9  }
0x72: {  	[tilespmem:s22], [sflag:$0x1] =	stream.indirect.gather [spmem:s2], $0x40, s10, s26, $0xb8;
	[tilespmem:$0x1E800] =	vst v63  }
.LBB2_6:
0x73: {  	_ =	swait.ge [sflag:s7], $0x1F40  }
0x74: {  	[sflag:s7] =	ssyncset.done $0x0  }
0x75: {  	s9 =	rddreg [dreg:$0x7];
	[sflag:s7] =	ssyncadd.s32 $0xFFFFE0C0  }
0x76: {  	[tilespmem:s24], [sflag:$0x5] =	stream.linear.gather [hbm4b:s9+s4], $0x1400, $0x38;
	[tilespmem:$0x1E800] =	vst v63  }
0x77: {  	_ =	swait.ge [sflag:s23], $0x1400  }
0x78: {  	[sflag:s23] =	ssyncset.done $0x0  }
0x79: {  	s11 =	rddreg [dreg:$0x8];
	[sflag:s23] =	ssyncadd.s32 $0xFFFFEC00  }
0x7a: {  	[tilespmem:s25], [sflag:$0x5] =	stream.linear.gather [hbm4b:s11+s4], $0x1400, $0x38;
	[tilespmem:$0x1E800] =	vst v63  }
0x7b: {  	_ =	swait.ge [sflag:s23], $0x1400  }
0x7c: {  	[sflag:s23] =	ssyncset.done $0x0  }
0x7d: {  	[sflag:s23] =	ssyncadd.s32 $0xFFFFEC00  }
0x7e: {  	[tilespmem:s22], [sflag:$0x1] =	stream.indirect.gather [spmem:s2], $0x40, s24, s26, $0xb8;
	[tilespmem:$0x1E800] =	vst v63  }
0x7f: {  	_ =	swait.ge [sflag:s28], $0x1F40  }
0x80: {  	[sflag:s28] =	ssyncset.done $0x0  }
0x81: {  	[sflag:s28] =	ssyncadd.s32 $0xFFFFE0C0  }
0x82: {  	[spmem:s3] =	stream.indirect.scatter.add.f32 [tilespmem:s22], [sflag:$0x3], $0x40, s25, s26, $0xb8;
	[tilespmem:$0x1E800] =	vst v63  }
0x83: {  	_ = 	snop  }
0x84: {  	[tilespmem:s30], [sflag:$0x2] =	stream.indirect.gather [spmem:s2], $0x40, s29, s26, $0xb8;
	[tilespmem:$0x1E800] =	vst v63  }
0x85: {  	_ =	swait.ge [sflag:s31], $0x1F40  }
0x86: {  	[sflag:s31] =	ssyncset.done $0x0  }
0x87: {  	[sflag:s31] =	ssyncadd.s32 $0xFFFFE0C0  }
0x88: {  	[spmem:s3] =	stream.indirect.scatter.add.f32 [tilespmem:s30], [sflag:$0x4], $0x40, s1, s26, $0xb8;
	[tilespmem:$0x1E800] =	vst v63  }
0x89: {  	_ =	swait.ge [sflag:s5], $0x1F40  }
0x8a: {  	[sflag:s5] =	ssyncset.done $0x0  }
0x8b: {  	s9 =	simm.s32 $0xFFFFB800;
	[sflag:s5] =	ssyncadd.s32 $0xFFFFE0C0  }
0x8c: {  	[tilespmem:s22], [sflag:$0x1] =	stream.indirect.gather [spmem:s2], $0x40, s0, s26, $0xb8;
	[tilespmem:$0x1E800] =	vst v63  }
.LBB2_7:
0x8d: {  	_ =	swait.ge [sflag:s28], $0x1F40  }
0x8e: {  	s10 =	sshra.s32 s9, $0x2;
	[sflag:s28] =	ssyncset.done $0x0  }
0x8f: {  	s11 =	sadd.s32 $0x16700, s10;
	[sflag:s28] =	ssyncadd.s32 $0xFFFFE0C0  }
0x90: {  	[spmem:s3] =	stream.indirect.scatter.add.f32 [tilespmem:s22], [sflag:$0x3], $0x40, s11, s26, $0xb8;
	[tilespmem:$0x1E800] =	vst v63  }
0x91: {  	_ =	swait.ge [sflag:s7], $0x1F40  }
0x92: {  	[sflag:s7] =	ssyncset.done $0x0  }
0x93: {  	s11 =	sadd.s32 $0x15380, s10;
	[sflag:s7] =	ssyncadd.s32 $0xFFFFE0C0  }
0x94: {  	[tilespmem:s30], [sflag:$0x2] =	stream.indirect.gather [spmem:s2], $0x40, s11, s26, $0xb8;
	[tilespmem:$0x1E800] =	vst v63  }
0x95: {  	_ =	swait.ge [sflag:s31], $0x1F40  }
0x96: {  	p1 =	seq.s32 s9, $0x0;
	[sflag:s31] =	ssyncset.done $0x0  }
.Ltmp5:
0x97: {  	s11 =	sadd.s32 $0x16780, s10;
	[sflag:s31] =	ssyncadd.s32 $0xFFFFE0C0;
	(pc) =	sbr.rel @p1 .LBB2_9-.Ltmp5, $4  }
0x98: {  	[spmem:s3] =	stream.indirect.scatter.add.f32 [tilespmem:s30], [sflag:$0x4], $0x40, s11, s26, $0xb8;
	[tilespmem:$0x1E800] =	vst v63  }
0x99: {  	_ =	swait.ge [sflag:s5], $0x1F40  }
0x9a: {  	[sflag:s5] =	ssyncset.done $0x0  }
0x9b: {  	[sflag:s5] =	ssyncadd.s32 $0xFFFFE0C0  }
.Ltmp6:
0x9c: {  	(pc) =	sbr.rel .LBB2_7-.Ltmp6, $3  }
0x9d: {  	_ =	sdelay $0x1  }
0x9e: {  	s10 =	sadd.s32 $0x15400, s10;
	s9 =	sadd.s32 $0x400, s9  }
0x9f: {  	[tilespmem:s22], [sflag:$0x1] =	stream.indirect.gather [spmem:s2], $0x40, s10, s26, $0xb8;
	[tilespmem:$0x1E800] =	vst v63  }
.LBB2_9:
0xa0: {  	_ =	swait.ge [sflag:s7], $0x1F40  }
0xa1: {  	[sflag:s7] =	ssyncset.done $0x0  }
0xa2: {  	s9 =	rddreg [dreg:$0x9];
	[sflag:s7] =	ssyncadd.s32 $0xFFFFE0C0  }
0xa3: {  	[tilespmem:s24], [sflag:$0x5] =	stream.linear.gather [hbm4b:s9+s4], $0x1400, $0x38;
	[tilespmem:$0x1E800] =	vst v63  }
0xa4: {  	_ =	swait.ge [sflag:s23], $0x1400  }
0xa5: {  	[sflag:s23] =	ssyncset.done $0x0  }
0xa6: {  	[sflag:s23] =	ssyncadd.s32 $0xFFFFEC00  }
0xa7: {  	[tilespmem:s25], [sflag:$0x5] =	stream.linear.gather [hbm4b:s12+s4], $0x1400, $0x38;
	[tilespmem:$0x1E800] =	vst v63  }
0xa8: {  	_ =	swait.ge [sflag:s23], $0x1400  }
0xa9: {  	[sflag:s23] =	ssyncset.done $0x0  }
0xaa: {  	[sflag:s23] =	ssyncadd.s32 $0xFFFFEC00  }
0xab: {  	[tilespmem:s22], [sflag:$0x1] =	stream.indirect.gather [spmem:s2], $0x40, s24, s26, $0xb8;
	[tilespmem:$0x1E800] =	vst v63  }
0xac: {  	_ =	swait.ge [sflag:s28], $0x1F40  }
0xad: {  	[sflag:s28] =	ssyncset.done $0x0  }
0xae: {  	[sflag:s28] =	ssyncadd.s32 $0xFFFFE0C0  }
0xaf: {  	[spmem:s3] =	stream.indirect.scatter.add.f32 [tilespmem:s22], [sflag:$0x3], $0x40, s25, s26, $0xb8;
	[tilespmem:$0x1E800] =	vst v63  }
0xb0: {  	_ = 	snop  }
0xb1: {  	[tilespmem:s30], [sflag:$0x2] =	stream.indirect.gather [spmem:s2], $0x40, s29, s26, $0xb8;
	[tilespmem:$0x1E800] =	vst v63  }
0xb2: {  	_ =	swait.ge [sflag:s31], $0x1F40  }
0xb3: {  	[sflag:s31] =	ssyncset.done $0x0  }
0xb4: {  	[sflag:s31] =	ssyncadd.s32 $0xFFFFE0C0  }
0xb5: {  	[spmem:s3] =	stream.indirect.scatter.add.f32 [tilespmem:s30], [sflag:$0x4], $0x40, s1, s26, $0xb8;
	[tilespmem:$0x1E800] =	vst v63  }
0xb6: {  	_ =	swait.ge [sflag:s5], $0x1F40  }
0xb7: {  	[sflag:s5] =	ssyncset.done $0x0  }
0xb8: {  	s9 =	simm.s32 $0xFFFFB800;
	[sflag:s5] =	ssyncadd.s32 $0xFFFFE0C0  }
0xb9: {  	[tilespmem:s22], [sflag:$0x1] =	stream.indirect.gather [spmem:s2], $0x40, s0, s26, $0xb8;
	[tilespmem:$0x1E800] =	vst v63  }
.LBB2_10:
0xba: {  	_ =	swait.ge [sflag:s28], $0x1F40  }
0xbb: {  	s10 =	sshra.s32 s9, $0x2;
	[sflag:s28] =	ssyncset.done $0x0  }
0xbc: {  	s11 =	sadd.s32 $0x16700, s10;
	[sflag:s28] =	ssyncadd.s32 $0xFFFFE0C0  }
0xbd: {  	[spmem:s3] =	stream.indirect.scatter.add.f32 [tilespmem:s22], [sflag:$0x3], $0x40, s11, s26, $0xb8;
	[tilespmem:$0x1E800] =	vst v63  }
0xbe: {  	_ =	swait.ge [sflag:s7], $0x1F40  }
0xbf: {  	[sflag:s7] =	ssyncset.done $0x0  }
0xc0: {  	s11 =	sadd.s32 $0x15380, s10;
	[sflag:s7] =	ssyncadd.s32 $0xFFFFE0C0  }
0xc1: {  	[tilespmem:s30], [sflag:$0x2] =	stream.indirect.gather [spmem:s2], $0x40, s11, s26, $0xb8;
	[tilespmem:$0x1E800] =	vst v63  }
0xc2: {  	_ =	swait.ge [sflag:s31], $0x1F40  }
0xc3: {  	p1 =	seq.s32 s9, $0x0;
	[sflag:s31] =	ssyncset.done $0x0  }
.Ltmp7:
0xc4: {  	s11 =	sadd.s32 $0x16780, s10;
	[sflag:s31] =	ssyncadd.s32 $0xFFFFE0C0;
	(pc) =	sbr.rel @p1 .LBB2_12-.Ltmp7, $4  }
0xc5: {  	[spmem:s3] =	stream.indirect.scatter.add.f32 [tilespmem:s30], [sflag:$0x4], $0x40, s11, s26, $0xb8;
	[tilespmem:$0x1E800] =	vst v63  }
0xc6: {  	_ =	swait.ge [sflag:s5], $0x1F40  }
0xc7: {  	[sflag:s5] =	ssyncset.done $0x0  }
0xc8: {  	[sflag:s5] =	ssyncadd.s32 $0xFFFFE0C0  }
.Ltmp8:
0xc9: {  	(pc) =	sbr.rel .LBB2_10-.Ltmp8, $3  }
0xca: {  	_ =	sdelay $0x1  }
0xcb: {  	s10 =	sadd.s32 $0x15400, s10;
	s9 =	sadd.s32 $0x400, s9  }
0xcc: {  	[tilespmem:s22], [sflag:$0x1] =	stream.indirect.gather [spmem:s2], $0x40, s10, s26, $0xb8;
	[tilespmem:$0x1E800] =	vst v63  }
.LBB2_12:
0xcd: {  	_ =	swait.ge [sflag:s7], $0x1F40  }
0xce: {  	[sflag:s7] =	ssyncset.done $0x0  }
0xcf: {  	[sflag:s7] =	ssyncadd.s32 $0xFFFFE0C0  }
0xd0: {  	[tilespmem:s24], [sflag:$0x5] =	stream.linear.gather [hbm4b:s13+s4], $0x1400, $0x38;
	[tilespmem:$0x1E800] =	vst v63  }
0xd1: {  	_ =	swait.ge [sflag:s23], $0x1400  }
0xd2: {  	[sflag:s23] =	ssyncset.done $0x0  }
0xd3: {  	[sflag:s23] =	ssyncadd.s32 $0xFFFFEC00  }
0xd4: {  	[tilespmem:s25], [sflag:$0x5] =	stream.linear.gather [hbm4b:s14+s4], $0x1400, $0x38;
	[tilespmem:$0x1E800] =	vst v63  }
0xd5: {  	_ =	swait.ge [sflag:s23], $0x1400  }
0xd6: {  	[sflag:s23] =	ssyncset.done $0x0  }
0xd7: {  	[sflag:s23] =	ssyncadd.s32 $0xFFFFEC00  }
0xd8: {  	[tilespmem:s22], [sflag:$0x1] =	stream.indirect.gather [spmem:s2], $0x40, s24, s26, $0xb8;
	[tilespmem:$0x1E800] =	vst v63  }
0xd9: {  	_ =	swait.ge [sflag:s28], $0x1F40  }
0xda: {  	[sflag:s28] =	ssyncset.done $0x0  }
0xdb: {  	[sflag:s28] =	ssyncadd.s32 $0xFFFFE0C0  }
0xdc: {  	[spmem:s3] =	stream.indirect.scatter.add.f32 [tilespmem:s22], [sflag:$0x3], $0x40, s25, s26, $0xb8;
	[tilespmem:$0x1E800] =	vst v63  }
0xdd: {  	_ = 	snop  }
0xde: {  	[tilespmem:s30], [sflag:$0x2] =	stream.indirect.gather [spmem:s2], $0x40, s29, s26, $0xb8;
	[tilespmem:$0x1E800] =	vst v63  }
0xdf: {  	_ =	swait.ge [sflag:s31], $0x1F40  }
0xe0: {  	[sflag:s31] =	ssyncset.done $0x0  }
0xe1: {  	[sflag:s31] =	ssyncadd.s32 $0xFFFFE0C0  }
0xe2: {  	[spmem:s3] =	stream.indirect.scatter.add.f32 [tilespmem:s30], [sflag:$0x4], $0x40, s1, s26, $0xb8;
	[tilespmem:$0x1E800] =	vst v63  }
0xe3: {  	_ =	swait.ge [sflag:s5], $0x1F40  }
0xe4: {  	[sflag:s5] =	ssyncset.done $0x0  }
0xe5: {  	s9 =	simm.s32 $0xFFFFB800;
	[sflag:s5] =	ssyncadd.s32 $0xFFFFE0C0  }
0xe6: {  	[tilespmem:s22], [sflag:$0x1] =	stream.indirect.gather [spmem:s2], $0x40, s0, s26, $0xb8;
	[tilespmem:$0x1E800] =	vst v63  }
.LBB2_13:
0xe7: {  	_ =	swait.ge [sflag:s28], $0x1F40  }
0xe8: {  	s10 =	sshra.s32 s9, $0x2;
	[sflag:s28] =	ssyncset.done $0x0  }
0xe9: {  	s11 =	sadd.s32 $0x16700, s10;
	[sflag:s28] =	ssyncadd.s32 $0xFFFFE0C0  }
0xea: {  	[spmem:s3] =	stream.indirect.scatter.add.f32 [tilespmem:s22], [sflag:$0x3], $0x40, s11, s26, $0xb8;
	[tilespmem:$0x1E800] =	vst v63  }
0xeb: {  	_ =	swait.ge [sflag:s7], $0x1F40  }
0xec: {  	[sflag:s7] =	ssyncset.done $0x0  }
0xed: {  	s11 =	sadd.s32 $0x15380, s10;
	[sflag:s7] =	ssyncadd.s32 $0xFFFFE0C0  }
0xee: {  	[tilespmem:s30], [sflag:$0x2] =	stream.indirect.gather [spmem:s2], $0x40, s11, s26, $0xb8;
	[tilespmem:$0x1E800] =	vst v63  }
0xef: {  	_ =	swait.ge [sflag:s31], $0x1F40  }
0xf0: {  	p1 =	seq.s32 s9, $0x0;
	[sflag:s31] =	ssyncset.done $0x0  }
.Ltmp9:
0xf1: {  	s11 =	sadd.s32 $0x16780, s10;
	[sflag:s31] =	ssyncadd.s32 $0xFFFFE0C0;
	(pc) =	sbr.rel @p1 .LBB2_15-.Ltmp9, $4  }
0xf2: {  	[spmem:s3] =	stream.indirect.scatter.add.f32 [tilespmem:s30], [sflag:$0x4], $0x40, s11, s26, $0xb8;
	[tilespmem:$0x1E800] =	vst v63  }
0xf3: {  	_ =	swait.ge [sflag:s5], $0x1F40  }
0xf4: {  	[sflag:s5] =	ssyncset.done $0x0  }
0xf5: {  	[sflag:s5] =	ssyncadd.s32 $0xFFFFE0C0  }
.Ltmp10:
0xf6: {  	(pc) =	sbr.rel .LBB2_13-.Ltmp10, $3  }
0xf7: {  	_ =	sdelay $0x1  }
0xf8: {  	s10 =	sadd.s32 $0x15400, s10;
	s9 =	sadd.s32 $0x400, s9  }
0xf9: {  	[tilespmem:s22], [sflag:$0x1] =	stream.indirect.gather [spmem:s2], $0x40, s10, s26, $0xb8;
	[tilespmem:$0x1E800] =	vst v63  }
.LBB2_16:
0xfa: {  	_ =	sfence.sel $0x180000  }
0xfb: {  	[bflag:$0x0] =	sbarrier.arrive $0xFFFF  }
0xfc: {  	_ =	strace $0x9000004A  }
0xfd: {  	[bflag:$0x2] =	sbarrier.arrive $0xFFFF  }
0xfe: {  	p0 =	sne.s32 s11, $0x0;
	s0 =	rddreg [dreg:$0x3]  }
0xff: {  	s0 =	sadd.s32 @!p0 $0x100000, s0  }
0x100: {  	[sflag:s0] =	ssyncadd.tile.s32 @!p0 $0x1;
	_ =	shalt  }
.Lfunc_end2:
_tile_overlayer_lowered:
.L_overlay_start_2:
0x101: {  	(tag) =	ssettag $0x2  }
0x102: {  	s0 =	rddreg [dreg:$0x0];
	s2 =	stileid.u32  }
0x103: {  	s1 =	rddreg [dreg:$0x1];
	p0 =	sne.s32 s2, $0x0  }
0x104: {  	s3 =	rddreg [dreg:$0x2];
	[bflag:$0x3] =	sbarrier.arrive $0xFFFF;
	s2 =	simm.s32 @!p0 $0x1C05  }
0x105: {  	[timem:s3], [sflag:s2] =	dma.local @!p0 [hbm:s0], s1  }
0x106: {  	s0 =	simm.s32 @!p0 $0x5  }
0x107: {  	_ =	swait.ge @!p0 [sflag:s0], s1  }
0x108: {  	s1 =	ssub.s32 @!p0 $0x0, s1;
	[sflag:s0] =	ssyncset.done @!p0 $0x0  }
0x109: {  	[sflag:s0] =	ssyncadd.s32 @!p0 s1  }
0x10a: {  	[bflag:$0x3] =	sbarrier.arrive $0xFFFF  }
0x10b: {  	_ =	shalt  }

</sc_bundles>
